<compile_context>
chip_gen: v7x
topology: tpu7x:2x2x1
jax: 0.10.2.dev20260603
libtpu: 0.0.44.dev20260713+nightly
codegen_flags: <defaults>
</compile_context>

<pallas_src>
import functools

import jax
import jax.numpy as jnp
from jax import lax
from jax.experimental import pallas as pl
from jax.experimental.pallas import tpu as pltpu
from jax.experimental.pallas import tpu_sc as plsc

_MAXD = 128
_H = 16
_Q = 2048
_K = 2048
_EXT = 4096
_BANDP = 272
_BAND_LO = _Q - 1 - _MAXD
_NCLS = 16
_SLEN = 896
_SBASE = 1663


def _build_body(wt_hbm, eflat_hbm, band_v, e_v, sem):
    wid = lax.axis_index("s") * 2 + lax.axis_index("c")
    h = wid >> 1
    p = wid & 1

    pltpu.sync_copy(
        wt_hbm.at[pl.ds(pl.multiple_of(h * _BANDP, 8), _BANDP)], band_v
    )

    zeros = jnp.zeros((16,), jnp.float32)
    v_lo = zeros + band_v[pl.ds(0, 16)][0]
    v_hi = zeros + band_v[pl.ds(2 * _MAXD, 16)][0]

    for r in range(8):
        roff = r * _EXT

        def fill_lo(c, carry, roff=roff):
            e_v[pl.ds(roff + 1520 + c * 16, 16)] = v_lo
            return carry

        def fill_hi(c, carry, roff=roff):
            e_v[pl.ds(roff + 2176 + c * 16, 16)] = v_hi
            return carry

        lax.fori_loop(0, (1920 - 1520) // 16, fill_lo, 0)
        lax.fori_loop(0, (2560 - 2176) // 16, fill_hi, 0)
        for c in range(_BANDP // 16):
            e_v[pl.ds(roff + _BAND_LO - r + c * 16, 16)] = band_v[
                pl.ds(c * 16, 16)
            ]

    def emit(i, carry):
        ci = i >> 3
        j = i & 7
        cls = 2 * ci + p
        s0 = _SBASE - 8 * cls - j
        r = s0 & 7
        src = pl.multiple_of(r * _EXT + (s0 - r), 8)
        dst = pl.multiple_of(((h * _NCLS + cls) * 8 + j) * _SLEN, 8)
        pltpu.async_copy(
            e_v.at[pl.ds(src, _SLEN)], eflat_hbm.at[pl.ds(dst, _SLEN)], sem
        )

        @pl.when(i >= 4)
        def _wait_one():
            pltpu.make_async_copy(
                e_v.at[pl.ds(0, _SLEN)], eflat_hbm.at[pl.ds(0, _SLEN)], sem
            ).wait()

        return carry

    lax.fori_loop(0, 64, emit, 0)
    for _ in range(4):
        pltpu.make_async_copy(
            e_v.at[pl.ds(0, _SLEN)], eflat_hbm.at[pl.ds(0, _SLEN)], sem
        ).wait()


def _emit_body(s4_hbm, out_hbm, sv0, sv1, sv2, sv3, sem_in, sem_out):
    wid = lax.axis_index("s") * 2 + lax.axis_index("c")
    h = wid >> 1
    p = wid & 1
    svs = [sv0, sv1, sv2, sv3]

    def drain_outs(n, svs0=None):
        ref = svs0 if svs0 is not None else sv0

        def wait_one(i, carry):
            pltpu.make_async_copy(
                ref.at[:, pl.ds(0, 512)],
                out_hbm.at[0, 0].at[:, pl.ds(0, 512)],
                sem_out,
            ).wait()
            return carry

        lax.fori_loop(0, n, wait_one, 0)

    for ci in range(4):
        pltpu.async_copy(s4_hbm.at[h, 2 * ci + p], svs[ci], sem_in)

    for ci in range(8):
        sv = svs[ci % 4]
        cls = 2 * ci + p
        pltpu.make_async_copy(s4_hbm.at[0, 0], sv, sem_in).wait()

        def fire_t(t, carry, sv=sv, cls=cls):
            m = cls + 16 * t
            kw = jnp.clip(128 * (t - 1), 0, 1536)
            nlo = kw >> 7
            srcoff = pl.multiple_of(kw + 384 - 128 * t, 128)
            pltpu.async_copy(
                sv.at[:, pl.ds(srcoff, 512)],
                out_hbm.at[h, m].at[:, pl.ds(pl.multiple_of(kw, 128), 512)],
                sem_out,
            )

            def fire_const(d, carry2):
                islo = d < nlo
                dtile = jnp.where(islo, d, d + 4) * 128
                srcc = jnp.where(islo, 0, _SLEN - 128)
                pltpu.async_copy(
                    sv.at[:, pl.ds(pl.multiple_of(srcc, 128), 128)],
                    out_hbm.at[h, m].at[
                        :, pl.ds(pl.multiple_of(dtile, 128), 128)
                    ],
                    sem_out,
                )
                return carry2

            lax.fori_loop(0, 12, fire_const, 0)
            return carry

        lax.fori_loop(0, 16, fire_t, 0)

        if ci >= 3 and ci + 1 < 8:
            drain_outs(64)
            pltpu.async_copy(
                s4_hbm.at[h, 2 * (ci + 1) + p], svs[(ci + 1) % 4], sem_in
            )

    drain_outs(4 * 64)


def kernel(query_length, key_length, W):
    wt = jnp.concatenate(
        [W.T, jnp.broadcast_to(W.T[:, -1:], (_H, _BANDP - (2 * _MAXD + 1)))],
        axis=1,
    ).reshape(-1)
    mesh = plsc.VectorSubcoreMesh(core_axis_name="c", subcore_axis_name="s")

    build = functools.partial(
        pl.kernel,
        mesh=mesh,
        out_type=jax.ShapeDtypeStruct((_H * _NCLS * 8 * _SLEN,), jnp.float32),
        scratch_types=[
            pltpu.VMEM((_BANDP,), jnp.float32),
            pltpu.VMEM((8 * _EXT,), jnp.float32),
            pltpu.SemaphoreType.DMA,
        ],
    )(_build_body)
    s4 = build(wt).reshape(_H, _NCLS, 8, _SLEN)

    emit = functools.partial(
        pl.kernel,
        mesh=mesh,
        out_type=jax.ShapeDtypeStruct((_H, _Q // 8, 8, _K), jnp.float32),
        scratch_types=[
            pltpu.VMEM((8, _SLEN), jnp.float32),
            pltpu.VMEM((8, _SLEN), jnp.float32),
            pltpu.VMEM((8, _SLEN), jnp.float32),
            pltpu.VMEM((8, _SLEN), jnp.float32),
            pltpu.SemaphoreType.DMA,
            pltpu.SemaphoreType.DMA,
        ],
    )(_emit_body)
    out = emit(s4)
    return out.reshape(1, _H, _Q, _K)

# --- scband reference (transcript-rebuilt; emitter-appended) ---
"""Pipeline reference for scband-relative-position-bias-45603962749331 (READ-ONLY COPY).

The authoritative reference and input builder live on the scoring server;
editing this copy changes nothing except your own understanding.
"""

import jax, jax.numpy as jnp
import numpy as np

MAX_DISTANCE = 128
NUM_HEADS = 16
QUERY_LEN = 2048
KEY_LEN = 2048

def setup_inputs(seed: int = 0) -> dict:
    key = jax.random.key(seed)
    W = jax.random.normal(key, (2 * MAX_DISTANCE + 1, NUM_HEADS), dtype=jnp.float32) * 0.02
    return {"query_length": 2048, "key_length": 2048, "W": W}

def reference(query_length, key_length, W):
    # relative position matrix [q, k]
    range_vec = jnp.arange(KEY_LEN) + (key_length - KEY_LEN)
    range_matrix = jnp.broadcast_to(range_vec[None, :], (QUERY_LEN, KEY_LEN))
    offset = jnp.arange(QUERY_LEN)[:, None] + (query_length - QUERY_LEN)
    relative_positions = range_matrix - offset
    relative_positions = jnp.clip(relative_positions, -MAX_DISTANCE, MAX_DISTANCE)
    relative_positions = relative_positions + MAX_DISTANCE
    # embedding gather -> [q, k, H]
    bias = jnp.take(W, relative_positions, axis=0)
    # permute to [1, H, q, k]
    return jnp.transpose(bias, (2, 0, 1))[None, ...]

if __name__ == "__main__":
    import jax
    _d = setup_inputs()
    print(jax.jit(kernel)(*tuple(_d.values())))

</pallas_src>

<mosaic_0001>
#map = affine_map<(d0, d1) -> (0)>
module attributes {stable_mosaic.version = 14 : i64} {
  func.func @_build_body(%arg0: i32, %arg1: i32, %arg2: memref<4352xf32, #tpu.memory_space<hbm>>, %arg3: memref<1835008xf32, #tpu.memory_space<hbm>>, %arg4: memref<272xf32, #tpu.memory_space<vmem>>, %arg5: memref<32768xf32, #tpu.memory_space<vmem>>, %arg6: memref<!tpu.dma_semaphore, #tpu.memory_space<semaphore_mem>>) attributes {dimension_semantics = [#tpu.dimension_semantics<core_parallel>, #tpu.dimension_semantics<subcore_parallel>], iteration_bounds = array<i64: 2, 16>, scalar_prefetch = 0 : i64, scratch_operands = 3 : i64, tpu.core_type = #tpu.core_type<sc_vector_subcore>, window_params = [{transform_indices = #map}, {transform_indices = #map}]} {
    %mul3A = arith.constant 2 : i32
    %mul3A_0 = arith.muli %arg1, %mul3A : i32
    %add3A = arith.addi %mul3A_0, %arg0 : i32
    %shift_right_arithmetic3A = arith.constant 1 : i32
    %shift_right_arithmetic3A_1 = arith.shrsi %add3A, %shift_right_arithmetic3A : i32
    %and3A = arith.constant 1 : i32
    %and3A_2 = arith.andi %add3A, %and3A : i32
    %mul3A_3 = arith.constant 272 : i32
    %mul3A_4 = arith.muli %shift_right_arithmetic3A_1, %mul3A_3 : i32
    %multiple_of3A = tpu.assume_multiple %mul3A_4, 8 : i32
    "tpu.region"() ({
      %run_scoped3A = tpu.sem_alloc : memref<!tpu.dma_semaphore, #tpu.memory_space<semaphore_mem>>
      %dma_start3A = tpu.memref_slice %arg2[%multiple_of3A] : memref<4352xf32, #tpu.memory_space<hbm>> -> memref<272xf32, #tpu.memory_space<hbm>>
      %dma_start3A_1100 = tpu.memref_slice %arg2[%multiple_of3A] : memref<4352xf32, #tpu.memory_space<hbm>> -> memref<272xf32, #tpu.memory_space<hbm>>
      tpu.enqueue_dma source(%dma_start3A_1100 : memref<272xf32, #tpu.memory_space<hbm>>) target(%arg4 : memref<272xf32, #tpu.memory_space<vmem>>) target_semaphore(%run_scoped3A : memref<!tpu.dma_semaphore, #tpu.memory_space<semaphore_mem>>)
      %dma_wait3A_1101 = tpu.memref_slice %arg2[%multiple_of3A] : memref<4352xf32, #tpu.memory_space<hbm>> -> memref<272xf32, #tpu.memory_space<hbm>>
      %dma_wait3A_1102 = tpu.memref_slice %arg2[%multiple_of3A] : memref<4352xf32, #tpu.memory_space<hbm>> -> memref<272xf32, #tpu.memory_space<hbm>>
      tpu.wait_dma2 semaphore(%run_scoped3A : memref<!tpu.dma_semaphore, #tpu.memory_space<semaphore_mem>>) src(%dma_wait3A_1102 : memref<272xf32, #tpu.memory_space<hbm>>) dst(%arg4 : memref<272xf32, #tpu.memory_space<vmem>>)
      tpu.yield
    }) : () -> ()
    %broadcast_in_dim3A = arith.constant 0.000000e+00 : f32
    %broadcast_in_dim3A_5 = vector.broadcast %broadcast_in_dim3A : f32 to vector<16xf32>
    %get3A = arith.constant 0 : index
    %get3A_6 = tpu.vector_load %arg4[%get3A] {strides = array<i32>} : memref<272xf32, #tpu.memory_space<vmem>>, vector<16xf32>,
    %get3A_7 = vector.shape_cast %get3A_6 : vector<16xf32> to vector<16xf32>
    %slice3A = vector.extract_strided_slice %get3A_7 {offsets = [0], sizes = [1], strides = [1]} : vector<16xf32> to vector<1xf32>
    %squeeze3A = vector.extract %slice3A[0] : f32 from vector<1xf32>
    %add3A_8 = vector.broadcast %squeeze3A : f32 to vector<16xf32>
    %add3A_9 = arith.addf %broadcast_in_dim3A_5, %add3A_8 : vector<16xf32>
    %get3A_10 = arith.constant 256 : index
    %get3A_11 = tpu.vector_load %arg4[%get3A_10] {strides = array<i32>} : memref<272xf32, #tpu.memory_space<vmem>>, vector<16xf32>,
    %get3A_12 = vector.shape_cast %get3A_11 : vector<16xf32> to vector<16xf32>
    %slice3A_13 = vector.extract_strided_slice %get3A_12 {offsets = [0], sizes = [1], strides = [1]} : vector<16xf32> to vector<1xf32>
    %squeeze3A_14 = vector.extract %slice3A_13[0] : f32 from vector<1xf32>
    %add3A_15 = vector.broadcast %squeeze3A_14 : f32 to vector<16xf32>
    %add3A_16 = arith.addf %broadcast_in_dim3A_5, %add3A_15 : vector<16xf32>
    %scan3A = arith.constant 0 : i32
    %scan3A_17 = arith.constant 0 : i32
    %scan3A_18 = arith.constant 25 : i32
    %scan3A_19 = arith.addi %scan3A_17, %scan3A_18 : i32
    %scan3A_20 = arith.constant 1 : i32
    scf.for %scan3A_1100 = %scan3A_17 to %scan3A_19 step %scan3A_20  : i32 {
      %mul3A_1101 = arith.constant 16 : i32
      %mul3A_1102 = arith.muli %scan3A_1100, %mul3A_1101 : i32
      %add3A_1103 = arith.constant 1520 : i32
      %add3A_1104 = arith.addi %add3A_1103, %mul3A_1102 : i32
      %swap3A_1105 = arith.index_cast %add3A_1104 : i32 to index
      %swap3A_1106 = tpu.vector_load %arg5[%swap3A_1105] {strides = array<i32>} : memref<32768xf32, #tpu.memory_space<vmem>>, vector<16xf32>,
      %swap3A_1107 = vector.shape_cast %swap3A_1106 : vector<16xf32> to vector<16xf32>
      %swap3A_1108 = vector.shape_cast %add3A_9 : vector<16xf32> to vector<16xf32>
      tpu.vector_store %arg5[%swap3A_1105], %swap3A_1108 {strides = array<i32>} : memref<32768xf32, #tpu.memory_space<vmem>>, vector<16xf32>,
    }
    %scan3A_21 = arith.constant 25 : i32
    %scan3A_22 = arith.constant 0 : i32
    %scan3A_23 = arith.constant 0 : i32
    %scan3A_24 = arith.constant 24 : i32
    %scan3A_25 = arith.addi %scan3A_23, %scan3A_24 : i32
    %scan3A_26 = arith.constant 1 : i32
    scf.for %scan3A_1100 = %scan3A_23 to %scan3A_25 step %scan3A_26  : i32 {
      %mul3A_1101 = arith.constant 16 : i32
      %mul3A_1102 = arith.muli %scan3A_1100, %mul3A_1101 : i32
      %add3A_1103 = arith.constant 2176 : i32
      %add3A_1104 = arith.addi %add3A_1103, %mul3A_1102 : i32
      %swap3A_1105 = arith.index_cast %add3A_1104 : i32 to index
      %swap3A_1106 = tpu.vector_load %arg5[%swap3A_1105] {strides = array<i32>} : memref<32768xf32, #tpu.memory_space<vmem>>, vector<16xf32>,
      %swap3A_1107 = vector.shape_cast %swap3A_1106 : vector<16xf32> to vector<16xf32>
      %swap3A_1108 = vector.shape_cast %add3A_16 : vector<16xf32> to vector<16xf32>
      tpu.vector_store %arg5[%swap3A_1105], %swap3A_1108 {strides = array<i32>} : memref<32768xf32, #tpu.memory_space<vmem>>, vector<16xf32>,
    }
    %scan3A_27 = arith.constant 24 : i32
    %get3A_28 = arith.constant 0 : index
    %get3A_29 = tpu.vector_load %arg4[%get3A_28] {strides = array<i32>} : memref<272xf32, #tpu.memory_space<vmem>>, vector<16xf32>,
    %get3A_30 = vector.shape_cast %get3A_29 : vector<16xf32> to vector<16xf32>
    %swap3A = arith.constant 1919 : index
    %swap3A_31 = tpu.vector_load %arg5[%swap3A] {strides = array<i32>} : memref<32768xf32, #tpu.memory_space<vmem>>, vector<16xf32>,
    %swap3A_32 = vector.shape_cast %swap3A_31 : vector<16xf32> to vector<16xf32>
    %swap3A_33 = vector.shape_cast %get3A_30 : vector<16xf32> to vector<16xf32>
    tpu.vector_store %arg5[%swap3A], %swap3A_33 {strides = array<i32>} : memref<32768xf32, #tpu.memory_space<vmem>>, vector<16xf32>,
    %get3A_34 = arith.constant 16 : index
    %get3A_35 = tpu.vector_load %arg4[%get3A_34] {strides = array<i32>} : memref<272xf32, #tpu.memory_space<vmem>>, vector<16xf32>,
    %get3A_36 = vector.shape_cast %get3A_35 : vector<16xf32> to vector<16xf32>
    %swap3A_37 = arith.constant 1935 : index
    %swap3A_38 = tpu.vector_load %arg5[%swap3A_37] {strides = array<i32>} : memref<32768xf32, #tpu.memory_space<vmem>>, vector<16xf32>,
    %swap3A_39 = vector.shape_cast %swap3A_38 : vector<16xf32> to vector<16xf32>
    %swap3A_40 = vector.shape_cast %get3A_36 : vector<16xf32> to vector<16xf32>
    tpu.vector_store %arg5[%swap3A_37], %swap3A_40 {strides = array<i32>} : memref<32768xf32, #tpu.memory_space<vmem>>, vector<16xf32>,
    %get3A_41 = arith.constant 32 : index
    %get3A_42 = tpu.vector_load %arg4[%get3A_41] {strides = array<i32>} : memref<272xf32, #tpu.memory_space<vmem>>, vector<16xf32>,
    %get3A_43 = vector.shape_cast %get3A_42 : vector<16xf32> to vector<16xf32>
    %swap3A_44 = arith.constant 1951 : index
    %swap3A_45 = tpu.vector_load %arg5[%swap3A_44] {strides = array<i32>} : memref<32768xf32, #tpu.memory_space<vmem>>, vector<16xf32>,
    %swap3A_46 = vector.shape_cast %swap3A_45 : vector<16xf32> to vector<16xf32>
    %swap3A_47 = vector.shape_cast %get3A_43 : vector<16xf32> to vector<16xf32>
    tpu.vector_store %arg5[%swap3A_44], %swap3A_47 {strides = array<i32>} : memref<32768xf32, #tpu.memory_space<vmem>>, vector<16xf32>,
    %get3A_48 = arith.constant 48 : index
    %get3A_49 = tpu.vector_load %arg4[%get3A_48] {strides = array<i32>} : memref<272xf32, #tpu.memory_space<vmem>>, vector<16xf32>,
    %get3A_50 = vector.shape_cast %get3A_49 : vector<16xf32> to vector<16xf32>
    %swap3A_51 = arith.constant 1967 : index
    %swap3A_52 = tpu.vector_load %arg5[%swap3A_51] {strides = array<i32>} : memref<32768xf32, #tpu.memory_space<vmem>>, vector<16xf32>,
    %swap3A_53 = vector.shape_cast %swap3A_52 : vector<16xf32> to vector<16xf32>
    %swap3A_54 = vector.shape_cast %get3A_50 : vector<16xf32> to vector<16xf32>
    tpu.vector_store %arg5[%swap3A_51], %swap3A_54 {strides = array<i32>} : memref<32768xf32, #tpu.memory_space<vmem>>, vector<16xf32>,
    %get3A_55 = arith.constant 64 : index
    %get3A_56 = tpu.vector_load %arg4[%get3A_55] {strides = array<i32>} : memref<272xf32, #tpu.memory_space<vmem>>, vector<16xf32>,
    %get3A_57 = vector.shape_cast %get3A_56 : vector<16xf32> to vector<16xf32>
    %swap3A_58 = arith.constant 1983 : index
    %swap3A_59 = tpu.vector_load %arg5[%swap3A_58] {strides = array<i32>} : memref<32768xf32, #tpu.memory_space<vmem>>, vector<16xf32>,
    %swap3A_60 = vector.shape_cast %swap3A_59 : vector<16xf32> to vector<16xf32>
    %swap3A_61 = vector.shape_cast %get3A_57 : vector<16xf32> to vector<16xf32>
    tpu.vector_store %arg5[%swap3A_58], %swap3A_61 {strides = array<i32>} : memref<32768xf32, #tpu.memory_space<vmem>>, vector<16xf32>,
    %get3A_62 = arith.constant 80 : index
    %get3A_63 = tpu.vector_load %arg4[%get3A_62] {strides = array<i32>} : memref<272xf32, #tpu.memory_space<vmem>>, vector<16xf32>,
    %get3A_64 = vector.shape_cast %get3A_63 : vector<16xf32> to vector<16xf32>
    %swap3A_65 = arith.constant 1999 : index
    %swap3A_66 = tpu.vector_load %arg5[%swap3A_65] {strides = array<i32>} : memref<32768xf32, #tpu.memory_space<vmem>>, vector<16xf32>,
    %swap3A_67 = vector.shape_cast %swap3A_66 : vector<16xf32> to vector<16xf32>
    %swap3A_68 = vector.shape_cast %get3A_64 : vector<16xf32> to vector<16xf32>
    tpu.vector_store %arg5[%swap3A_65], %swap3A_68 {strides = array<i32>} : memref<32768xf32, #tpu.memory_space<vmem>>, vector<16xf32>,
    %get3A_69 = arith.constant 96 : index
    %get3A_70 = tpu.vector_load %arg4[%get3A_69] {strides = array<i32>} : memref<272xf32, #tpu.memory_space<vmem>>, vector<16xf32>,
    %get3A_71 = vector.shape_cast %get3A_70 : vector<16xf32> to vector<16xf32>
    %swap3A_72 = arith.constant 2015 : index
    %swap3A_73 = tpu.vector_load %arg5[%swap3A_72] {strides = array<i32>} : memref<32768xf32, #tpu.memory_space<vmem>>, vector<16xf32>,
    %swap3A_74 = vector.shape_cast %swap3A_73 : vector<16xf32> to vector<16xf32>
    %swap3A_75 = vector.shape_cast %get3A_71 : vector<16xf32> to vector<16xf32>
    tpu.vector_store %arg5[%swap3A_72], %swap3A_75 {strides = array<i32>} : memref<32768xf32, #tpu.memory_space<vmem>>, vector<16xf32>,
    %get3A_76 = arith.constant 112 : index
    %get3A_77 = tpu.vector_load %arg4[%get3A_76] {strides = array<i32>} : memref<272xf32, #tpu.memory_space<vmem>>, vector<16xf32>,
    %get3A_78 = vector.shape_cast %get3A_77 : vector<16xf32> to vector<16xf32>
    %swap3A_79 = arith.constant 2031 : index
    %swap3A_80 = tpu.vector_load %arg5[%swap3A_79] {strides = array<i32>} : memref<32768xf32, #tpu.memory_space<vmem>>, vector<16xf32>,
    %swap3A_81 = vector.shape_cast %swap3A_80 : vector<16xf32> to vector<16xf32>
    %swap3A_82 = vector.shape_cast %get3A_78 : vector<16xf32> to vector<16xf32>
    tpu.vector_store %arg5[%swap3A_79], %swap3A_82 {strides = array<i32>} : memref<32768xf32, #tpu.memory_space<vmem>>, vector<16xf32>,
    %get3A_83 = arith.constant 128 : index
    %get3A_84 = tpu.vector_load %arg4[%get3A_83] {strides = array<i32>} : memref<272xf32, #tpu.memory_space<vmem>>, vector<16xf32>,
    %get3A_85 = vector.shape_cast %get3A_84 : vector<16xf32> to vector<16xf32>
    %swap3A_86 = arith.constant 2047 : index
    %swap3A_87 = tpu.vector_load %arg5[%swap3A_86] {strides = array<i32>} : memref<32768xf32, #tpu.memory_space<vmem>>, vector<16xf32>,
    %swap3A_88 = vector.shape_cast %swap3A_87 : vector<16xf32> to vector<16xf32>
    %swap3A_89 = vector.shape_cast %get3A_85 : vector<16xf32> to vector<16xf32>
    tpu.vector_store %arg5[%swap3A_86], %swap3A_89 {strides = array<i32>} : memref<32768xf32, #tpu.memory_space<vmem>>, vector<16xf32>,
    %get3A_90 = arith.constant 144 : index
    %get3A_91 = tpu.vector_load %arg4[%get3A_90] {strides = array<i32>} : memref<272xf32, #tpu.memory_space<vmem>>, vector<16xf32>,
    %get3A_92 = vector.shape_cast %get3A_91 : vector<16xf32> to vector<16xf32>
    %swap3A_93 = arith.constant 2063 : index
    %swap3A_94 = tpu.vector_load %arg5[%swap3A_93] {strides = array<i32>} : memref<32768xf32, #tpu.memory_space<vmem>>, vector<16xf32>,
    %swap3A_95 = vector.shape_cast %swap3A_94 : vector<16xf32> to vector<16xf32>
    %swap3A_96 = vector.shape_cast %get3A_92 : vector<16xf32> to vector<16xf32>
    tpu.vector_store %arg5[%swap3A_93], %swap3A_96 {strides = array<i32>} : memref<32768xf32, #tpu.memory_space<vmem>>, vector<16xf32>,
    %get3A_97 = arith.constant 160 : index
    %get3A_98 = tpu.vector_load %arg4[%get3A_97] {strides = array<i32>} : memref<272xf32, #tpu.memory_space<vmem>>, vector<16xf32>,
    %get3A_99 = vector.shape_cast %get3A_98 : vector<16xf32> to vector<16xf32>
    %swap3A_100 = arith.constant 2079 : index
    %swap3A_101 = tpu.vector_load %arg5[%swap3A_100] {strides = array<i32>} : memref<32768xf32, #tpu.memory_space<vmem>>, vector<16xf32>,
    %swap3A_102 = vector.shape_cast %swap3A_101 : vector<16xf32> to vector<16xf32>
    %swap3A_103 = vector.shape_cast %get3A_99 : vector<16xf32> to vector<16xf32>
    tpu.vector_store %arg5[%swap3A_100], %swap3A_103 {strides = array<i32>} : memref<32768xf32, #tpu.memory_space<vmem>>, vector<16xf32>,
    %get3A_104 = arith.constant 176 : index
    %get3A_105 = tpu.vector_load %arg4[%get3A_104] {strides = array<i32>} : memref<272xf32, #tpu.memory_space<vmem>>, vector<16xf32>,
    %get3A_106 = vector.shape_cast %get3A_105 : vector<16xf32> to vector<16xf32>
    %swap3A_107 = arith.constant 2095 : index
    %swap3A_108 = tpu.vector_load %arg5[%swap3A_107] {strides = array<i32>} : memref<32768xf32, #tpu.memory_space<vmem>>, vector<16xf32>,
    %swap3A_109 = vector.shape_cast %swap3A_108 : vector<16xf32> to vector<16xf32>
    %swap3A_110 = vector.shape_cast %get3A_106 : vector<16xf32> to vector<16xf32>
    tpu.vector_store %arg5[%swap3A_107], %swap3A_110 {strides = array<i32>} : memref<32768xf32, #tpu.memory_space<vmem>>, vector<16xf32>,
    %get3A_111 = arith.constant 192 : index
    %get3A_112 = tpu.vector_load %arg4[%get3A_111] {strides = array<i32>} : memref<272xf32, #tpu.memory_space<vmem>>, vector<16xf32>,
    %get3A_113 = vector.shape_cast %get3A_112 : vector<16xf32> to vector<16xf32>
    %swap3A_114 = arith.constant 2111 : index
    %swap3A_115 = tpu.vector_load %arg5[%swap3A_114] {strides = array<i32>} : memref<32768xf32, #tpu.memory_space<vmem>>, vector<16xf32>,
    %swap3A_116 = vector.shape_cast %swap3A_115 : vector<16xf32> to vector<16xf32>
    %swap3A_117 = vector.shape_cast %get3A_113 : vector<16xf32> to vector<16xf32>
    tpu.vector_store %arg5[%swap3A_114], %swap3A_117 {strides = array<i32>} : memref<32768xf32, #tpu.memory_space<vmem>>, vector<16xf32>,
    %get3A_118 = arith.constant 208 : index
    %get3A_119 = tpu.vector_load %arg4[%get3A_118] {strides = array<i32>} : memref<272xf32, #tpu.memory_space<vmem>>, vector<16xf32>,
    %get3A_120 = vector.shape_cast %get3A_119 : vector<16xf32> to vector<16xf32>
    %swap3A_121 = arith.constant 2127 : index
    %swap3A_122 = tpu.vector_load %arg5[%swap3A_121] {strides = array<i32>} : memref<32768xf32, #tpu.memory_space<vmem>>, vector<16xf32>,
    %swap3A_123 = vector.shape_cast %swap3A_122 : vector<16xf32> to vector<16xf32>
    %swap3A_124 = vector.shape_cast %get3A_120 : vector<16xf32> to vector<16xf32>
    tpu.vector_store %arg5[%swap3A_121], %swap3A_124 {strides = array<i32>} : memref<32768xf32, #tpu.memory_space<vmem>>, vector<16xf32>,
    %get3A_125 = arith.constant 224 : index
    %get3A_126 = tpu.vector_load %arg4[%get3A_125] {strides = array<i32>} : memref<272xf32, #tpu.memory_space<vmem>>, vector<16xf32>,
    %get3A_127 = vector.shape_cast %get3A_126 : vector<16xf32> to vector<16xf32>
    %swap3A_128 = arith.constant 2143 : index
    %swap3A_129 = tpu.vector_load %arg5[%swap3A_128] {strides = array<i32>} : memref<32768xf32, #tpu.memory_space<vmem>>, vector<16xf32>,
    %swap3A_130 = vector.shape_cast %swap3A_129 : vector<16xf32> to vector<16xf32>
    %swap3A_131 = vector.shape_cast %get3A_127 : vector<16xf32> to vector<16xf32>
    tpu.vector_store %arg5[%swap3A_128], %swap3A_131 {strides = array<i32>} : memref<32768xf32, #tpu.memory_space<vmem>>, vector<16xf32>,
    %get3A_132 = arith.constant 240 : index
    %get3A_133 = tpu.vector_load %arg4[%get3A_132] {strides = array<i32>} : memref<272xf32, #tpu.memory_space<vmem>>, vector<16xf32>,
    %get3A_134 = vector.shape_cast %get3A_133 : vector<16xf32> to vector<16xf32>
    %swap3A_135 = arith.constant 2159 : index
    %swap3A_136 = tpu.vector_load %arg5[%swap3A_135] {strides = array<i32>} : memref<32768xf32, #tpu.memory_space<vmem>>, vector<16xf32>,
    %swap3A_137 = vector.shape_cast %swap3A_136 : vector<16xf32> to vector<16xf32>
    %swap3A_138 = vector.shape_cast %get3A_134 : vector<16xf32> to vector<16xf32>
    tpu.vector_store %arg5[%swap3A_135], %swap3A_138 {strides = array<i32>} : memref<32768xf32, #tpu.memory_space<vmem>>, vector<16xf32>,
    %get3A_139 = arith.constant 256 : index
    %get3A_140 = tpu.vector_load %arg4[%get3A_139] {strides = array<i32>} : memref<272xf32, #tpu.memory_space<vmem>>, vector<16xf32>,
    %get3A_141 = vector.shape_cast %get3A_140 : vector<16xf32> to vector<16xf32>
    %swap3A_142 = arith.constant 2175 : index
    %swap3A_143 = tpu.vector_load %arg5[%swap3A_142] {strides = array<i32>} : memref<32768xf32, #tpu.memory_space<vmem>>, vector<16xf32>,
    %swap3A_144 = vector.shape_cast %swap3A_143 : vector<16xf32> to vector<16xf32>
    %swap3A_145 = vector.shape_cast %get3A_141 : vector<16xf32> to vector<16xf32>
    tpu.vector_store %arg5[%swap3A_142], %swap3A_145 {strides = array<i32>} : memref<32768xf32, #tpu.memory_space<vmem>>, vector<16xf32>,
    %scan3A_146 = arith.constant 0 : i32
    %scan3A_147 = arith.constant 0 : i32
    %scan3A_148 = arith.constant 25 : i32
    %scan3A_149 = arith.addi %scan3A_147, %scan3A_148 : i32
    %scan3A_150 = arith.constant 1 : i32
    scf.for %scan3A_1100 = %scan3A_147 to %scan3A_149 step %scan3A_150  : i32 {
      %mul3A_1101 = arith.constant 16 : i32
      %mul3A_1102 = arith.muli %scan3A_1100, %mul3A_1101 : i32
      %add3A_1103 = arith.constant 5616 : i32
      %add3A_1104 = arith.addi %add3A_1103, %mul3A_1102 : i32
      %swap3A_1105 = arith.index_cast %add3A_1104 : i32 to index
      %swap3A_1106 = tpu.vector_load %arg5[%swap3A_1105] {strides = array<i32>} : memref<32768xf32, #tpu.memory_space<vmem>>, vector<16xf32>,
      %swap3A_1107 = vector.shape_cast %swap3A_1106 : vector<16xf32> to vector<16xf32>
      %swap3A_1108 = vector.shape_cast %add3A_9 : vector<16xf32> to vector<16xf32>
      tpu.vector_store %arg5[%swap3A_1105], %swap3A_1108 {strides = array<i32>} : memref<32768xf32, #tpu.memory_space<vmem>>, vector<16xf32>,
    }
    %scan3A_151 = arith.constant 25 : i32
    %scan3A_152 = arith.constant 0 : i32
    %scan3A_153 = arith.constant 0 : i32
    %scan3A_154 = arith.constant 24 : i32
    %scan3A_155 = arith.addi %scan3A_153, %scan3A_154 : i32
    %scan3A_156 = arith.constant 1 : i32
    scf.for %scan3A_1100 = %scan3A_153 to %scan3A_155 step %scan3A_156  : i32 {
      %mul3A_1101 = arith.constant 16 : i32
      %mul3A_1102 = arith.muli %scan3A_1100, %mul3A_1101 : i32
      %add3A_1103 = arith.constant 6272 : i32
      %add3A_1104 = arith.addi %add3A_1103, %mul3A_1102 : i32
      %swap3A_1105 = arith.index_cast %add3A_1104 : i32 to index
      %swap3A_1106 = tpu.vector_load %arg5[%swap3A_1105] {strides = array<i32>} : memref<32768xf32, #tpu.memory_space<vmem>>, vector<16xf32>,
      %swap3A_1107 = vector.shape_cast %swap3A_1106 : vector<16xf32> to vector<16xf32>
      %swap3A_1108 = vector.shape_cast %add3A_16 : vector<16xf32> to vector<16xf32>
      tpu.vector_store %arg5[%swap3A_1105], %swap3A_1108 {strides = array<i32>} : memref<32768xf32, #tpu.memory_space<vmem>>, vector<16xf32>,
    }
    %scan3A_157 = arith.constant 24 : i32
    %get3A_158 = arith.constant 0 : index
    %get3A_159 = tpu.vector_load %arg4[%get3A_158] {strides = array<i32>} : memref<272xf32, #tpu.memory_space<vmem>>, vector<16xf32>,
    %get3A_160 = vector.shape_cast %get3A_159 : vector<16xf32> to vector<16xf32>
    %swap3A_161 = arith.constant 6014 : index
    %swap3A_162 = tpu.vector_load %arg5[%swap3A_161] {strides = array<i32>} : memref<32768xf32, #tpu.memory_space<vmem>>, vector<16xf32>,
    %swap3A_163 = vector.shape_cast %swap3A_162 : vector<16xf32> to vector<16xf32>
    %swap3A_164 = vector.shape_cast %get3A_160 : vector<16xf32> to vector<16xf32>
    tpu.vector_store %arg5[%swap3A_161], %swap3A_164 {strides = array<i32>} : memref<32768xf32, #tpu.memory_space<vmem>>, vector<16xf32>,
    %get3A_165 = arith.constant 16 : index
    %get3A_166 = tpu.vector_load %arg4[%get3A_165] {strides = array<i32>} : memref<272xf32, #tpu.memory_space<vmem>>, vector<16xf32>,
    %get3A_167 = vector.shape_cast %get3A_166 : vector<16xf32> to vector<16xf32>
    %swap3A_168 = arith.constant 6030 : index
    %swap3A_169 = tpu.vector_load %arg5[%swap3A_168] {strides = array<i32>} : memref<32768xf32, #tpu.memory_space<vmem>>, vector<16xf32>,
    %swap3A_170 = vector.shape_cast %swap3A_169 : vector<16xf32> to vector<16xf32>
    %swap3A_171 = vector.shape_cast %get3A_167 : vector<16xf32> to vector<16xf32>
    tpu.vector_store %arg5[%swap3A_168], %swap3A_171 {strides = array<i32>} : memref<32768xf32, #tpu.memory_space<vmem>>, vector<16xf32>,
    %get3A_172 = arith.constant 32 : index
    %get3A_173 = tpu.vector_load %arg4[%get3A_172] {strides = array<i32>} : memref<272xf32, #tpu.memory_space<vmem>>, vector<16xf32>,
    %get3A_174 = vector.shape_cast %get3A_173 : vector<16xf32> to vector<16xf32>
    %swap3A_175 = arith.constant 6046 : index
    %swap3A_176 = tpu.vector_load %arg5[%swap3A_175] {strides = array<i32>} : memref<32768xf32, #tpu.memory_space<vmem>>, vector<16xf32>,
    %swap3A_177 = vector.shape_cast %swap3A_176 : vector<16xf32> to vector<16xf32>
    %swap3A_178 = vector.shape_cast %get3A_174 : vector<16xf32> to vector<16xf32>
    tpu.vector_store %arg5[%swap3A_175], %swap3A_178 {strides = array<i32>} : memref<32768xf32, #tpu.memory_space<vmem>>, vector<16xf32>,
    %get3A_179 = arith.constant 48 : index
    %get3A_180 = tpu.vector_load %arg4[%get3A_179] {strides = array<i32>} : memref<272xf32, #tpu.memory_space<vmem>>, vector<16xf32>,
    %get3A_181 = vector.shape_cast %get3A_180 : vector<16xf32> to vector<16xf32>
    %swap3A_182 = arith.constant 6062 : index
    %swap3A_183 = tpu.vector_load %arg5[%swap3A_182] {strides = array<i32>} : memref<32768xf32, #tpu.memory_space<vmem>>, vector<16xf32>,
    %swap3A_184 = vector.shape_cast %swap3A_183 : vector<16xf32> to vector<16xf32>
    %swap3A_185 = vector.shape_cast %get3A_181 : vector<16xf32> to vector<16xf32>
    tpu.vector_store %arg5[%swap3A_182], %swap3A_185 {strides = array<i32>} : memref<32768xf32, #tpu.memory_space<vmem>>, vector<16xf32>,
    %get3A_186 = arith.constant 64 : index
    %get3A_187 = tpu.vector_load %arg4[%get3A_186] {strides = array<i32>} : memref<272xf32, #tpu.memory_space<vmem>>, vector<16xf32>,
    %get3A_188 = vector.shape_cast %get3A_187 : vector<16xf32> to vector<16xf32>
    %swap3A_189 = arith.constant 6078 : index
    %swap3A_190 = tpu.vector_load %arg5[%swap3A_189] {strides = array<i32>} : memref<32768xf32, #tpu.memory_space<vmem>>, vector<16xf32>,
    %swap3A_191 = vector.shape_cast %swap3A_190 : vector<16xf32> to vector<16xf32>
    %swap3A_192 = vector.shape_cast %get3A_188 : vector<16xf32> to vector<16xf32>
    tpu.vector_store %arg5[%swap3A_189], %swap3A_192 {strides = array<i32>} : memref<32768xf32, #tpu.memory_space<vmem>>, vector<16xf32>,
    %get3A_193 = arith.constant 80 : index
    %get3A_194 = tpu.vector_load %arg4[%get3A_193] {strides = array<i32>} : memref<272xf32, #tpu.memory_space<vmem>>, vector<16xf32>,
    %get3A_195 = vector.shape_cast %get3A_194 : vector<16xf32> to vector<16xf32>
    %swap3A_196 = arith.constant 6094 : index
    %swap3A_197 = tpu.vector_load %arg5[%swap3A_196] {strides = array<i32>} : memref<32768xf32, #tpu.memory_space<vmem>>, vector<16xf32>,
    %swap3A_198 = vector.shape_cast %swap3A_197 : vector<16xf32> to vector<16xf32>
    %swap3A_199 = vector.shape_cast %get3A_195 : vector<16xf32> to vector<16xf32>
    tpu.vector_store %arg5[%swap3A_196], %swap3A_199 {strides = array<i32>} : memref<32768xf32, #tpu.memory_space<vmem>>, vector<16xf32>,
    %get3A_200 = arith.constant 96 : index
    %get3A_201 = tpu.vector_load %arg4[%get3A_200] {strides = array<i32>} : memref<272xf32, #tpu.memory_space<vmem>>, vector<16xf32>,
    %get3A_202 = vector.shape_cast %get3A_201 : vector<16xf32> to vector<16xf32>
    %swap3A_203 = arith.constant 6110 : index
    %swap3A_204 = tpu.vector_load %arg5[%swap3A_203] {strides = array<i32>} : memref<32768xf32, #tpu.memory_space<vmem>>, vector<16xf32>,
    %swap3A_205 = vector.shape_cast %swap3A_204 : vector<16xf32> to vector<16xf32>
    %swap3A_206 = vector.shape_cast %get3A_202 : vector<16xf32> to vector<16xf32>
    tpu.vector_store %arg5[%swap3A_203], %swap3A_206 {strides = array<i32>} : memref<32768xf32, #tpu.memory_space<vmem>>, vector<16xf32>,
    %get3A_207 = arith.constant 112 : index
    %get3A_208 = tpu.vector_load %arg4[%get3A_207] {strides = array<i32>} : memref<272xf32, #tpu.memory_space<vmem>>, vector<16xf32>,
    %get3A_209 = vector.shape_cast %get3A_208 : vector<16xf32> to vector<16xf32>
    %swap3A_210 = arith.constant 6126 : index
    %swap3A_211 = tpu.vector_load %arg5[%swap3A_210] {strides = array<i32>} : memref<32768xf32, #tpu.memory_space<vmem>>, vector<16xf32>,
    %swap3A_212 = vector.shape_cast %swap3A_211 : vector<16xf32> to vector<16xf32>
    %swap3A_213 = vector.shape_cast %get3A_209 : vector<16xf32> to vector<16xf32>
    tpu.vector_store %arg5[%swap3A_210], %swap3A_213 {strides = array<i32>} : memref<32768xf32, #tpu.memory_space<vmem>>, vector<16xf32>,
    %get3A_214 = arith.constant 128 : index
    %get3A_215 = tpu.vector_load %arg4[%get3A_214] {strides = array<i32>} : memref<272xf32, #tpu.memory_space<vmem>>, vector<16xf32>,
    %get3A_216 = vector.shape_cast %get3A_215 : vector<16xf32> to vector<16xf32>
    %swap3A_217 = arith.constant 6142 : index
    %swap3A_218 = tpu.vector_load %arg5[%swap3A_217] {strides = array<i32>} : memref<32768xf32, #tpu.memory_space<vmem>>, vector<16xf32>,
    %swap3A_219 = vector.shape_cast %swap3A_218 : vector<16xf32> to vector<16xf32>
    %swap3A_220 = vector.shape_cast %get3A_216 : vector<16xf32> to vector<16xf32>
    tpu.vector_store %arg5[%swap3A_217], %swap3A_220 {strides = array<i32>} : memref<32768xf32, #tpu.memory_space<vmem>>, vector<16xf32>,
    %get3A_221 = arith.constant 144 : index
    %get3A_222 = tpu.vector_load %arg4[%get3A_221] {strides = array<i32>} : memref<272xf32, #tpu.memory_space<vmem>>, vector<16xf32>,
    %get3A_223 = vector.shape_cast %get3A_222 : vector<16xf32> to vector<16xf32>
    %swap3A_224 = arith.constant 6158 : index
    %swap3A_225 = tpu.vector_load %arg5[%swap3A_224] {strides = array<i32>} : memref<32768xf32, #tpu.memory_space<vmem>>, vector<16xf32>,
    %swap3A_226 = vector.shape_cast %swap3A_225 : vector<16xf32> to vector<16xf32>
    %swap3A_227 = vector.shape_cast %get3A_223 : vector<16xf32> to vector<16xf32>
    tpu.vector_store %arg5[%swap3A_224], %swap3A_227 {strides = array<i32>} : memref<32768xf32, #tpu.memory_space<vmem>>, vector<16xf32>,
    %get3A_228 = arith.constant 160 : index
    %get3A_229 = tpu.vector_load %arg4[%get3A_228] {strides = array<i32>} : memref<272xf32, #tpu.memory_space<vmem>>, vector<16xf32>,
    %get3A_230 = vector.shape_cast %get3A_229 : vector<16xf32> to vector<16xf32>
    %swap3A_231 = arith.constant 6174 : index
    %swap3A_232 = tpu.vector_load %arg5[%swap3A_231] {strides = array<i32>} : memref<32768xf32, #tpu.memory_space<vmem>>, vector<16xf32>,
    %swap3A_233 = vector.shape_cast %swap3A_232 : vector<16xf32> to vector<16xf32>
    %swap3A_234 = vector.shape_cast %get3A_230 : vector<16xf32> to vector<16xf32>
    tpu.vector_store %arg5[%swap3A_231], %swap3A_234 {strides = array<i32>} : memref<32768xf32, #tpu.memory_space<vmem>>, vector<16xf32>,
    %get3A_235 = arith.constant 176 : index
    %get3A_236 = tpu.vector_load %arg4[%get3A_235] {strides = array<i32>} : memref<272xf32, #tpu.memory_space<vmem>>, vector<16xf32>,
    %get3A_237 = vector.shape_cast %get3A_236 : vector<16xf32> to vector<16xf32>
    %swap3A_238 = arith.constant 6190 : index
    %swap3A_239 = tpu.vector_load %arg5[%swap3A_238] {strides = array<i32>} : memref<32768xf32, #tpu.memory_space<vmem>>, vector<16xf32>,
    %swap3A_240 = vector.shape_cast %swap3A_239 : vector<16xf32> to vector<16xf32>
    %swap3A_241 = vector.shape_cast %get3A_237 : vector<16xf32> to vector<16xf32>
    tpu.vector_store %arg5[%swap3A_238], %swap3A_241 {strides = array<i32>} : memref<32768xf32, #tpu.memory_space<vmem>>, vector<16xf32>,
    %get3A_242 = arith.constant 192 : index
    %get3A_243 = tpu.vector_load %arg4[%get3A_242] {strides = array<i32>} : memref<272xf32, #tpu.memory_space<vmem>>, vector<16xf32>,
    %get3A_244 = vector.shape_cast %get3A_243 : vector<16xf32> to vector<16xf32>
    %swap3A_245 = arith.constant 6206 : index
    %swap3A_246 = tpu.vector_load %arg5[%swap3A_245] {strides = array<i32>} : memref<32768xf32, #tpu.memory_space<vmem>>, vector<16xf32>,
    %swap3A_247 = vector.shape_cast %swap3A_246 : vector<16xf32> to vector<16xf32>
    %swap3A_248 = vector.shape_cast %get3A_244 : vector<16xf32> to vector<16xf32>
    tpu.vector_store %arg5[%swap3A_245], %swap3A_248 {strides = array<i32>} : memref<32768xf32, #tpu.memory_space<vmem>>, vector<16xf32>,
    %get3A_249 = arith.constant 208 : index
    %get3A_250 = tpu.vector_load %arg4[%get3A_249] {strides = array<i32>} : memref<272xf32, #tpu.memory_space<vmem>>, vector<16xf32>,
    %get3A_251 = vector.shape_cast %get3A_250 : vector<16xf32> to vector<16xf32>
    %swap3A_252 = arith.constant 6222 : index
    %swap3A_253 = tpu.vector_load %arg5[%swap3A_252] {strides = array<i32>} : memref<32768xf32, #tpu.memory_space<vmem>>, vector<16xf32>,
    %swap3A_254 = vector.shape_cast %swap3A_253 : vector<16xf32> to vector<16xf32>
    %swap3A_255 = vector.shape_cast %get3A_251 : vector<16xf32> to vector<16xf32>
    tpu.vector_store %arg5[%swap3A_252], %swap3A_255 {strides = array<i32>} : memref<32768xf32, #tpu.memory_space<vmem>>, vector<16xf32>,
    %get3A_256 = arith.constant 224 : index
    %get3A_257 = tpu.vector_load %arg4[%get3A_256] {strides = array<i32>} : memref<272xf32, #tpu.memory_space<vmem>>, vector<16xf32>,
    %get3A_258 = vector.shape_cast %get3A_257 : vector<16xf32> to vector<16xf32>
    %swap3A_259 = arith.constant 6238 : index
    %swap3A_260 = tpu.vector_load %arg5[%swap3A_259] {strides = array<i32>} : memref<32768xf32, #tpu.memory_space<vmem>>, vector<16xf32>,
    %swap3A_261 = vector.shape_cast %swap3A_260 : vector<16xf32> to vector<16xf32>
    %swap3A_262 = vector.shape_cast %get3A_258 : vector<16xf32> to vector<16xf32>
    tpu.vector_store %arg5[%swap3A_259], %swap3A_262 {strides = array<i32>} : memref<32768xf32, #tpu.memory_space<vmem>>, vector<16xf32>,
    %get3A_263 = arith.constant 240 : index
    %get3A_264 = tpu.vector_load %arg4[%get3A_263] {strides = array<i32>} : memref<272xf32, #tpu.memory_space<vmem>>, vector<16xf32>,
    %get3A_265 = vector.shape_cast %get3A_264 : vector<16xf32> to vector<16xf32>
    %swap3A_266 = arith.constant 6254 : index
    %swap3A_267 = tpu.vector_load %arg5[%swap3A_266] {strides = array<i32>} : memref<32768xf32, #tpu.memory_space<vmem>>, vector<16xf32>,
    %swap3A_268 = vector.shape_cast %swap3A_267 : vector<16xf32> to vector<16xf32>
    %swap3A_269 = vector.shape_cast %get3A_265 : vector<16xf32> to vector<16xf32>
    tpu.vector_store %arg5[%swap3A_266], %swap3A_269 {strides = array<i32>} : memref<32768xf32, #tpu.memory_space<vmem>>, vector<16xf32>,
    %get3A_270 = arith.constant 256 : index
    %get3A_271 = tpu.vector_load %arg4[%get3A_270] {strides = array<i32>} : memref<272xf32, #tpu.memory_space<vmem>>, vector<16xf32>,
    %get3A_272 = vector.shape_cast %get3A_271 : vector<16xf32> to vector<16xf32>
    %swap3A_273 = arith.constant 6270 : index
    %swap3A_274 = tpu.vector_load %arg5[%swap3A_273] {strides = array<i32>} : memref<32768xf32, #tpu.memory_space<vmem>>, vector<16xf32>,
    %swap3A_275 = vector.shape_cast %swap3A_274 : vector<16xf32> to vector<16xf32>
    %swap3A_276 = vector.shape_cast %get3A_272 : vector<16xf32> to vector<16xf32>
    tpu.vector_store %arg5[%swap3A_273], %swap3A_276 {strides = array<i32>} : memref<32768xf32, #tpu.memory_space<vmem>>, vector<16xf32>,
    %scan3A_277 = arith.constant 0 : i32
    %scan3A_278 = arith.constant 0 : i32
    %scan3A_279 = arith.constant 25 : i32
    %scan3A_280 = arith.addi %scan3A_278, %scan3A_279 : i32
    %scan3A_281 = arith.constant 1 : i32
    scf.for %scan3A_1100 = %scan3A_278 to %scan3A_280 step %scan3A_281  : i32 {
      %mul3A_1101 = arith.constant 16 : i32
      %mul3A_1102 = arith.muli %scan3A_1100, %mul3A_1101 : i32
      %add3A_1103 = arith.constant 9712 : i32
      %add3A_1104 = arith.addi %add3A_1103, %mul3A_1102 : i32
      %swap3A_1105 = arith.index_cast %add3A_1104 : i32 to index
      %swap3A_1106 = tpu.vector_load %arg5[%swap3A_1105] {strides = array<i32>} : memref<32768xf32, #tpu.memory_space<vmem>>, vector<16xf32>,
      %swap3A_1107 = vector.shape_cast %swap3A_1106 : vector<16xf32> to vector<16xf32>
      %swap3A_1108 = vector.shape_cast %add3A_9 : vector<16xf32> to vector<16xf32>
      tpu.vector_store %arg5[%swap3A_1105], %swap3A_1108 {strides = array<i32>} : memref<32768xf32, #tpu.memory_space<vmem>>, vector<16xf32>,
    }
    %scan3A_282 = arith.constant 25 : i32
    %scan3A_283 = arith.constant 0 : i32
    %scan3A_284 = arith.constant 0 : i32
    %scan3A_285 = arith.constant 24 : i32
    %scan3A_286 = arith.addi %scan3A_284, %scan3A_285 : i32
    %scan3A_287 = arith.constant 1 : i32
    scf.for %scan3A_1100 = %scan3A_284 to %scan3A_286 step %scan3A_287  : i32 {
      %mul3A_1101 = arith.constant 16 : i32
      %mul3A_1102 = arith.muli %scan3A_1100, %mul3A_1101 : i32
      %add3A_1103 = arith.constant 10368 : i32
      %add3A_1104 = arith.addi %add3A_1103, %mul3A_1102 : i32
      %swap3A_1105 = arith.index_cast %add3A_1104 : i32 to index
      %swap3A_1106 = tpu.vector_load %arg5[%swap3A_1105] {strides = array<i32>} : memref<32768xf32, #tpu.memory_space<vmem>>, vector<16xf32>,
      %swap3A_1107 = vector.shape_cast %swap3A_1106 : vector<16xf32> to vector<16xf32>
      %swap3A_1108 = vector.shape_cast %add3A_16 : vector<16xf32> to vector<16xf32>
      tpu.vector_store %arg5[%swap3A_1105], %swap3A_1108 {strides = array<i32>} : memref<32768xf32, #tpu.memory_space<vmem>>, vector<16xf32>,
    }
    %scan3A_288 = arith.constant 24 : i32
    %get3A_289 = arith.constant 0 : index
    %get3A_290 = tpu.vector_load %arg4[%get3A_289] {strides = array<i32>} : memref<272xf32, #tpu.memory_space<vmem>>, vector<16xf32>,
    %get3A_291 = vector.shape_cast %get3A_290 : vector<16xf32> to vector<16xf32>
    %swap3A_292 = arith.constant 10109 : index
    %swap3A_293 = tpu.vector_load %arg5[%swap3A_292] {strides = array<i32>} : memref<32768xf32, #tpu.memory_space<vmem>>, vector<16xf32>,
    %swap3A_294 = vector.shape_cast %swap3A_293 : vector<16xf32> to vector<16xf32>
    %swap3A_295 = vector.shape_cast %get3A_291 : vector<16xf32> to vector<16xf32>
    tpu.vector_store %arg5[%swap3A_292], %swap3A_295 {strides = array<i32>} : memref<32768xf32, #tpu.memory_space<vmem>>, vector<16xf32>,
    %get3A_296 = arith.constant 16 : index
    %get3A_297 = tpu.vector_load %arg4[%get3A_296] {strides = array<i32>} : memref<272xf32, #tpu.memory_space<vmem>>, vector<16xf32>,
    %get3A_298 = vector.shape_cast %get3A_297 : vector<16xf32> to vector<16xf32>
    %swap3A_299 = arith.constant 10125 : index
    %swap3A_300 = tpu.vector_load %arg5[%swap3A_299] {strides = array<i32>} : memref<32768xf32, #tpu.memory_space<vmem>>, vector<16xf32>,
    %swap3A_301 = vector.shape_cast %swap3A_300 : vector<16xf32> to vector<16xf32>
    %swap3A_302 = vector.shape_cast %get3A_298 : vector<16xf32> to vector<16xf32>
    tpu.vector_store %arg5[%swap3A_299], %swap3A_302 {strides = array<i32>} : memref<32768xf32, #tpu.memory_space<vmem>>, vector<16xf32>,
    %get3A_303 = arith.constant 32 : index
    %get3A_304 = tpu.vector_load %arg4[%get3A_303] {strides = array<i32>} : memref<272xf32, #tpu.memory_space<vmem>>, vector<16xf32>,
    %get3A_305 = vector.shape_cast %get3A_304 : vector<16xf32> to vector<16xf32>
    %swap3A_306 = arith.constant 10141 : index
    %swap3A_307 = tpu.vector_load %arg5[%swap3A_306] {strides = array<i32>} : memref<32768xf32, #tpu.memory_space<vmem>>, vector<16xf32>,
    %swap3A_308 = vector.shape_cast %swap3A_307 : vector<16xf32> to vector<16xf32>
    %swap3A_309 = vector.shape_cast %get3A_305 : vector<16xf32> to vector<16xf32>
    tpu.vector_store %arg5[%swap3A_306], %swap3A_309 {strides = array<i32>} : memref<32768xf32, #tpu.memory_space<vmem>>, vector<16xf32>,
    %get3A_310 = arith.constant 48 : index
    %get3A_311 = tpu.vector_load %arg4[%get3A_310] {strides = array<i32>} : memref<272xf32, #tpu.memory_space<vmem>>, vector<16xf32>,
    %get3A_312 = vector.shape_cast %get3A_311 : vector<16xf32> to vector<16xf32>
    %swap3A_313 = arith.constant 10157 : index
    %swap3A_314 = tpu.vector_load %arg5[%swap3A_313] {strides = array<i32>} : memref<32768xf32, #tpu.memory_space<vmem>>, vector<16xf32>,
    %swap3A_315 = vector.shape_cast %swap3A_314 : vector<16xf32> to vector<16xf32>
    %swap3A_316 = vector.shape_cast %get3A_312 : vector<16xf32> to vector<16xf32>
    tpu.vector_store %arg5[%swap3A_313], %swap3A_316 {strides = array<i32>} : memref<32768xf32, #tpu.memory_space<vmem>>, vector<16xf32>,
    %get3A_317 = arith.constant 64 : index
    %get3A_318 = tpu.vector_load %arg4[%get3A_317] {strides = array<i32>} : memref<272xf32, #tpu.memory_space<vmem>>, vector<16xf32>,
    %get3A_319 = vector.shape_cast %get3A_318 : vector<16xf32> to vector<16xf32>
    %swap3A_320 = arith.constant 10173 : index
    %swap3A_321 = tpu.vector_load %arg5[%swap3A_320] {strides = array<i32>} : memref<32768xf32, #tpu.memory_space<vmem>>, vector<16xf32>,
    %swap3A_322 = vector.shape_cast %swap3A_321 : vector<16xf32> to vector<16xf32>
    %swap3A_323 = vector.shape_cast %get3A_319 : vector<16xf32> to vector<16xf32>
    tpu.vector_store %arg5[%swap3A_320], %swap3A_323 {strides = array<i32>} : memref<32768xf32, #tpu.memory_space<vmem>>, vector<16xf32>,
    %get3A_324 = arith.constant 80 : index
    %get3A_325 = tpu.vector_load %arg4[%get3A_324] {strides = array<i32>} : memref<272xf32, #tpu.memory_space<vmem>>, vector<16xf32>,
    %get3A_326 = vector.shape_cast %get3A_325 : vector<16xf32> to vector<16xf32>
    %swap3A_327 = arith.constant 10189 : index
    %swap3A_328 = tpu.vector_load %arg5[%swap3A_327] {strides = array<i32>} : memref<32768xf32, #tpu.memory_space<vmem>>, vector<16xf32>,
    %swap3A_329 = vector.shape_cast %swap3A_328 : vector<16xf32> to vector<16xf32>
    %swap3A_330 = vector.shape_cast %get3A_326 : vector<16xf32> to vector<16xf32>
    tpu.vector_store %arg5[%swap3A_327], %swap3A_330 {strides = array<i32>} : memref<32768xf32, #tpu.memory_space<vmem>>, vector<16xf32>,
    %get3A_331 = arith.constant 96 : index
    %get3A_332 = tpu.vector_load %arg4[%get3A_331] {strides = array<i32>} : memref<272xf32, #tpu.memory_space<vmem>>, vector<16xf32>,
    %get3A_333 = vector.shape_cast %get3A_332 : vector<16xf32> to vector<16xf32>
    %swap3A_334 = arith.constant 10205 : index
    %swap3A_335 = tpu.vector_load %arg5[%swap3A_334] {strides = array<i32>} : memref<32768xf32, #tpu.memory_space<vmem>>, vector<16xf32>,
    %swap3A_336 = vector.shape_cast %swap3A_335 : vector<16xf32> to vector<16xf32>
    %swap3A_337 = vector.shape_cast %get3A_333 : vector<16xf32> to vector<16xf32>
    tpu.vector_store %arg5[%swap3A_334], %swap3A_337 {strides = array<i32>} : memref<32768xf32, #tpu.memory_space<vmem>>, vector<16xf32>,
    %get3A_338 = arith.constant 112 : index
    %get3A_339 = tpu.vector_load %arg4[%get3A_338] {strides = array<i32>} : memref<272xf32, #tpu.memory_space<vmem>>, vector<16xf32>,
    %get3A_340 = vector.shape_cast %get3A_339 : vector<16xf32> to vector<16xf32>
    %swap3A_341 = arith.constant 10221 : index
    %swap3A_342 = tpu.vector_load %arg5[%swap3A_341] {strides = array<i32>} : memref<32768xf32, #tpu.memory_space<vmem>>, vector<16xf32>,
    %swap3A_343 = vector.shape_cast %swap3A_342 : vector<16xf32> to vector<16xf32>
    %swap3A_344 = vector.shape_cast %get3A_340 : vector<16xf32> to vector<16xf32>
    tpu.vector_store %arg5[%swap3A_341], %swap3A_344 {strides = array<i32>} : memref<32768xf32, #tpu.memory_space<vmem>>, vector<16xf32>,
    %get3A_345 = arith.constant 128 : index
    %get3A_346 = tpu.vector_load %arg4[%get3A_345] {strides = array<i32>} : memref<272xf32, #tpu.memory_space<vmem>>, vector<16xf32>,
    %get3A_347 = vector.shape_cast %get3A_346 : vector<16xf32> to vector<16xf32>
    %swap3A_348 = arith.constant 10237 : index
    %swap3A_349 = tpu.vector_load %arg5[%swap3A_348] {strides = array<i32>} : memref<32768xf32, #tpu.memory_space<vmem>>, vector<16xf32>,
    %swap3A_350 = vector.shape_cast %swap3A_349 : vector<16xf32> to vector<16xf32>
    %swap3A_351 = vector.shape_cast %get3A_347 : vector<16xf32> to vector<16xf32>
    tpu.vector_store %arg5[%swap3A_348], %swap3A_351 {strides = array<i32>} : memref<32768xf32, #tpu.memory_space<vmem>>, vector<16xf32>,
    %get3A_352 = arith.constant 144 : index
    %get3A_353 = tpu.vector_load %arg4[%get3A_352] {strides = array<i32>} : memref<272xf32, #tpu.memory_space<vmem>>, vector<16xf32>,
    %get3A_354 = vector.shape_cast %get3A_353 : vector<16xf32> to vector<16xf32>
    %swap3A_355 = arith.constant 10253 : index
    %swap3A_356 = tpu.vector_load %arg5[%swap3A_355] {strides = array<i32>} : memref<32768xf32, #tpu.memory_space<vmem>>, vector<16xf32>,
    %swap3A_357 = vector.shape_cast %swap3A_356 : vector<16xf32> to vector<16xf32>
    %swap3A_358 = vector.shape_cast %get3A_354 : vector<16xf32> to vector<16xf32>
    tpu.vector_store %arg5[%swap3A_355], %swap3A_358 {strides = array<i32>} : memref<32768xf32, #tpu.memory_space<vmem>>, vector<16xf32>,
    %get3A_359 = arith.constant 160 : index
    %get3A_360 = tpu.vector_load %arg4[%get3A_359] {strides = array<i32>} : memref<272xf32, #tpu.memory_space<vmem>>, vector<16xf32>,
    %get3A_361 = vector.shape_cast %get3A_360 : vector<16xf32> to vector<16xf32>
    %swap3A_362 = arith.constant 10269 : index
    %swap3A_363 = tpu.vector_load %arg5[%swap3A_362] {strides = array<i32>} : memref<32768xf32, #tpu.memory_space<vmem>>, vector<16xf32>,
    %swap3A_364 = vector.shape_cast %swap3A_363 : vector<16xf32> to vector<16xf32>
    %swap3A_365 = vector.shape_cast %get3A_361 : vector<16xf32> to vector<16xf32>
    tpu.vector_store %arg5[%swap3A_362], %swap3A_365 {strides = array<i32>} : memref<32768xf32, #tpu.memory_space<vmem>>, vector<16xf32>,
    %get3A_366 = arith.constant 176 : index
    %get3A_367 = tpu.vector_load %arg4[%get3A_366] {strides = array<i32>} : memref<272xf32, #tpu.memory_space<vmem>>, vector<16xf32>,
    %get3A_368 = vector.shape_cast %get3A_367 : vector<16xf32> to vector<16xf32>
    %swap3A_369 = arith.constant 10285 : index
    %swap3A_370 = tpu.vector_load %arg5[%swap3A_369] {strides = array<i32>} : memref<32768xf32, #tpu.memory_space<vmem>>, vector<16xf32>,
    %swap3A_371 = vector.shape_cast %swap3A_370 : vector<16xf32> to vector<16xf32>
    %swap3A_372 = vector.shape_cast %get3A_368 : vector<16xf32> to vector<16xf32>
    tpu.vector_store %arg5[%swap3A_369], %swap3A_372 {strides = array<i32>} : memref<32768xf32, #tpu.memory_space<vmem>>, vector<16xf32>,
    %get3A_373 = arith.constant 192 : index
    %get3A_374 = tpu.vector_load %arg4[%get3A_373] {strides = array<i32>} : memref<272xf32, #tpu.memory_space<vmem>>, vector<16xf32>,
    %get3A_375 = vector.shape_cast %get3A_374 : vector<16xf32> to vector<16xf32>
    %swap3A_376 = arith.constant 10301 : index
    %swap3A_377 = tpu.vector_load %arg5[%swap3A_376] {strides = array<i32>} : memref<32768xf32, #tpu.memory_space<vmem>>, vector<16xf32>,
    %swap3A_378 = vector.shape_cast %swap3A_377 : vector<16xf32> to vector<16xf32>
    %swap3A_379 = vector.shape_cast %get3A_375 : vector<16xf32> to vector<16xf32>
    tpu.vector_store %arg5[%swap3A_376], %swap3A_379 {strides = array<i32>} : memref<32768xf32, #tpu.memory_space<vmem>>, vector<16xf32>,
    %get3A_380 = arith.constant 208 : index
    %get3A_381 = tpu.vector_load %arg4[%get3A_380] {strides = array<i32>} : memref<272xf32, #tpu.memory_space<vmem>>, vector<16xf32>,
    %get3A_382 = vector.shape_cast %get3A_381 : vector<16xf32> to vector<16xf32>
    %swap3A_383 = arith.constant 10317 : index
    %swap3A_384 = tpu.vector_load %arg5[%swap3A_383] {strides = array<i32>} : memref<32768xf32, #tpu.memory_space<vmem>>, vector<16xf32>,
    %swap3A_385 = vector.shape_cast %swap3A_384 : vector<16xf32> to vector<16xf32>
    %swap3A_386 = vector.shape_cast %get3A_382 : vector<16xf32> to vector<16xf32>
    tpu.vector_store %arg5[%swap3A_383], %swap3A_386 {strides = array<i32>} : memref<32768xf32, #tpu.memory_space<vmem>>, vector<16xf32>,
    %get3A_387 = arith.constant 224 : index
    %get3A_388 = tpu.vector_load %arg4[%get3A_387] {strides = array<i32>} : memref<272xf32, #tpu.memory_space<vmem>>, vector<16xf32>,
    %get3A_389 = vector.shape_cast %get3A_388 : vector<16xf32> to vector<16xf32>
    %swap3A_390 = arith.constant 10333 : index
    %swap3A_391 = tpu.vector_load %arg5[%swap3A_390] {strides = array<i32>} : memref<32768xf32, #tpu.memory_space<vmem>>, vector<16xf32>,
    %swap3A_392 = vector.shape_cast %swap3A_391 : vector<16xf32> to vector<16xf32>
    %swap3A_393 = vector.shape_cast %get3A_389 : vector<16xf32> to vector<16xf32>
    tpu.vector_store %arg5[%swap3A_390], %swap3A_393 {strides = array<i32>} : memref<32768xf32, #tpu.memory_space<vmem>>, vector<16xf32>,
    %get3A_394 = arith.constant 240 : index
    %get3A_395 = tpu.vector_load %arg4[%get3A_394] {strides = array<i32>} : memref<272xf32, #tpu.memory_space<vmem>>, vector<16xf32>,
    %get3A_396 = vector.shape_cast %get3A_395 : vector<16xf32> to vector<16xf32>
    %swap3A_397 = arith.constant 10349 : index
    %swap3A_398 = tpu.vector_load %arg5[%swap3A_397] {strides = array<i32>} : memref<32768xf32, #tpu.memory_space<vmem>>, vector<16xf32>,
    %swap3A_399 = vector.shape_cast %swap3A_398 : vector<16xf32> to vector<16xf32>
    %swap3A_400 = vector.shape_cast %get3A_396 : vector<16xf32> to vector<16xf32>
    tpu.vector_store %arg5[%swap3A_397], %swap3A_400 {strides = array<i32>} : memref<32768xf32, #tpu.memory_space<vmem>>, vector<16xf32>,
    %get3A_401 = arith.constant 256 : index
    %get3A_402 = tpu.vector_load %arg4[%get3A_401] {strides = array<i32>} : memref<272xf32, #tpu.memory_space<vmem>>, vector<16xf32>,
    %get3A_403 = vector.shape_cast %get3A_402 : vector<16xf32> to vector<16xf32>
    %swap3A_404 = arith.constant 10365 : index
    %swap3A_405 = tpu.vector_load %arg5[%swap3A_404] {strides = array<i32>} : memref<32768xf32, #tpu.memory_space<vmem>>, vector<16xf32>,
    %swap3A_406 = vector.shape_cast %swap3A_405 : vector<16xf32> to vector<16xf32>
    %swap3A_407 = vector.shape_cast %get3A_403 : vector<16xf32> to vector<16xf32>
    tpu.vector_store %arg5[%swap3A_404], %swap3A_407 {strides = array<i32>} : memref<32768xf32, #tpu.memory_space<vmem>>, vector<16xf32>,
    %scan3A_408 = arith.constant 0 : i32
    %scan3A_409 = arith.constant 0 : i32
    %scan3A_410 = arith.constant 25 : i32
    %scan3A_411 = arith.addi %scan3A_409, %scan3A_410 : i32
    %scan3A_412 = arith.constant 1 : i32
    scf.for %scan3A_1100 = %scan3A_409 to %scan3A_411 step %scan3A_412  : i32 {
      %mul3A_1101 = arith.constant 16 : i32
      %mul3A_1102 = arith.muli %scan3A_1100, %mul3A_1101 : i32
      %add3A_1103 = arith.constant 13808 : i32
      %add3A_1104 = arith.addi %add3A_1103, %mul3A_1102 : i32
      %swap3A_1105 = arith.index_cast %add3A_1104 : i32 to index
      %swap3A_1106 = tpu.vector_load %arg5[%swap3A_1105] {strides = array<i32>} : memref<32768xf32, #tpu.memory_space<vmem>>, vector<16xf32>,
      %swap3A_1107 = vector.shape_cast %swap3A_1106 : vector<16xf32> to vector<16xf32>
      %swap3A_1108 = vector.shape_cast %add3A_9 : vector<16xf32> to vector<16xf32>
      tpu.vector_store %arg5[%swap3A_1105], %swap3A_1108 {strides = array<i32>} : memref<32768xf32, #tpu.memory_space<vmem>>, vector<16xf32>,
    }
    %scan3A_413 = arith.constant 25 : i32
    %scan3A_414 = arith.constant 0 : i32
    %scan3A_415 = arith.constant 0 : i32
    %scan3A_416 = arith.constant 24 : i32
    %scan3A_417 = arith.addi %scan3A_415, %scan3A_416 : i32
    %scan3A_418 = arith.constant 1 : i32
    scf.for %scan3A_1100 = %scan3A_415 to %scan3A_417 step %scan3A_418  : i32 {
      %mul3A_1101 = arith.constant 16 : i32
      %mul3A_1102 = arith.muli %scan3A_1100, %mul3A_1101 : i32
      %add3A_1103 = arith.constant 14464 : i32
      %add3A_1104 = arith.addi %add3A_1103, %mul3A_1102 : i32
      %swap3A_1105 = arith.index_cast %add3A_1104 : i32 to index
      %swap3A_1106 = tpu.vector_load %arg5[%swap3A_1105] {strides = array<i32>} : memref<32768xf32, #tpu.memory_space<vmem>>, vector<16xf32>,
      %swap3A_1107 = vector.shape_cast %swap3A_1106 : vector<16xf32> to vector<16xf32>
      %swap3A_1108 = vector.shape_cast %add3A_16 : vector<16xf32> to vector<16xf32>
      tpu.vector_store %arg5[%swap3A_1105], %swap3A_1108 {strides = array<i32>} : memref<32768xf32, #tpu.memory_space<vmem>>, vector<16xf32>,
    }
    %scan3A_419 = arith.constant 24 : i32
    %get3A_420 = arith.constant 0 : index
    %get3A_421 = tpu.vector_load %arg4[%get3A_420] {strides = array<i32>} : memref<272xf32, #tpu.memory_space<vmem>>, vector<16xf32>,
    %get3A_422 = vector.shape_cast %get3A_421 : vector<16xf32> to vector<16xf32>
    %swap3A_423 = arith.constant 14204 : index
    %swap3A_424 = tpu.vector_load %arg5[%swap3A_423] {strides = array<i32>} : memref<32768xf32, #tpu.memory_space<vmem>>, vector<16xf32>,
    %swap3A_425 = vector.shape_cast %swap3A_424 : vector<16xf32> to vector<16xf32>
    %swap3A_426 = vector.shape_cast %get3A_422 : vector<16xf32> to vector<16xf32>
    tpu.vector_store %arg5[%swap3A_423], %swap3A_426 {strides = array<i32>} : memref<32768xf32, #tpu.memory_space<vmem>>, vector<16xf32>,
    %get3A_427 = arith.constant 16 : index
    %get3A_428 = tpu.vector_load %arg4[%get3A_427] {strides = array<i32>} : memref<272xf32, #tpu.memory_space<vmem>>, vector<16xf32>,
    %get3A_429 = vector.shape_cast %get3A_428 : vector<16xf32> to vector<16xf32>
    %swap3A_430 = arith.constant 14220 : index
    %swap3A_431 = tpu.vector_load %arg5[%swap3A_430] {strides = array<i32>} : memref<32768xf32, #tpu.memory_space<vmem>>, vector<16xf32>,
    %swap3A_432 = vector.shape_cast %swap3A_431 : vector<16xf32> to vector<16xf32>
    %swap3A_433 = vector.shape_cast %get3A_429 : vector<16xf32> to vector<16xf32>
    tpu.vector_store %arg5[%swap3A_430], %swap3A_433 {strides = array<i32>} : memref<32768xf32, #tpu.memory_space<vmem>>, vector<16xf32>,
    %get3A_434 = arith.constant 32 : index
    %get3A_435 = tpu.vector_load %arg4[%get3A_434] {strides = array<i32>} : memref<272xf32, #tpu.memory_space<vmem>>, vector<16xf32>,
    %get3A_436 = vector.shape_cast %get3A_435 : vector<16xf32> to vector<16xf32>
    %swap3A_437 = arith.constant 14236 : index
    %swap3A_438 = tpu.vector_load %arg5[%swap3A_437] {strides = array<i32>} : memref<32768xf32, #tpu.memory_space<vmem>>, vector<16xf32>,
    %swap3A_439 = vector.shape_cast %swap3A_438 : vector<16xf32> to vector<16xf32>
    %swap3A_440 = vector.shape_cast %get3A_436 : vector<16xf32> to vector<16xf32>
    tpu.vector_store %arg5[%swap3A_437], %swap3A_440 {strides = array<i32>} : memref<32768xf32, #tpu.memory_space<vmem>>, vector<16xf32>,
    %get3A_441 = arith.constant 48 : index
    %get3A_442 = tpu.vector_load %arg4[%get3A_441] {strides = array<i32>} : memref<272xf32, #tpu.memory_space<vmem>>, vector<16xf32>,
    %get3A_443 = vector.shape_cast %get3A_442 : vector<16xf32> to vector<16xf32>
    %swap3A_444 = arith.constant 14252 : index
    %swap3A_445 = tpu.vector_load %arg5[%swap3A_444] {strides = array<i32>} : memref<32768xf32, #tpu.memory_space<vmem>>, vector<16xf32>,
    %swap3A_446 = vector.shape_cast %swap3A_445 : vector<16xf32> to vector<16xf32>
    %swap3A_447 = vector.shape_cast %get3A_443 : vector<16xf32> to vector<16xf32>
    tpu.vector_store %arg5[%swap3A_444], %swap3A_447 {strides = array<i32>} : memref<32768xf32, #tpu.memory_space<vmem>>, vector<16xf32>,
    %get3A_448 = arith.constant 64 : index
    %get3A_449 = tpu.vector_load %arg4[%get3A_448] {strides = array<i32>} : memref<272xf32, #tpu.memory_space<vmem>>, vector<16xf32>,
    %get3A_450 = vector.shape_cast %get3A_449 : vector<16xf32> to vector<16xf32>
    %swap3A_451 = arith.constant 14268 : index
    %swap3A_452 = tpu.vector_load %arg5[%swap3A_451] {strides = array<i32>} : memref<32768xf32, #tpu.memory_space<vmem>>, vector<16xf32>,
    %swap3A_453 = vector.shape_cast %swap3A_452 : vector<16xf32> to vector<16xf32>
    %swap3A_454 = vector.shape_cast %get3A_450 : vector<16xf32> to vector<16xf32>
    tpu.vector_store %arg5[%swap3A_451], %swap3A_454 {strides = array<i32>} : memref<32768xf32, #tpu.memory_space<vmem>>, vector<16xf32>,
    %get3A_455 = arith.constant 80 : index
    %get3A_456 = tpu.vector_load %arg4[%get3A_455] {strides = array<i32>} : memref<272xf32, #tpu.memory_space<vmem>>, vector<16xf32>,
    %get3A_457 = vector.shape_cast %get3A_456 : vector<16xf32> to vector<16xf32>
    %swap3A_458 = arith.constant 14284 : index
    %swap3A_459 = tpu.vector_load %arg5[%swap3A_458] {strides = array<i32>} : memref<32768xf32, #tpu.memory_space<vmem>>, vector<16xf32>,
    %swap3A_460 = vector.shape_cast %swap3A_459 : vector<16xf32> to vector<16xf32>
    %swap3A_461 = vector.shape_cast %get3A_457 : vector<16xf32> to vector<16xf32>
    tpu.vector_store %arg5[%swap3A_458], %swap3A_461 {strides = array<i32>} : memref<32768xf32, #tpu.memory_space<vmem>>, vector<16xf32>,
    %get3A_462 = arith.constant 96 : index
    %get3A_463 = tpu.vector_load %arg4[%get3A_462] {strides = array<i32>} : memref<272xf32, #tpu.memory_space<vmem>>, vector<16xf32>,
    %get3A_464 = vector.shape_cast %get3A_463 : vector<16xf32> to vector<16xf32>
    %swap3A_465 = arith.constant 14300 : index
    %swap3A_466 = tpu.vector_load %arg5[%swap3A_465] {strides = array<i32>} : memref<32768xf32, #tpu.memory_space<vmem>>, vector<16xf32>,
    %swap3A_467 = vector.shape_cast %swap3A_466 : vector<16xf32> to vector<16xf32>
    %swap3A_468 = vector.shape_cast %get3A_464 : vector<16xf32> to vector<16xf32>
    tpu.vector_store %arg5[%swap3A_465], %swap3A_468 {strides = array<i32>} : memref<32768xf32, #tpu.memory_space<vmem>>, vector<16xf32>,
    %get3A_469 = arith.constant 112 : index
    %get3A_470 = tpu.vector_load %arg4[%get3A_469] {strides = array<i32>} : memref<272xf32, #tpu.memory_space<vmem>>, vector<16xf32>,
    %get3A_471 = vector.shape_cast %get3A_470 : vector<16xf32> to vector<16xf32>
    %swap3A_472 = arith.constant 14316 : index
    %swap3A_473 = tpu.vector_load %arg5[%swap3A_472] {strides = array<i32>} : memref<32768xf32, #tpu.memory_space<vmem>>, vector<16xf32>,
    %swap3A_474 = vector.shape_cast %swap3A_473 : vector<16xf32> to vector<16xf32>
    %swap3A_475 = vector.shape_cast %get3A_471 : vector<16xf32> to vector<16xf32>
    tpu.vector_store %arg5[%swap3A_472], %swap3A_475 {strides = array<i32>} : memref<32768xf32, #tpu.memory_space<vmem>>, vector<16xf32>,
    %get3A_476 = arith.constant 128 : index
    %get3A_477 = tpu.vector_load %arg4[%get3A_476] {strides = array<i32>} : memref<272xf32, #tpu.memory_space<vmem>>, vector<16xf32>,
    %get3A_478 = vector.shape_cast %get3A_477 : vector<16xf32> to vector<16xf32>
    %swap3A_479 = arith.constant 14332 : index
    %swap3A_480 = tpu.vector_load %arg5[%swap3A_479] {strides = array<i32>} : memref<32768xf32, #tpu.memory_space<vmem>>, vector<16xf32>,
    %swap3A_481 = vector.shape_cast %swap3A_480 : vector<16xf32> to vector<16xf32>
    %swap3A_482 = vector.shape_cast %get3A_478 : vector<16xf32> to vector<16xf32>
    tpu.vector_store %arg5[%swap3A_479], %swap3A_482 {strides = array<i32>} : memref<32768xf32, #tpu.memory_space<vmem>>, vector<16xf32>,
    %get3A_483 = arith.constant 144 : index
    %get3A_484 = tpu.vector_load %arg4[%get3A_483] {strides = array<i32>} : memref<272xf32, #tpu.memory_space<vmem>>, vector<16xf32>,
    %get3A_485 = vector.shape_cast %get3A_484 : vector<16xf32> to vector<16xf32>
    %swap3A_486 = arith.constant 14348 : index
    %swap3A_487 = tpu.vector_load %arg5[%swap3A_486] {strides = array<i32>} : memref<32768xf32, #tpu.memory_space<vmem>>, vector<16xf32>,
    %swap3A_488 = vector.shape_cast %swap3A_487 : vector<16xf32> to vector<16xf32>
    %swap3A_489 = vector.shape_cast %get3A_485 : vector<16xf32> to vector<16xf32>
    tpu.vector_store %arg5[%swap3A_486], %swap3A_489 {strides = array<i32>} : memref<32768xf32, #tpu.memory_space<vmem>>, vector<16xf32>,
    %get3A_490 = arith.constant 160 : index
    %get3A_491 = tpu.vector_load %arg4[%get3A_490] {strides = array<i32>} : memref<272xf32, #tpu.memory_space<vmem>>, vector<16xf32>,
    %get3A_492 = vector.shape_cast %get3A_491 : vector<16xf32> to vector<16xf32>
    %swap3A_493 = arith.constant 14364 : index
    %swap3A_494 = tpu.vector_load %arg5[%swap3A_493] {strides = array<i32>} : memref<32768xf32, #tpu.memory_space<vmem>>, vector<16xf32>,
    %swap3A_495 = vector.shape_cast %swap3A_494 : vector<16xf32> to vector<16xf32>
    %swap3A_496 = vector.shape_cast %get3A_492 : vector<16xf32> to vector<16xf32>
    tpu.vector_store %arg5[%swap3A_493], %swap3A_496 {strides = array<i32>} : memref<32768xf32, #tpu.memory_space<vmem>>, vector<16xf32>,
    %get3A_497 = arith.constant 176 : index
    %get3A_498 = tpu.vector_load %arg4[%get3A_497] {strides = array<i32>} : memref<272xf32, #tpu.memory_space<vmem>>, vector<16xf32>,
    %get3A_499 = vector.shape_cast %get3A_498 : vector<16xf32> to vector<16xf32>
    %swap3A_500 = arith.constant 14380 : index
    %swap3A_501 = tpu.vector_load %arg5[%swap3A_500] {strides = array<i32>} : memref<32768xf32, #tpu.memory_space<vmem>>, vector<16xf32>,
    %swap3A_502 = vector.shape_cast %swap3A_501 : vector<16xf32> to vector<16xf32>
    %swap3A_503 = vector.shape_cast %get3A_499 : vector<16xf32> to vector<16xf32>
    tpu.vector_store %arg5[%swap3A_500], %swap3A_503 {strides = array<i32>} : memref<32768xf32, #tpu.memory_space<vmem>>, vector<16xf32>,
    %get3A_504 = arith.constant 192 : index
    %get3A_505 = tpu.vector_load %arg4[%get3A_504] {strides = array<i32>} : memref<272xf32, #tpu.memory_space<vmem>>, vector<16xf32>,
    %get3A_506 = vector.shape_cast %get3A_505 : vector<16xf32> to vector<16xf32>
    %swap3A_507 = arith.constant 14396 : index
    %swap3A_508 = tpu.vector_load %arg5[%swap3A_507] {strides = array<i32>} : memref<32768xf32, #tpu.memory_space<vmem>>, vector<16xf32>,
    %swap3A_509 = vector.shape_cast %swap3A_508 : vector<16xf32> to vector<16xf32>
    %swap3A_510 = vector.shape_cast %get3A_506 : vector<16xf32> to vector<16xf32>
    tpu.vector_store %arg5[%swap3A_507], %swap3A_510 {strides = array<i32>} : memref<32768xf32, #tpu.memory_space<vmem>>, vector<16xf32>,
    %get3A_511 = arith.constant 208 : index
    %get3A_512 = tpu.vector_load %arg4[%get3A_511] {strides = array<i32>} : memref<272xf32, #tpu.memory_space<vmem>>, vector<16xf32>,
    %get3A_513 = vector.shape_cast %get3A_512 : vector<16xf32> to vector<16xf32>
    %swap3A_514 = arith.constant 14412 : index
    %swap3A_515 = tpu.vector_load %arg5[%swap3A_514] {strides = array<i32>} : memref<32768xf32, #tpu.memory_space<vmem>>, vector<16xf32>,
    %swap3A_516 = vector.shape_cast %swap3A_515 : vector<16xf32> to vector<16xf32>
    %swap3A_517 = vector.shape_cast %get3A_513 : vector<16xf32> to vector<16xf32>
    tpu.vector_store %arg5[%swap3A_514], %swap3A_517 {strides = array<i32>} : memref<32768xf32, #tpu.memory_space<vmem>>, vector<16xf32>,
    %get3A_518 = arith.constant 224 : index
    %get3A_519 = tpu.vector_load %arg4[%get3A_518] {strides = array<i32>} : memref<272xf32, #tpu.memory_space<vmem>>, vector<16xf32>,
    %get3A_520 = vector.shape_cast %get3A_519 : vector<16xf32> to vector<16xf32>
    %swap3A_521 = arith.constant 14428 : index
    %swap3A_522 = tpu.vector_load %arg5[%swap3A_521] {strides = array<i32>} : memref<32768xf32, #tpu.memory_space<vmem>>, vector<16xf32>,
    %swap3A_523 = vector.shape_cast %swap3A_522 : vector<16xf32> to vector<16xf32>
    %swap3A_524 = vector.shape_cast %get3A_520 : vector<16xf32> to vector<16xf32>
    tpu.vector_store %arg5[%swap3A_521], %swap3A_524 {strides = array<i32>} : memref<32768xf32, #tpu.memory_space<vmem>>, vector<16xf32>,
    %get3A_525 = arith.constant 240 : index
    %get3A_526 = tpu.vector_load %arg4[%get3A_525] {strides = array<i32>} : memref<272xf32, #tpu.memory_space<vmem>>, vector<16xf32>,
    %get3A_527 = vector.shape_cast %get3A_526 : vector<16xf32> to vector<16xf32>
    %swap3A_528 = arith.constant 14444 : index
    %swap3A_529 = tpu.vector_load %arg5[%swap3A_528] {strides = array<i32>} : memref<32768xf32, #tpu.memory_space<vmem>>, vector<16xf32>,
    %swap3A_530 = vector.shape_cast %swap3A_529 : vector<16xf32> to vector<16xf32>
    %swap3A_531 = vector.shape_cast %get3A_527 : vector<16xf32> to vector<16xf32>
    tpu.vector_store %arg5[%swap3A_528], %swap3A_531 {strides = array<i32>} : memref<32768xf32, #tpu.memory_space<vmem>>, vector<16xf32>,
    %get3A_532 = arith.constant 256 : index
    %get3A_533 = tpu.vector_load %arg4[%get3A_532] {strides = array<i32>} : memref<272xf32, #tpu.memory_space<vmem>>, vector<16xf32>,
    %get3A_534 = vector.shape_cast %get3A_533 : vector<16xf32> to vector<16xf32>
    %swap3A_535 = arith.constant 14460 : index
    %swap3A_536 = tpu.vector_load %arg5[%swap3A_535] {strides = array<i32>} : memref<32768xf32, #tpu.memory_space<vmem>>, vector<16xf32>,
    %swap3A_537 = vector.shape_cast %swap3A_536 : vector<16xf32> to vector<16xf32>
    %swap3A_538 = vector.shape_cast %get3A_534 : vector<16xf32> to vector<16xf32>
    tpu.vector_store %arg5[%swap3A_535], %swap3A_538 {strides = array<i32>} : memref<32768xf32, #tpu.memory_space<vmem>>, vector<16xf32>,
    %scan3A_539 = arith.constant 0 : i32
    %scan3A_540 = arith.constant 0 : i32
    %scan3A_541 = arith.constant 25 : i32
    %scan3A_542 = arith.addi %scan3A_540, %scan3A_541 : i32
    %scan3A_543 = arith.constant 1 : i32
    scf.for %scan3A_1100 = %scan3A_540 to %scan3A_542 step %scan3A_543  : i32 {
      %mul3A_1101 = arith.constant 16 : i32
      %mul3A_1102 = arith.muli %scan3A_1100, %mul3A_1101 : i32
      %add3A_1103 = arith.constant 17904 : i32
      %add3A_1104 = arith.addi %add3A_1103, %mul3A_1102 : i32
      %swap3A_1105 = arith.index_cast %add3A_1104 : i32 to index
      %swap3A_1106 = tpu.vector_load %arg5[%swap3A_1105] {strides = array<i32>} : memref<32768xf32, #tpu.memory_space<vmem>>, vector<16xf32>,
      %swap3A_1107 = vector.shape_cast %swap3A_1106 : vector<16xf32> to vector<16xf32>
      %swap3A_1108 = vector.shape_cast %add3A_9 : vector<16xf32> to vector<16xf32>
      tpu.vector_store %arg5[%swap3A_1105], %swap3A_1108 {strides = array<i32>} : memref<32768xf32, #tpu.memory_space<vmem>>, vector<16xf32>,
    }
    %scan3A_544 = arith.constant 25 : i32
    %scan3A_545 = arith.constant 0 : i32
    %scan3A_546 = arith.constant 0 : i32
    %scan3A_547 = arith.constant 24 : i32
    %scan3A_548 = arith.addi %scan3A_546, %scan3A_547 : i32
    %scan3A_549 = arith.constant 1 : i32
    scf.for %scan3A_1100 = %scan3A_546 to %scan3A_548 step %scan3A_549  : i32 {
      %mul3A_1101 = arith.constant 16 : i32
      %mul3A_1102 = arith.muli %scan3A_1100, %mul3A_1101 : i32
      %add3A_1103 = arith.constant 18560 : i32
      %add3A_1104 = arith.addi %add3A_1103, %mul3A_1102 : i32
      %swap3A_1105 = arith.index_cast %add3A_1104 : i32 to index
      %swap3A_1106 = tpu.vector_load %arg5[%swap3A_1105] {strides = array<i32>} : memref<32768xf32, #tpu.memory_space<vmem>>, vector<16xf32>,
      %swap3A_1107 = vector.shape_cast %swap3A_1106 : vector<16xf32> to vector<16xf32>
      %swap3A_1108 = vector.shape_cast %add3A_16 : vector<16xf32> to vector<16xf32>
      tpu.vector_store %arg5[%swap3A_1105], %swap3A_1108 {strides = array<i32>} : memref<32768xf32, #tpu.memory_space<vmem>>, vector<16xf32>,
    }
    %scan3A_550 = arith.constant 24 : i32
    %get3A_551 = arith.constant 0 : index
    %get3A_552 = tpu.vector_load %arg4[%get3A_551] {strides = array<i32>} : memref<272xf32, #tpu.memory_space<vmem>>, vector<16xf32>,
    %get3A_553 = vector.shape_cast %get3A_552 : vector<16xf32> to vector<16xf32>
    %swap3A_554 = arith.constant 18299 : index
    %swap3A_555 = tpu.vector_load %arg5[%swap3A_554] {strides = array<i32>} : memref<32768xf32, #tpu.memory_space<vmem>>, vector<16xf32>,
    %swap3A_556 = vector.shape_cast %swap3A_555 : vector<16xf32> to vector<16xf32>
    %swap3A_557 = vector.shape_cast %get3A_553 : vector<16xf32> to vector<16xf32>
    tpu.vector_store %arg5[%swap3A_554], %swap3A_557 {strides = array<i32>} : memref<32768xf32, #tpu.memory_space<vmem>>, vector<16xf32>,
    %get3A_558 = arith.constant 16 : index
    %get3A_559 = tpu.vector_load %arg4[%get3A_558] {strides = array<i32>} : memref<272xf32, #tpu.memory_space<vmem>>, vector<16xf32>,
    %get3A_560 = vector.shape_cast %get3A_559 : vector<16xf32> to vector<16xf32>
    %swap3A_561 = arith.constant 18315 : index
    %swap3A_562 = tpu.vector_load %arg5[%swap3A_561] {strides = array<i32>} : memref<32768xf32, #tpu.memory_space<vmem>>, vector<16xf32>,
    %swap3A_563 = vector.shape_cast %swap3A_562 : vector<16xf32> to vector<16xf32>
    %swap3A_564 = vector.shape_cast %get3A_560 : vector<16xf32> to vector<16xf32>
    tpu.vector_store %arg5[%swap3A_561], %swap3A_564 {strides = array<i32>} : memref<32768xf32, #tpu.memory_space<vmem>>, vector<16xf32>,
    %get3A_565 = arith.constant 32 : index
    %get3A_566 = tpu.vector_load %arg4[%get3A_565] {strides = array<i32>} : memref<272xf32, #tpu.memory_space<vmem>>, vector<16xf32>,
    %get3A_567 = vector.shape_cast %get3A_566 : vector<16xf32> to vector<16xf32>
    %swap3A_568 = arith.constant 18331 : index
    %swap3A_569 = tpu.vector_load %arg5[%swap3A_568] {strides = array<i32>} : memref<32768xf32, #tpu.memory_space<vmem>>, vector<16xf32>,
    %swap3A_570 = vector.shape_cast %swap3A_569 : vector<16xf32> to vector<16xf32>
    %swap3A_571 = vector.shape_cast %get3A_567 : vector<16xf32> to vector<16xf32>
    tpu.vector_store %arg5[%swap3A_568], %swap3A_571 {strides = array<i32>} : memref<32768xf32, #tpu.memory_space<vmem>>, vector<16xf32>,
    %get3A_572 = arith.constant 48 : index
    %get3A_573 = tpu.vector_load %arg4[%get3A_572] {strides = array<i32>} : memref<272xf32, #tpu.memory_space<vmem>>, vector<16xf32>,
    %get3A_574 = vector.shape_cast %get3A_573 : vector<16xf32> to vector<16xf32>
    %swap3A_575 = arith.constant 18347 : index
    %swap3A_576 = tpu.vector_load %arg5[%swap3A_575] {strides = array<i32>} : memref<32768xf32, #tpu.memory_space<vmem>>, vector<16xf32>,
    %swap3A_577 = vector.shape_cast %swap3A_576 : vector<16xf32> to vector<16xf32>
    %swap3A_578 = vector.shape_cast %get3A_574 : vector<16xf32> to vector<16xf32>
    tpu.vector_store %arg5[%swap3A_575], %swap3A_578 {strides = array<i32>} : memref<32768xf32, #tpu.memory_space<vmem>>, vector<16xf32>,
    %get3A_579 = arith.constant 64 : index
    %get3A_580 = tpu.vector_load %arg4[%get3A_579] {strides = array<i32>} : memref<272xf32, #tpu.memory_space<vmem>>, vector<16xf32>,
    %get3A_581 = vector.shape_cast %get3A_580 : vector<16xf32> to vector<16xf32>
    %swap3A_582 = arith.constant 18363 : index
    %swap3A_583 = tpu.vector_load %arg5[%swap3A_582] {strides = array<i32>} : memref<32768xf32, #tpu.memory_space<vmem>>, vector<16xf32>,
    %swap3A_584 = vector.shape_cast %swap3A_583 : vector<16xf32> to vector<16xf32>
    %swap3A_585 = vector.shape_cast %get3A_581 : vector<16xf32> to vector<16xf32>
    tpu.vector_store %arg5[%swap3A_582], %swap3A_585 {strides = array<i32>} : memref<32768xf32, #tpu.memory_space<vmem>>, vector<16xf32>,
    %get3A_586 = arith.constant 80 : index
    %get3A_587 = tpu.vector_load %arg4[%get3A_586] {strides = array<i32>} : memref<272xf32, #tpu.memory_space<vmem>>, vector<16xf32>,
    %get3A_588 = vector.shape_cast %get3A_587 : vector<16xf32> to vector<16xf32>
    %swap3A_589 = arith.constant 18379 : index
    %swap3A_590 = tpu.vector_load %arg5[%swap3A_589] {strides = array<i32>} : memref<32768xf32, #tpu.memory_space<vmem>>, vector<16xf32>,
    %swap3A_591 = vector.shape_cast %swap3A_590 : vector<16xf32> to vector<16xf32>
    %swap3A_592 = vector.shape_cast %get3A_588 : vector<16xf32> to vector<16xf32>
    tpu.vector_store %arg5[%swap3A_589], %swap3A_592 {strides = array<i32>} : memref<32768xf32, #tpu.memory_space<vmem>>, vector<16xf32>,
    %get3A_593 = arith.constant 96 : index
    %get3A_594 = tpu.vector_load %arg4[%get3A_593] {strides = array<i32>} : memref<272xf32, #tpu.memory_space<vmem>>, vector<16xf32>,
    %get3A_595 = vector.shape_cast %get3A_594 : vector<16xf32> to vector<16xf32>
    %swap3A_596 = arith.constant 18395 : index
    %swap3A_597 = tpu.vector_load %arg5[%swap3A_596] {strides = array<i32>} : memref<32768xf32, #tpu.memory_space<vmem>>, vector<16xf32>,
    %swap3A_598 = vector.shape_cast %swap3A_597 : vector<16xf32> to vector<16xf32>
    %swap3A_599 = vector.shape_cast %get3A_595 : vector<16xf32> to vector<16xf32>
    tpu.vector_store %arg5[%swap3A_596], %swap3A_599 {strides = array<i32>} : memref<32768xf32, #tpu.memory_space<vmem>>, vector<16xf32>,
    %get3A_600 = arith.constant 112 : index
    %get3A_601 = tpu.vector_load %arg4[%get3A_600] {strides = array<i32>} : memref<272xf32, #tpu.memory_space<vmem>>, vector<16xf32>,
    %get3A_602 = vector.shape_cast %get3A_601 : vector<16xf32> to vector<16xf32>
    %swap3A_603 = arith.constant 18411 : index
    %swap3A_604 = tpu.vector_load %arg5[%swap3A_603] {strides = array<i32>} : memref<32768xf32, #tpu.memory_space<vmem>>, vector<16xf32>,
    %swap3A_605 = vector.shape_cast %swap3A_604 : vector<16xf32> to vector<16xf32>
    %swap3A_606 = vector.shape_cast %get3A_602 : vector<16xf32> to vector<16xf32>
    tpu.vector_store %arg5[%swap3A_603], %swap3A_606 {strides = array<i32>} : memref<32768xf32, #tpu.memory_space<vmem>>, vector<16xf32>,
    %get3A_607 = arith.constant 128 : index
    %get3A_608 = tpu.vector_load %arg4[%get3A_607] {strides = array<i32>} : memref<272xf32, #tpu.memory_space<vmem>>, vector<16xf32>,
    %get3A_609 = vector.shape_cast %get3A_608 : vector<16xf32> to vector<16xf32>
    %swap3A_610 = arith.constant 18427 : index
    %swap3A_611 = tpu.vector_load %arg5[%swap3A_610] {strides = array<i32>} : memref<32768xf32, #tpu.memory_space<vmem>>, vector<16xf32>,
    %swap3A_612 = vector.shape_cast %swap3A_611 : vector<16xf32> to vector<16xf32>
    %swap3A_613 = vector.shape_cast %get3A_609 : vector<16xf32> to vector<16xf32>
    tpu.vector_store %arg5[%swap3A_610], %swap3A_613 {strides = array<i32>} : memref<32768xf32, #tpu.memory_space<vmem>>, vector<16xf32>,
    %get3A_614 = arith.constant 144 : index
    %get3A_615 = tpu.vector_load %arg4[%get3A_614] {strides = array<i32>} : memref<272xf32, #tpu.memory_space<vmem>>, vector<16xf32>,
    %get3A_616 = vector.shape_cast %get3A_615 : vector<16xf32> to vector<16xf32>
    %swap3A_617 = arith.constant 18443 : index
    %swap3A_618 = tpu.vector_load %arg5[%swap3A_617] {strides = array<i32>} : memref<32768xf32, #tpu.memory_space<vmem>>, vector<16xf32>,
    %swap3A_619 = vector.shape_cast %swap3A_618 : vector<16xf32> to vector<16xf32>
    %swap3A_620 = vector.shape_cast %get3A_616 : vector<16xf32> to vector<16xf32>
    tpu.vector_store %arg5[%swap3A_617], %swap3A_620 {strides = array<i32>} : memref<32768xf32, #tpu.memory_space<vmem>>, vector<16xf32>,
    %get3A_621 = arith.constant 160 : index
    %get3A_622 = tpu.vector_load %arg4[%get3A_621] {strides = array<i32>} : memref<272xf32, #tpu.memory_space<vmem>>, vector<16xf32>,
    %get3A_623 = vector.shape_cast %get3A_622 : vector<16xf32> to vector<16xf32>
    %swap3A_624 = arith.constant 18459 : index
    %swap3A_625 = tpu.vector_load %arg5[%swap3A_624] {strides = array<i32>} : memref<32768xf32, #tpu.memory_space<vmem>>, vector<16xf32>,
    %swap3A_626 = vector.shape_cast %swap3A_625 : vector<16xf32> to vector<16xf32>
    %swap3A_627 = vector.shape_cast %get3A_623 : vector<16xf32> to vector<16xf32>
    tpu.vector_store %arg5[%swap3A_624], %swap3A_627 {strides = array<i32>} : memref<32768xf32, #tpu.memory_space<vmem>>, vector<16xf32>,
    %get3A_628 = arith.constant 176 : index
    %get3A_629 = tpu.vector_load %arg4[%get3A_628] {strides = array<i32>} : memref<272xf32, #tpu.memory_space<vmem>>, vector<16xf32>,
    %get3A_630 = vector.shape_cast %get3A_629 : vector<16xf32> to vector<16xf32>
    %swap3A_631 = arith.constant 18475 : index
    %swap3A_632 = tpu.vector_load %arg5[%swap3A_631] {strides = array<i32>} : memref<32768xf32, #tpu.memory_space<vmem>>, vector<16xf32>,
    %swap3A_633 = vector.shape_cast %swap3A_632 : vector<16xf32> to vector<16xf32>
    %swap3A_634 = vector.shape_cast %get3A_630 : vector<16xf32> to vector<16xf32>
    tpu.vector_store %arg5[%swap3A_631], %swap3A_634 {strides = array<i32>} : memref<32768xf32, #tpu.memory_space<vmem>>, vector<16xf32>,
    %get3A_635 = arith.constant 192 : index
    %get3A_636 = tpu.vector_load %arg4[%get3A_635] {strides = array<i32>} : memref<272xf32, #tpu.memory_space<vmem>>, vector<16xf32>,
    %get3A_637 = vector.shape_cast %get3A_636 : vector<16xf32> to vector<16xf32>
    %swap3A_638 = arith.constant 18491 : index
    %swap3A_639 = tpu.vector_load %arg5[%swap3A_638] {strides = array<i32>} : memref<32768xf32, #tpu.memory_space<vmem>>, vector<16xf32>,
    %swap3A_640 = vector.shape_cast %swap3A_639 : vector<16xf32> to vector<16xf32>
    %swap3A_641 = vector.shape_cast %get3A_637 : vector<16xf32> to vector<16xf32>
    tpu.vector_store %arg5[%swap3A_638], %swap3A_641 {strides = array<i32>} : memref<32768xf32, #tpu.memory_space<vmem>>, vector<16xf32>,
    %get3A_642 = arith.constant 208 : index
    %get3A_643 = tpu.vector_load %arg4[%get3A_642] {strides = array<i32>} : memref<272xf32, #tpu.memory_space<vmem>>, vector<16xf32>,
    %get3A_644 = vector.shape_cast %get3A_643 : vector<16xf32> to vector<16xf32>
    %swap3A_645 = arith.constant 18507 : index
    %swap3A_646 = tpu.vector_load %arg5[%swap3A_645] {strides = array<i32>} : memref<32768xf32, #tpu.memory_space<vmem>>, vector<16xf32>,
    %swap3A_647 = vector.shape_cast %swap3A_646 : vector<16xf32> to vector<16xf32>
    %swap3A_648 = vector.shape_cast %get3A_644 : vector<16xf32> to vector<16xf32>
    tpu.vector_store %arg5[%swap3A_645], %swap3A_648 {strides = array<i32>} : memref<32768xf32, #tpu.memory_space<vmem>>, vector<16xf32>,
    %get3A_649 = arith.constant 224 : index
    %get3A_650 = tpu.vector_load %arg4[%get3A_649] {strides = array<i32>} : memref<272xf32, #tpu.memory_space<vmem>>, vector<16xf32>,
    %get3A_651 = vector.shape_cast %get3A_650 : vector<16xf32> to vector<16xf32>
    %swap3A_652 = arith.constant 18523 : index
    %swap3A_653 = tpu.vector_load %arg5[%swap3A_652] {strides = array<i32>} : memref<32768xf32, #tpu.memory_space<vmem>>, vector<16xf32>,
    %swap3A_654 = vector.shape_cast %swap3A_653 : vector<16xf32> to vector<16xf32>
    %swap3A_655 = vector.shape_cast %get3A_651 : vector<16xf32> to vector<16xf32>
    tpu.vector_store %arg5[%swap3A_652], %swap3A_655 {strides = array<i32>} : memref<32768xf32, #tpu.memory_space<vmem>>, vector<16xf32>,
    %get3A_656 = arith.constant 240 : index
    %get3A_657 = tpu.vector_load %arg4[%get3A_656] {strides = array<i32>} : memref<272xf32, #tpu.memory_space<vmem>>, vector<16xf32>,
    %get3A_658 = vector.shape_cast %get3A_657 : vector<16xf32> to vector<16xf32>
    %swap3A_659 = arith.constant 18539 : index
    %swap3A_660 = tpu.vector_load %arg5[%swap3A_659] {strides = array<i32>} : memref<32768xf32, #tpu.memory_space<vmem>>, vector<16xf32>,
    %swap3A_661 = vector.shape_cast %swap3A_660 : vector<16xf32> to vector<16xf32>
    %swap3A_662 = vector.shape_cast %get3A_658 : vector<16xf32> to vector<16xf32>
    tpu.vector_store %arg5[%swap3A_659], %swap3A_662 {strides = array<i32>} : memref<32768xf32, #tpu.memory_space<vmem>>, vector<16xf32>,
    %get3A_663 = arith.constant 256 : index
    %get3A_664 = tpu.vector_load %arg4[%get3A_663] {strides = array<i32>} : memref<272xf32, #tpu.memory_space<vmem>>, vector<16xf32>,
    %get3A_665 = vector.shape_cast %get3A_664 : vector<16xf32> to vector<16xf32>
    %swap3A_666 = arith.constant 18555 : index
    %swap3A_667 = tpu.vector_load %arg5[%swap3A_666] {strides = array<i32>} : memref<32768xf32, #tpu.memory_space<vmem>>, vector<16xf32>,
    %swap3A_668 = vector.shape_cast %swap3A_667 : vector<16xf32> to vector<16xf32>
    %swap3A_669 = vector.shape_cast %get3A_665 : vector<16xf32> to vector<16xf32>
    tpu.vector_store %arg5[%swap3A_666], %swap3A_669 {strides = array<i32>} : memref<32768xf32, #tpu.memory_space<vmem>>, vector<16xf32>,
    %scan3A_670 = arith.constant 0 : i32
    %scan3A_671 = arith.constant 0 : i32
    %scan3A_672 = arith.constant 25 : i32
    %scan3A_673 = arith.addi %scan3A_671, %scan3A_672 : i32
    %scan3A_674 = arith.constant 1 : i32
    scf.for %scan3A_1100 = %scan3A_671 to %scan3A_673 step %scan3A_674  : i32 {
      %mul3A_1101 = arith.constant 16 : i32
      %mul3A_1102 = arith.muli %scan3A_1100, %mul3A_1101 : i32
      %add3A_1103 = arith.constant 22000 : i32
      %add3A_1104 = arith.addi %add3A_1103, %mul3A_1102 : i32
      %swap3A_1105 = arith.index_cast %add3A_1104 : i32 to index
      %swap3A_1106 = tpu.vector_load %arg5[%swap3A_1105] {strides = array<i32>} : memref<32768xf32, #tpu.memory_space<vmem>>, vector<16xf32>,
      %swap3A_1107 = vector.shape_cast %swap3A_1106 : vector<16xf32> to vector<16xf32>
      %swap3A_1108 = vector.shape_cast %add3A_9 : vector<16xf32> to vector<16xf32>
      tpu.vector_store %arg5[%swap3A_1105], %swap3A_1108 {strides = array<i32>} : memref<32768xf32, #tpu.memory_space<vmem>>, vector<16xf32>,
    }
    %scan3A_675 = arith.constant 25 : i32
    %scan3A_676 = arith.constant 0 : i32
    %scan3A_677 = arith.constant 0 : i32
    %scan3A_678 = arith.constant 24 : i32
    %scan3A_679 = arith.addi %scan3A_677, %scan3A_678 : i32
    %scan3A_680 = arith.constant 1 : i32
    scf.for %scan3A_1100 = %scan3A_677 to %scan3A_679 step %scan3A_680  : i32 {
      %mul3A_1101 = arith.constant 16 : i32
      %mul3A_1102 = arith.muli %scan3A_1100, %mul3A_1101 : i32
      %add3A_1103 = arith.constant 22656 : i32
      %add3A_1104 = arith.addi %add3A_1103, %mul3A_1102 : i32
      %swap3A_1105 = arith.index_cast %add3A_1104 : i32 to index
      %swap3A_1106 = tpu.vector_load %arg5[%swap3A_1105] {strides = array<i32>} : memref<32768xf32, #tpu.memory_space<vmem>>, vector<16xf32>,
      %swap3A_1107 = vector.shape_cast %swap3A_1106 : vector<16xf32> to vector<16xf32>
      %swap3A_1108 = vector.shape_cast %add3A_16 : vector<16xf32> to vector<16xf32>
      tpu.vector_store %arg5[%swap3A_1105], %swap3A_1108 {strides = array<i32>} : memref<32768xf32, #tpu.memory_space<vmem>>, vector<16xf32>,
    }
    %scan3A_681 = arith.constant 24 : i32
    %get3A_682 = arith.constant 0 : index
    %get3A_683 = tpu.vector_load %arg4[%get3A_682] {strides = array<i32>} : memref<272xf32, #tpu.memory_space<vmem>>, vector<16xf32>,
    %get3A_684 = vector.shape_cast %get3A_683 : vector<16xf32> to vector<16xf32>
    %swap3A_685 = arith.constant 22394 : index
    %swap3A_686 = tpu.vector_load %arg5[%swap3A_685] {strides = array<i32>} : memref<32768xf32, #tpu.memory_space<vmem>>, vector<16xf32>,
    %swap3A_687 = vector.shape_cast %swap3A_686 : vector<16xf32> to vector<16xf32>
    %swap3A_688 = vector.shape_cast %get3A_684 : vector<16xf32> to vector<16xf32>
    tpu.vector_store %arg5[%swap3A_685], %swap3A_688 {strides = array<i32>} : memref<32768xf32, #tpu.memory_space<vmem>>, vector<16xf32>,
    %get3A_689 = arith.constant 16 : index
    %get3A_690 = tpu.vector_load %arg4[%get3A_689] {strides = array<i32>} : memref<272xf32, #tpu.memory_space<vmem>>, vector<16xf32>,
    %get3A_691 = vector.shape_cast %get3A_690 : vector<16xf32> to vector<16xf32>
    %swap3A_692 = arith.constant 22410 : index
    %swap3A_693 = tpu.vector_load %arg5[%swap3A_692] {strides = array<i32>} : memref<32768xf32, #tpu.memory_space<vmem>>, vector<16xf32>,
    %swap3A_694 = vector.shape_cast %swap3A_693 : vector<16xf32> to vector<16xf32>
    %swap3A_695 = vector.shape_cast %get3A_691 : vector<16xf32> to vector<16xf32>
    tpu.vector_store %arg5[%swap3A_692], %swap3A_695 {strides = array<i32>} : memref<32768xf32, #tpu.memory_space<vmem>>, vector<16xf32>,
    %get3A_696 = arith.constant 32 : index
    %get3A_697 = tpu.vector_load %arg4[%get3A_696] {strides = array<i32>} : memref<272xf32, #tpu.memory_space<vmem>>, vector<16xf32>,
    %get3A_698 = vector.shape_cast %get3A_697 : vector<16xf32> to vector<16xf32>
    %swap3A_699 = arith.constant 22426 : index
    %swap3A_700 = tpu.vector_load %arg5[%swap3A_699] {strides = array<i32>} : memref<32768xf32, #tpu.memory_space<vmem>>, vector<16xf32>,
    %swap3A_701 = vector.shape_cast %swap3A_700 : vector<16xf32> to vector<16xf32>
    %swap3A_702 = vector.shape_cast %get3A_698 : vector<16xf32> to vector<16xf32>
    tpu.vector_store %arg5[%swap3A_699], %swap3A_702 {strides = array<i32>} : memref<32768xf32, #tpu.memory_space<vmem>>, vector<16xf32>,
    %get3A_703 = arith.constant 48 : index
    %get3A_704 = tpu.vector_load %arg4[%get3A_703] {strides = array<i32>} : memref<272xf32, #tpu.memory_space<vmem>>, vector<16xf32>,
    %get3A_705 = vector.shape_cast %get3A_704 : vector<16xf32> to vector<16xf32>
    %swap3A_706 = arith.constant 22442 : index
    %swap3A_707 = tpu.vector_load %arg5[%swap3A_706] {strides = array<i32>} : memref<32768xf32, #tpu.memory_space<vmem>>, vector<16xf32>,
    %swap3A_708 = vector.shape_cast %swap3A_707 : vector<16xf32> to vector<16xf32>
    %swap3A_709 = vector.shape_cast %get3A_705 : vector<16xf32> to vector<16xf32>
    tpu.vector_store %arg5[%swap3A_706], %swap3A_709 {strides = array<i32>} : memref<32768xf32, #tpu.memory_space<vmem>>, vector<16xf32>,
    %get3A_710 = arith.constant 64 : index
    %get3A_711 = tpu.vector_load %arg4[%get3A_710] {strides = array<i32>} : memref<272xf32, #tpu.memory_space<vmem>>, vector<16xf32>,
    %get3A_712 = vector.shape_cast %get3A_711 : vector<16xf32> to vector<16xf32>
    %swap3A_713 = arith.constant 22458 : index
    %swap3A_714 = tpu.vector_load %arg5[%swap3A_713] {strides = array<i32>} : memref<32768xf32, #tpu.memory_space<vmem>>, vector<16xf32>,
    %swap3A_715 = vector.shape_cast %swap3A_714 : vector<16xf32> to vector<16xf32>
    %swap3A_716 = vector.shape_cast %get3A_712 : vector<16xf32> to vector<16xf32>
    tpu.vector_store %arg5[%swap3A_713], %swap3A_716 {strides = array<i32>} : memref<32768xf32, #tpu.memory_space<vmem>>, vector<16xf32>,
    %get3A_717 = arith.constant 80 : index
    %get3A_718 = tpu.vector_load %arg4[%get3A_717] {strides = array<i32>} : memref<272xf32, #tpu.memory_space<vmem>>, vector<16xf32>,
    %get3A_719 = vector.shape_cast %get3A_718 : vector<16xf32> to vector<16xf32>
    %swap3A_720 = arith.constant 22474 : index
    %swap3A_721 = tpu.vector_load %arg5[%swap3A_720] {strides = array<i32>} : memref<32768xf32, #tpu.memory_space<vmem>>, vector<16xf32>,
    %swap3A_722 = vector.shape_cast %swap3A_721 : vector<16xf32> to vector<16xf32>
    %swap3A_723 = vector.shape_cast %get3A_719 : vector<16xf32> to vector<16xf32>
    tpu.vector_store %arg5[%swap3A_720], %swap3A_723 {strides = array<i32>} : memref<32768xf32, #tpu.memory_space<vmem>>, vector<16xf32>,
    %get3A_724 = arith.constant 96 : index
    %get3A_725 = tpu.vector_load %arg4[%get3A_724] {strides = array<i32>} : memref<272xf32, #tpu.memory_space<vmem>>, vector<16xf32>,
    %get3A_726 = vector.shape_cast %get3A_725 : vector<16xf32> to vector<16xf32>
    %swap3A_727 = arith.constant 22490 : index
    %swap3A_728 = tpu.vector_load %arg5[%swap3A_727] {strides = array<i32>} : memref<32768xf32, #tpu.memory_space<vmem>>, vector<16xf32>,
    %swap3A_729 = vector.shape_cast %swap3A_728 : vector<16xf32> to vector<16xf32>
    %swap3A_730 = vector.shape_cast %get3A_726 : vector<16xf32> to vector<16xf32>
    tpu.vector_store %arg5[%swap3A_727], %swap3A_730 {strides = array<i32>} : memref<32768xf32, #tpu.memory_space<vmem>>, vector<16xf32>,
    %get3A_731 = arith.constant 112 : index
    %get3A_732 = tpu.vector_load %arg4[%get3A_731] {strides = array<i32>} : memref<272xf32, #tpu.memory_space<vmem>>, vector<16xf32>,
    %get3A_733 = vector.shape_cast %get3A_732 : vector<16xf32> to vector<16xf32>
    %swap3A_734 = arith.constant 22506 : index
    %swap3A_735 = tpu.vector_load %arg5[%swap3A_734] {strides = array<i32>} : memref<32768xf32, #tpu.memory_space<vmem>>, vector<16xf32>,
    %swap3A_736 = vector.shape_cast %swap3A_735 : vector<16xf32> to vector<16xf32>
    %swap3A_737 = vector.shape_cast %get3A_733 : vector<16xf32> to vector<16xf32>
    tpu.vector_store %arg5[%swap3A_734], %swap3A_737 {strides = array<i32>} : memref<32768xf32, #tpu.memory_space<vmem>>, vector<16xf32>,
    %get3A_738 = arith.constant 128 : index
    %get3A_739 = tpu.vector_load %arg4[%get3A_738] {strides = array<i32>} : memref<272xf32, #tpu.memory_space<vmem>>, vector<16xf32>,
    %get3A_740 = vector.shape_cast %get3A_739 : vector<16xf32> to vector<16xf32>
    %swap3A_741 = arith.constant 22522 : index
    %swap3A_742 = tpu.vector_load %arg5[%swap3A_741] {strides = array<i32>} : memref<32768xf32, #tpu.memory_space<vmem>>, vector<16xf32>,
    %swap3A_743 = vector.shape_cast %swap3A_742 : vector<16xf32> to vector<16xf32>
    %swap3A_744 = vector.shape_cast %get3A_740 : vector<16xf32> to vector<16xf32>
    tpu.vector_store %arg5[%swap3A_741], %swap3A_744 {strides = array<i32>} : memref<32768xf32, #tpu.memory_space<vmem>>, vector<16xf32>,
    %get3A_745 = arith.constant 144 : index
    %get3A_746 = tpu.vector_load %arg4[%get3A_745] {strides = array<i32>} : memref<272xf32, #tpu.memory_space<vmem>>, vector<16xf32>,
    %get3A_747 = vector.shape_cast %get3A_746 : vector<16xf32> to vector<16xf32>
    %swap3A_748 = arith.constant 22538 : index
    %swap3A_749 = tpu.vector_load %arg5[%swap3A_748] {strides = array<i32>} : memref<32768xf32, #tpu.memory_space<vmem>>, vector<16xf32>,
    %swap3A_750 = vector.shape_cast %swap3A_749 : vector<16xf32> to vector<16xf32>
    %swap3A_751 = vector.shape_cast %get3A_747 : vector<16xf32> to vector<16xf32>
    tpu.vector_store %arg5[%swap3A_748], %swap3A_751 {strides = array<i32>} : memref<32768xf32, #tpu.memory_space<vmem>>, vector<16xf32>,
    %get3A_752 = arith.constant 160 : index
    %get3A_753 = tpu.vector_load %arg4[%get3A_752] {strides = array<i32>} : memref<272xf32, #tpu.memory_space<vmem>>, vector<16xf32>,
    %get3A_754 = vector.shape_cast %get3A_753 : vector<16xf32> to vector<16xf32>
    %swap3A_755 = arith.constant 22554 : index
    %swap3A_756 = tpu.vector_load %arg5[%swap3A_755] {strides = array<i32>} : memref<32768xf32, #tpu.memory_space<vmem>>, vector<16xf32>,
    %swap3A_757 = vector.shape_cast %swap3A_756 : vector<16xf32> to vector<16xf32>
    %swap3A_758 = vector.shape_cast %get3A_754 : vector<16xf32> to vector<16xf32>
    tpu.vector_store %arg5[%swap3A_755], %swap3A_758 {strides = array<i32>} : memref<32768xf32, #tpu.memory_space<vmem>>, vector<16xf32>,
    %get3A_759 = arith.constant 176 : index
    %get3A_760 = tpu.vector_load %arg4[%get3A_759] {strides = array<i32>} : memref<272xf32, #tpu.memory_space<vmem>>, vector<16xf32>,
    %get3A_761 = vector.shape_cast %get3A_760 : vector<16xf32> to vector<16xf32>
    %swap3A_762 = arith.constant 22570 : index
    %swap3A_763 = tpu.vector_load %arg5[%swap3A_762] {strides = array<i32>} : memref<32768xf32, #tpu.memory_space<vmem>>, vector<16xf32>,
    %swap3A_764 = vector.shape_cast %swap3A_763 : vector<16xf32> to vector<16xf32>
    %swap3A_765 = vector.shape_cast %get3A_761 : vector<16xf32> to vector<16xf32>
    tpu.vector_store %arg5[%swap3A_762], %swap3A_765 {strides = array<i32>} : memref<32768xf32, #tpu.memory_space<vmem>>, vector<16xf32>,
    %get3A_766 = arith.constant 192 : index
    %get3A_767 = tpu.vector_load %arg4[%get3A_766] {strides = array<i32>} : memref<272xf32, #tpu.memory_space<vmem>>, vector<16xf32>,
    %get3A_768 = vector.shape_cast %get3A_767 : vector<16xf32> to vector<16xf32>
    %swap3A_769 = arith.constant 22586 : index
    %swap3A_770 = tpu.vector_load %arg5[%swap3A_769] {strides = array<i32>} : memref<32768xf32, #tpu.memory_space<vmem>>, vector<16xf32>,
    %swap3A_771 = vector.shape_cast %swap3A_770 : vector<16xf32> to vector<16xf32>
    %swap3A_772 = vector.shape_cast %get3A_768 : vector<16xf32> to vector<16xf32>
    tpu.vector_store %arg5[%swap3A_769], %swap3A_772 {strides = array<i32>} : memref<32768xf32, #tpu.memory_space<vmem>>, vector<16xf32>,
    %get3A_773 = arith.constant 208 : index
    %get3A_774 = tpu.vector_load %arg4[%get3A_773] {strides = array<i32>} : memref<272xf32, #tpu.memory_space<vmem>>, vector<16xf32>,
    %get3A_775 = vector.shape_cast %get3A_774 : vector<16xf32> to vector<16xf32>
    %swap3A_776 = arith.constant 22602 : index
    %swap3A_777 = tpu.vector_load %arg5[%swap3A_776] {strides = array<i32>} : memref<32768xf32, #tpu.memory_space<vmem>>, vector<16xf32>,
    %swap3A_778 = vector.shape_cast %swap3A_777 : vector<16xf32> to vector<16xf32>
    %swap3A_779 = vector.shape_cast %get3A_775 : vector<16xf32> to vector<16xf32>
    tpu.vector_store %arg5[%swap3A_776], %swap3A_779 {strides = array<i32>} : memref<32768xf32, #tpu.memory_space<vmem>>, vector<16xf32>,
    %get3A_780 = arith.constant 224 : index
    %get3A_781 = tpu.vector_load %arg4[%get3A_780] {strides = array<i32>} : memref<272xf32, #tpu.memory_space<vmem>>, vector<16xf32>,
    %get3A_782 = vector.shape_cast %get3A_781 : vector<16xf32> to vector<16xf32>
    %swap3A_783 = arith.constant 22618 : index
    %swap3A_784 = tpu.vector_load %arg5[%swap3A_783] {strides = array<i32>} : memref<32768xf32, #tpu.memory_space<vmem>>, vector<16xf32>,
    %swap3A_785 = vector.shape_cast %swap3A_784 : vector<16xf32> to vector<16xf32>
    %swap3A_786 = vector.shape_cast %get3A_782 : vector<16xf32> to vector<16xf32>
    tpu.vector_store %arg5[%swap3A_783], %swap3A_786 {strides = array<i32>} : memref<32768xf32, #tpu.memory_space<vmem>>, vector<16xf32>,
    %get3A_787 = arith.constant 240 : index
    %get3A_788 = tpu.vector_load %arg4[%get3A_787] {strides = array<i32>} : memref<272xf32, #tpu.memory_space<vmem>>, vector<16xf32>,
    %get3A_789 = vector.shape_cast %get3A_788 : vector<16xf32> to vector<16xf32>
    %swap3A_790 = arith.constant 22634 : index
    %swap3A_791 = tpu.vector_load %arg5[%swap3A_790] {strides = array<i32>} : memref<32768xf32, #tpu.memory_space<vmem>>, vector<16xf32>,
    %swap3A_792 = vector.shape_cast %swap3A_791 : vector<16xf32> to vector<16xf32>
    %swap3A_793 = vector.shape_cast %get3A_789 : vector<16xf32> to vector<16xf32>
    tpu.vector_store %arg5[%swap3A_790], %swap3A_793 {strides = array<i32>} : memref<32768xf32, #tpu.memory_space<vmem>>, vector<16xf32>,
    %get3A_794 = arith.constant 256 : index
    %get3A_795 = tpu.vector_load %arg4[%get3A_794] {strides = array<i32>} : memref<272xf32, #tpu.memory_space<vmem>>, vector<16xf32>,
    %get3A_796 = vector.shape_cast %get3A_795 : vector<16xf32> to vector<16xf32>
    %swap3A_797 = arith.constant 22650 : index
    %swap3A_798 = tpu.vector_load %arg5[%swap3A_797] {strides = array<i32>} : memref<32768xf32, #tpu.memory_space<vmem>>, vector<16xf32>,
    %swap3A_799 = vector.shape_cast %swap3A_798 : vector<16xf32> to vector<16xf32>
    %swap3A_800 = vector.shape_cast %get3A_796 : vector<16xf32> to vector<16xf32>
    tpu.vector_store %arg5[%swap3A_797], %swap3A_800 {strides = array<i32>} : memref<32768xf32, #tpu.memory_space<vmem>>, vector<16xf32>,
    %scan3A_801 = arith.constant 0 : i32
    %scan3A_802 = arith.constant 0 : i32
    %scan3A_803 = arith.constant 25 : i32
    %scan3A_804 = arith.addi %scan3A_802, %scan3A_803 : i32
    %scan3A_805 = arith.constant 1 : i32
    scf.for %scan3A_1100 = %scan3A_802 to %scan3A_804 step %scan3A_805  : i32 {
      %mul3A_1101 = arith.constant 16 : i32
      %mul3A_1102 = arith.muli %scan3A_1100, %mul3A_1101 : i32
      %add3A_1103 = arith.constant 26096 : i32
      %add3A_1104 = arith.addi %add3A_1103, %mul3A_1102 : i32
      %swap3A_1105 = arith.index_cast %add3A_1104 : i32 to index
      %swap3A_1106 = tpu.vector_load %arg5[%swap3A_1105] {strides = array<i32>} : memref<32768xf32, #tpu.memory_space<vmem>>, vector<16xf32>,
      %swap3A_1107 = vector.shape_cast %swap3A_1106 : vector<16xf32> to vector<16xf32>
      %swap3A_1108 = vector.shape_cast %add3A_9 : vector<16xf32> to vector<16xf32>
      tpu.vector_store %arg5[%swap3A_1105], %swap3A_1108 {strides = array<i32>} : memref<32768xf32, #tpu.memory_space<vmem>>, vector<16xf32>,
    }
    %scan3A_806 = arith.constant 25 : i32
    %scan3A_807 = arith.constant 0 : i32
    %scan3A_808 = arith.constant 0 : i32
    %scan3A_809 = arith.constant 24 : i32
    %scan3A_810 = arith.addi %scan3A_808, %scan3A_809 : i32
    %scan3A_811 = arith.constant 1 : i32
    scf.for %scan3A_1100 = %scan3A_808 to %scan3A_810 step %scan3A_811  : i32 {
      %mul3A_1101 = arith.constant 16 : i32
      %mul3A_1102 = arith.muli %scan3A_1100, %mul3A_1101 : i32
      %add3A_1103 = arith.constant 26752 : i32
      %add3A_1104 = arith.addi %add3A_1103, %mul3A_1102 : i32
      %swap3A_1105 = arith.index_cast %add3A_1104 : i32 to index
      %swap3A_1106 = tpu.vector_load %arg5[%swap3A_1105] {strides = array<i32>} : memref<32768xf32, #tpu.memory_space<vmem>>, vector<16xf32>,
      %swap3A_1107 = vector.shape_cast %swap3A_1106 : vector<16xf32> to vector<16xf32>
      %swap3A_1108 = vector.shape_cast %add3A_16 : vector<16xf32> to vector<16xf32>
      tpu.vector_store %arg5[%swap3A_1105], %swap3A_1108 {strides = array<i32>} : memref<32768xf32, #tpu.memory_space<vmem>>, vector<16xf32>,
    }
    %scan3A_812 = arith.constant 24 : i32
    %get3A_813 = arith.constant 0 : index
    %get3A_814 = tpu.vector_load %arg4[%get3A_813] {strides = array<i32>} : memref<272xf32, #tpu.memory_space<vmem>>, vector<16xf32>,
    %get3A_815 = vector.shape_cast %get3A_814 : vector<16xf32> to vector<16xf32>
    %swap3A_816 = arith.constant 26489 : index
    %swap3A_817 = tpu.vector_load %arg5[%swap3A_816] {strides = array<i32>} : memref<32768xf32, #tpu.memory_space<vmem>>, vector<16xf32>,
    %swap3A_818 = vector.shape_cast %swap3A_817 : vector<16xf32> to vector<16xf32>
    %swap3A_819 = vector.shape_cast %get3A_815 : vector<16xf32> to vector<16xf32>
    tpu.vector_store %arg5[%swap3A_816], %swap3A_819 {strides = array<i32>} : memref<32768xf32, #tpu.memory_space<vmem>>, vector<16xf32>,
    %get3A_820 = arith.constant 16 : index
    %get3A_821 = tpu.vector_load %arg4[%get3A_820] {strides = array<i32>} : memref<272xf32, #tpu.memory_space<vmem>>, vector<16xf32>,
    %get3A_822 = vector.shape_cast %get3A_821 : vector<16xf32> to vector<16xf32>
    %swap3A_823 = arith.constant 26505 : index
    %swap3A_824 = tpu.vector_load %arg5[%swap3A_823] {strides = array<i32>} : memref<32768xf32, #tpu.memory_space<vmem>>, vector<16xf32>,
    %swap3A_825 = vector.shape_cast %swap3A_824 : vector<16xf32> to vector<16xf32>
    %swap3A_826 = vector.shape_cast %get3A_822 : vector<16xf32> to vector<16xf32>
    tpu.vector_store %arg5[%swap3A_823], %swap3A_826 {strides = array<i32>} : memref<32768xf32, #tpu.memory_space<vmem>>, vector<16xf32>,
    %get3A_827 = arith.constant 32 : index
    %get3A_828 = tpu.vector_load %arg4[%get3A_827] {strides = array<i32>} : memref<272xf32, #tpu.memory_space<vmem>>, vector<16xf32>,
    %get3A_829 = vector.shape_cast %get3A_828 : vector<16xf32> to vector<16xf32>
    %swap3A_830 = arith.constant 26521 : index
    %swap3A_831 = tpu.vector_load %arg5[%swap3A_830] {strides = array<i32>} : memref<32768xf32, #tpu.memory_space<vmem>>, vector<16xf32>,
    %swap3A_832 = vector.shape_cast %swap3A_831 : vector<16xf32> to vector<16xf32>
    %swap3A_833 = vector.shape_cast %get3A_829 : vector<16xf32> to vector<16xf32>
    tpu.vector_store %arg5[%swap3A_830], %swap3A_833 {strides = array<i32>} : memref<32768xf32, #tpu.memory_space<vmem>>, vector<16xf32>,
    %get3A_834 = arith.constant 48 : index
    %get3A_835 = tpu.vector_load %arg4[%get3A_834] {strides = array<i32>} : memref<272xf32, #tpu.memory_space<vmem>>, vector<16xf32>,
    %get3A_836 = vector.shape_cast %get3A_835 : vector<16xf32> to vector<16xf32>
    %swap3A_837 = arith.constant 26537 : index
    %swap3A_838 = tpu.vector_load %arg5[%swap3A_837] {strides = array<i32>} : memref<32768xf32, #tpu.memory_space<vmem>>, vector<16xf32>,
    %swap3A_839 = vector.shape_cast %swap3A_838 : vector<16xf32> to vector<16xf32>
    %swap3A_840 = vector.shape_cast %get3A_836 : vector<16xf32> to vector<16xf32>
    tpu.vector_store %arg5[%swap3A_837], %swap3A_840 {strides = array<i32>} : memref<32768xf32, #tpu.memory_space<vmem>>, vector<16xf32>,
    %get3A_841 = arith.constant 64 : index
    %get3A_842 = tpu.vector_load %arg4[%get3A_841] {strides = array<i32>} : memref<272xf32, #tpu.memory_space<vmem>>, vector<16xf32>,
    %get3A_843 = vector.shape_cast %get3A_842 : vector<16xf32> to vector<16xf32>
    %swap3A_844 = arith.constant 26553 : index
    %swap3A_845 = tpu.vector_load %arg5[%swap3A_844] {strides = array<i32>} : memref<32768xf32, #tpu.memory_space<vmem>>, vector<16xf32>,
    %swap3A_846 = vector.shape_cast %swap3A_845 : vector<16xf32> to vector<16xf32>
    %swap3A_847 = vector.shape_cast %get3A_843 : vector<16xf32> to vector<16xf32>
    tpu.vector_store %arg5[%swap3A_844], %swap3A_847 {strides = array<i32>} : memref<32768xf32, #tpu.memory_space<vmem>>, vector<16xf32>,
    %get3A_848 = arith.constant 80 : index
    %get3A_849 = tpu.vector_load %arg4[%get3A_848] {strides = array<i32>} : memref<272xf32, #tpu.memory_space<vmem>>, vector<16xf32>,
    %get3A_850 = vector.shape_cast %get3A_849 : vector<16xf32> to vector<16xf32>
    %swap3A_851 = arith.constant 26569 : index
    %swap3A_852 = tpu.vector_load %arg5[%swap3A_851] {strides = array<i32>} : memref<32768xf32, #tpu.memory_space<vmem>>, vector<16xf32>,
    %swap3A_853 = vector.shape_cast %swap3A_852 : vector<16xf32> to vector<16xf32>
    %swap3A_854 = vector.shape_cast %get3A_850 : vector<16xf32> to vector<16xf32>
    tpu.vector_store %arg5[%swap3A_851], %swap3A_854 {strides = array<i32>} : memref<32768xf32, #tpu.memory_space<vmem>>, vector<16xf32>,
    %get3A_855 = arith.constant 96 : index
    %get3A_856 = tpu.vector_load %arg4[%get3A_855] {strides = array<i32>} : memref<272xf32, #tpu.memory_space<vmem>>, vector<16xf32>,
    %get3A_857 = vector.shape_cast %get3A_856 : vector<16xf32> to vector<16xf32>
    %swap3A_858 = arith.constant 26585 : index
    %swap3A_859 = tpu.vector_load %arg5[%swap3A_858] {strides = array<i32>} : memref<32768xf32, #tpu.memory_space<vmem>>, vector<16xf32>,
    %swap3A_860 = vector.shape_cast %swap3A_859 : vector<16xf32> to vector<16xf32>
    %swap3A_861 = vector.shape_cast %get3A_857 : vector<16xf32> to vector<16xf32>
    tpu.vector_store %arg5[%swap3A_858], %swap3A_861 {strides = array<i32>} : memref<32768xf32, #tpu.memory_space<vmem>>, vector<16xf32>,
    %get3A_862 = arith.constant 112 : index
    %get3A_863 = tpu.vector_load %arg4[%get3A_862] {strides = array<i32>} : memref<272xf32, #tpu.memory_space<vmem>>, vector<16xf32>,
    %get3A_864 = vector.shape_cast %get3A_863 : vector<16xf32> to vector<16xf32>
    %swap3A_865 = arith.constant 26601 : index
    %swap3A_866 = tpu.vector_load %arg5[%swap3A_865] {strides = array<i32>} : memref<32768xf32, #tpu.memory_space<vmem>>, vector<16xf32>,
    %swap3A_867 = vector.shape_cast %swap3A_866 : vector<16xf32> to vector<16xf32>
    %swap3A_868 = vector.shape_cast %get3A_864 : vector<16xf32> to vector<16xf32>
    tpu.vector_store %arg5[%swap3A_865], %swap3A_868 {strides = array<i32>} : memref<32768xf32, #tpu.memory_space<vmem>>, vector<16xf32>,
    %get3A_869 = arith.constant 128 : index
    %get3A_870 = tpu.vector_load %arg4[%get3A_869] {strides = array<i32>} : memref<272xf32, #tpu.memory_space<vmem>>, vector<16xf32>,
    %get3A_871 = vector.shape_cast %get3A_870 : vector<16xf32> to vector<16xf32>
    %swap3A_872 = arith.constant 26617 : index
    %swap3A_873 = tpu.vector_load %arg5[%swap3A_872] {strides = array<i32>} : memref<32768xf32, #tpu.memory_space<vmem>>, vector<16xf32>,
    %swap3A_874 = vector.shape_cast %swap3A_873 : vector<16xf32> to vector<16xf32>
    %swap3A_875 = vector.shape_cast %get3A_871 : vector<16xf32> to vector<16xf32>
    tpu.vector_store %arg5[%swap3A_872], %swap3A_875 {strides = array<i32>} : memref<32768xf32, #tpu.memory_space<vmem>>, vector<16xf32>,
    %get3A_876 = arith.constant 144 : index
    %get3A_877 = tpu.vector_load %arg4[%get3A_876] {strides = array<i32>} : memref<272xf32, #tpu.memory_space<vmem>>, vector<16xf32>,
    %get3A_878 = vector.shape_cast %get3A_877 : vector<16xf32> to vector<16xf32>
    %swap3A_879 = arith.constant 26633 : index
    %swap3A_880 = tpu.vector_load %arg5[%swap3A_879] {strides = array<i32>} : memref<32768xf32, #tpu.memory_space<vmem>>, vector<16xf32>,
    %swap3A_881 = vector.shape_cast %swap3A_880 : vector<16xf32> to vector<16xf32>
    %swap3A_882 = vector.shape_cast %get3A_878 : vector<16xf32> to vector<16xf32>
    tpu.vector_store %arg5[%swap3A_879], %swap3A_882 {strides = array<i32>} : memref<32768xf32, #tpu.memory_space<vmem>>, vector<16xf32>,
    %get3A_883 = arith.constant 160 : index
    %get3A_884 = tpu.vector_load %arg4[%get3A_883] {strides = array<i32>} : memref<272xf32, #tpu.memory_space<vmem>>, vector<16xf32>,
    %get3A_885 = vector.shape_cast %get3A_884 : vector<16xf32> to vector<16xf32>
    %swap3A_886 = arith.constant 26649 : index
    %swap3A_887 = tpu.vector_load %arg5[%swap3A_886] {strides = array<i32>} : memref<32768xf32, #tpu.memory_space<vmem>>, vector<16xf32>,
    %swap3A_888 = vector.shape_cast %swap3A_887 : vector<16xf32> to vector<16xf32>
    %swap3A_889 = vector.shape_cast %get3A_885 : vector<16xf32> to vector<16xf32>
    tpu.vector_store %arg5[%swap3A_886], %swap3A_889 {strides = array<i32>} : memref<32768xf32, #tpu.memory_space<vmem>>, vector<16xf32>,
    %get3A_890 = arith.constant 176 : index
    %get3A_891 = tpu.vector_load %arg4[%get3A_890] {strides = array<i32>} : memref<272xf32, #tpu.memory_space<vmem>>, vector<16xf32>,
    %get3A_892 = vector.shape_cast %get3A_891 : vector<16xf32> to vector<16xf32>
    %swap3A_893 = arith.constant 26665 : index
    %swap3A_894 = tpu.vector_load %arg5[%swap3A_893] {strides = array<i32>} : memref<32768xf32, #tpu.memory_space<vmem>>, vector<16xf32>,
    %swap3A_895 = vector.shape_cast %swap3A_894 : vector<16xf32> to vector<16xf32>
    %swap3A_896 = vector.shape_cast %get3A_892 : vector<16xf32> to vector<16xf32>
    tpu.vector_store %arg5[%swap3A_893], %swap3A_896 {strides = array<i32>} : memref<32768xf32, #tpu.memory_space<vmem>>, vector<16xf32>,
    %get3A_897 = arith.constant 192 : index
    %get3A_898 = tpu.vector_load %arg4[%get3A_897] {strides = array<i32>} : memref<272xf32, #tpu.memory_space<vmem>>, vector<16xf32>,
    %get3A_899 = vector.shape_cast %get3A_898 : vector<16xf32> to vector<16xf32>
    %swap3A_900 = arith.constant 26681 : index
    %swap3A_901 = tpu.vector_load %arg5[%swap3A_900] {strides = array<i32>} : memref<32768xf32, #tpu.memory_space<vmem>>, vector<16xf32>,
    %swap3A_902 = vector.shape_cast %swap3A_901 : vector<16xf32> to vector<16xf32>
    %swap3A_903 = vector.shape_cast %get3A_899 : vector<16xf32> to vector<16xf32>
    tpu.vector_store %arg5[%swap3A_900], %swap3A_903 {strides = array<i32>} : memref<32768xf32, #tpu.memory_space<vmem>>, vector<16xf32>,
    %get3A_904 = arith.constant 208 : index
    %get3A_905 = tpu.vector_load %arg4[%get3A_904] {strides = array<i32>} : memref<272xf32, #tpu.memory_space<vmem>>, vector<16xf32>,
    %get3A_906 = vector.shape_cast %get3A_905 : vector<16xf32> to vector<16xf32>
    %swap3A_907 = arith.constant 26697 : index
    %swap3A_908 = tpu.vector_load %arg5[%swap3A_907] {strides = array<i32>} : memref<32768xf32, #tpu.memory_space<vmem>>, vector<16xf32>,
    %swap3A_909 = vector.shape_cast %swap3A_908 : vector<16xf32> to vector<16xf32>
    %swap3A_910 = vector.shape_cast %get3A_906 : vector<16xf32> to vector<16xf32>
    tpu.vector_store %arg5[%swap3A_907], %swap3A_910 {strides = array<i32>} : memref<32768xf32, #tpu.memory_space<vmem>>, vector<16xf32>,
    %get3A_911 = arith.constant 224 : index
    %get3A_912 = tpu.vector_load %arg4[%get3A_911] {strides = array<i32>} : memref<272xf32, #tpu.memory_space<vmem>>, vector<16xf32>,
    %get3A_913 = vector.shape_cast %get3A_912 : vector<16xf32> to vector<16xf32>
    %swap3A_914 = arith.constant 26713 : index
    %swap3A_915 = tpu.vector_load %arg5[%swap3A_914] {strides = array<i32>} : memref<32768xf32, #tpu.memory_space<vmem>>, vector<16xf32>,
    %swap3A_916 = vector.shape_cast %swap3A_915 : vector<16xf32> to vector<16xf32>
    %swap3A_917 = vector.shape_cast %get3A_913 : vector<16xf32> to vector<16xf32>
    tpu.vector_store %arg5[%swap3A_914], %swap3A_917 {strides = array<i32>} : memref<32768xf32, #tpu.memory_space<vmem>>, vector<16xf32>,
    %get3A_918 = arith.constant 240 : index
    %get3A_919 = tpu.vector_load %arg4[%get3A_918] {strides = array<i32>} : memref<272xf32, #tpu.memory_space<vmem>>, vector<16xf32>,
    %get3A_920 = vector.shape_cast %get3A_919 : vector<16xf32> to vector<16xf32>
    %swap3A_921 = arith.constant 26729 : index
    %swap3A_922 = tpu.vector_load %arg5[%swap3A_921] {strides = array<i32>} : memref<32768xf32, #tpu.memory_space<vmem>>, vector<16xf32>,
    %swap3A_923 = vector.shape_cast %swap3A_922 : vector<16xf32> to vector<16xf32>
    %swap3A_924 = vector.shape_cast %get3A_920 : vector<16xf32> to vector<16xf32>
    tpu.vector_store %arg5[%swap3A_921], %swap3A_924 {strides = array<i32>} : memref<32768xf32, #tpu.memory_space<vmem>>, vector<16xf32>,
    %get3A_925 = arith.constant 256 : index
    %get3A_926 = tpu.vector_load %arg4[%get3A_925] {strides = array<i32>} : memref<272xf32, #tpu.memory_space<vmem>>, vector<16xf32>,
    %get3A_927 = vector.shape_cast %get3A_926 : vector<16xf32> to vector<16xf32>
    %swap3A_928 = arith.constant 26745 : index
    %swap3A_929 = tpu.vector_load %arg5[%swap3A_928] {strides = array<i32>} : memref<32768xf32, #tpu.memory_space<vmem>>, vector<16xf32>,
    %swap3A_930 = vector.shape_cast %swap3A_929 : vector<16xf32> to vector<16xf32>
    %swap3A_931 = vector.shape_cast %get3A_927 : vector<16xf32> to vector<16xf32>
    tpu.vector_store %arg5[%swap3A_928], %swap3A_931 {strides = array<i32>} : memref<32768xf32, #tpu.memory_space<vmem>>, vector<16xf32>,
    %scan3A_932 = arith.constant 0 : i32
    %scan3A_933 = arith.constant 0 : i32
    %scan3A_934 = arith.constant 25 : i32
    %scan3A_935 = arith.addi %scan3A_933, %scan3A_934 : i32
    %scan3A_936 = arith.constant 1 : i32
    scf.for %scan3A_1100 = %scan3A_933 to %scan3A_935 step %scan3A_936  : i32 {
      %mul3A_1101 = arith.constant 16 : i32
      %mul3A_1102 = arith.muli %scan3A_1100, %mul3A_1101 : i32
      %add3A_1103 = arith.constant 30192 : i32
      %add3A_1104 = arith.addi %add3A_1103, %mul3A_1102 : i32
      %swap3A_1105 = arith.index_cast %add3A_1104 : i32 to index
      %swap3A_1106 = tpu.vector_load %arg5[%swap3A_1105] {strides = array<i32>} : memref<32768xf32, #tpu.memory_space<vmem>>, vector<16xf32>,
      %swap3A_1107 = vector.shape_cast %swap3A_1106 : vector<16xf32> to vector<16xf32>
      %swap3A_1108 = vector.shape_cast %add3A_9 : vector<16xf32> to vector<16xf32>
      tpu.vector_store %arg5[%swap3A_1105], %swap3A_1108 {strides = array<i32>} : memref<32768xf32, #tpu.memory_space<vmem>>, vector<16xf32>,
    }
    %scan3A_937 = arith.constant 25 : i32
    %scan3A_938 = arith.constant 0 : i32
    %scan3A_939 = arith.constant 0 : i32
    %scan3A_940 = arith.constant 24 : i32
    %scan3A_941 = arith.addi %scan3A_939, %scan3A_940 : i32
    %scan3A_942 = arith.constant 1 : i32
    scf.for %scan3A_1100 = %scan3A_939 to %scan3A_941 step %scan3A_942  : i32 {
      %mul3A_1101 = arith.constant 16 : i32
      %mul3A_1102 = arith.muli %scan3A_1100, %mul3A_1101 : i32
      %add3A_1103 = arith.constant 30848 : i32
      %add3A_1104 = arith.addi %add3A_1103, %mul3A_1102 : i32
      %swap3A_1105 = arith.index_cast %add3A_1104 : i32 to index
      %swap3A_1106 = tpu.vector_load %arg5[%swap3A_1105] {strides = array<i32>} : memref<32768xf32, #tpu.memory_space<vmem>>, vector<16xf32>,
      %swap3A_1107 = vector.shape_cast %swap3A_1106 : vector<16xf32> to vector<16xf32>
      %swap3A_1108 = vector.shape_cast %add3A_16 : vector<16xf32> to vector<16xf32>
      tpu.vector_store %arg5[%swap3A_1105], %swap3A_1108 {strides = array<i32>} : memref<32768xf32, #tpu.memory_space<vmem>>, vector<16xf32>,
    }
    %scan3A_943 = arith.constant 24 : i32
    %get3A_944 = arith.constant 0 : index
    %get3A_945 = tpu.vector_load %arg4[%get3A_944] {strides = array<i32>} : memref<272xf32, #tpu.memory_space<vmem>>, vector<16xf32>,
    %get3A_946 = vector.shape_cast %get3A_945 : vector<16xf32> to vector<16xf32>
    %swap3A_947 = arith.constant 30584 : index
    %swap3A_948 = tpu.vector_load %arg5[%swap3A_947] {strides = array<i32>} : memref<32768xf32, #tpu.memory_space<vmem>>, vector<16xf32>,
    %swap3A_949 = vector.shape_cast %swap3A_948 : vector<16xf32> to vector<16xf32>
    %swap3A_950 = vector.shape_cast %get3A_946 : vector<16xf32> to vector<16xf32>
    tpu.vector_store %arg5[%swap3A_947], %swap3A_950 {strides = array<i32>} : memref<32768xf32, #tpu.memory_space<vmem>>, vector<16xf32>,
    %get3A_951 = arith.constant 16 : index
    %get3A_952 = tpu.vector_load %arg4[%get3A_951] {strides = array<i32>} : memref<272xf32, #tpu.memory_space<vmem>>, vector<16xf32>,
    %get3A_953 = vector.shape_cast %get3A_952 : vector<16xf32> to vector<16xf32>
    %swap3A_954 = arith.constant 30600 : index
    %swap3A_955 = tpu.vector_load %arg5[%swap3A_954] {strides = array<i32>} : memref<32768xf32, #tpu.memory_space<vmem>>, vector<16xf32>,
    %swap3A_956 = vector.shape_cast %swap3A_955 : vector<16xf32> to vector<16xf32>
    %swap3A_957 = vector.shape_cast %get3A_953 : vector<16xf32> to vector<16xf32>
    tpu.vector_store %arg5[%swap3A_954], %swap3A_957 {strides = array<i32>} : memref<32768xf32, #tpu.memory_space<vmem>>, vector<16xf32>,
    %get3A_958 = arith.constant 32 : index
    %get3A_959 = tpu.vector_load %arg4[%get3A_958] {strides = array<i32>} : memref<272xf32, #tpu.memory_space<vmem>>, vector<16xf32>,
    %get3A_960 = vector.shape_cast %get3A_959 : vector<16xf32> to vector<16xf32>
    %swap3A_961 = arith.constant 30616 : index
    %swap3A_962 = tpu.vector_load %arg5[%swap3A_961] {strides = array<i32>} : memref<32768xf32, #tpu.memory_space<vmem>>, vector<16xf32>,
    %swap3A_963 = vector.shape_cast %swap3A_962 : vector<16xf32> to vector<16xf32>
    %swap3A_964 = vector.shape_cast %get3A_960 : vector<16xf32> to vector<16xf32>
    tpu.vector_store %arg5[%swap3A_961], %swap3A_964 {strides = array<i32>} : memref<32768xf32, #tpu.memory_space<vmem>>, vector<16xf32>,
    %get3A_965 = arith.constant 48 : index
    %get3A_966 = tpu.vector_load %arg4[%get3A_965] {strides = array<i32>} : memref<272xf32, #tpu.memory_space<vmem>>, vector<16xf32>,
    %get3A_967 = vector.shape_cast %get3A_966 : vector<16xf32> to vector<16xf32>
    %swap3A_968 = arith.constant 30632 : index
    %swap3A_969 = tpu.vector_load %arg5[%swap3A_968] {strides = array<i32>} : memref<32768xf32, #tpu.memory_space<vmem>>, vector<16xf32>,
    %swap3A_970 = vector.shape_cast %swap3A_969 : vector<16xf32> to vector<16xf32>
    %swap3A_971 = vector.shape_cast %get3A_967 : vector<16xf32> to vector<16xf32>
    tpu.vector_store %arg5[%swap3A_968], %swap3A_971 {strides = array<i32>} : memref<32768xf32, #tpu.memory_space<vmem>>, vector<16xf32>,
    %get3A_972 = arith.constant 64 : index
    %get3A_973 = tpu.vector_load %arg4[%get3A_972] {strides = array<i32>} : memref<272xf32, #tpu.memory_space<vmem>>, vector<16xf32>,
    %get3A_974 = vector.shape_cast %get3A_973 : vector<16xf32> to vector<16xf32>
    %swap3A_975 = arith.constant 30648 : index
    %swap3A_976 = tpu.vector_load %arg5[%swap3A_975] {strides = array<i32>} : memref<32768xf32, #tpu.memory_space<vmem>>, vector<16xf32>,
    %swap3A_977 = vector.shape_cast %swap3A_976 : vector<16xf32> to vector<16xf32>
    %swap3A_978 = vector.shape_cast %get3A_974 : vector<16xf32> to vector<16xf32>
    tpu.vector_store %arg5[%swap3A_975], %swap3A_978 {strides = array<i32>} : memref<32768xf32, #tpu.memory_space<vmem>>, vector<16xf32>,
    %get3A_979 = arith.constant 80 : index
    %get3A_980 = tpu.vector_load %arg4[%get3A_979] {strides = array<i32>} : memref<272xf32, #tpu.memory_space<vmem>>, vector<16xf32>,
    %get3A_981 = vector.shape_cast %get3A_980 : vector<16xf32> to vector<16xf32>
    %swap3A_982 = arith.constant 30664 : index
    %swap3A_983 = tpu.vector_load %arg5[%swap3A_982] {strides = array<i32>} : memref<32768xf32, #tpu.memory_space<vmem>>, vector<16xf32>,
    %swap3A_984 = vector.shape_cast %swap3A_983 : vector<16xf32> to vector<16xf32>
    %swap3A_985 = vector.shape_cast %get3A_981 : vector<16xf32> to vector<16xf32>
    tpu.vector_store %arg5[%swap3A_982], %swap3A_985 {strides = array<i32>} : memref<32768xf32, #tpu.memory_space<vmem>>, vector<16xf32>,
    %get3A_986 = arith.constant 96 : index
    %get3A_987 = tpu.vector_load %arg4[%get3A_986] {strides = array<i32>} : memref<272xf32, #tpu.memory_space<vmem>>, vector<16xf32>,
    %get3A_988 = vector.shape_cast %get3A_987 : vector<16xf32> to vector<16xf32>
    %swap3A_989 = arith.constant 30680 : index
    %swap3A_990 = tpu.vector_load %arg5[%swap3A_989] {strides = array<i32>} : memref<32768xf32, #tpu.memory_space<vmem>>, vector<16xf32>,
    %swap3A_991 = vector.shape_cast %swap3A_990 : vector<16xf32> to vector<16xf32>
    %swap3A_992 = vector.shape_cast %get3A_988 : vector<16xf32> to vector<16xf32>
    tpu.vector_store %arg5[%swap3A_989], %swap3A_992 {strides = array<i32>} : memref<32768xf32, #tpu.memory_space<vmem>>, vector<16xf32>,
    %get3A_993 = arith.constant 112 : index
    %get3A_994 = tpu.vector_load %arg4[%get3A_993] {strides = array<i32>} : memref<272xf32, #tpu.memory_space<vmem>>, vector<16xf32>,
    %get3A_995 = vector.shape_cast %get3A_994 : vector<16xf32> to vector<16xf32>
    %swap3A_996 = arith.constant 30696 : index
    %swap3A_997 = tpu.vector_load %arg5[%swap3A_996] {strides = array<i32>} : memref<32768xf32, #tpu.memory_space<vmem>>, vector<16xf32>,
    %swap3A_998 = vector.shape_cast %swap3A_997 : vector<16xf32> to vector<16xf32>
    %swap3A_999 = vector.shape_cast %get3A_995 : vector<16xf32> to vector<16xf32>
    tpu.vector_store %arg5[%swap3A_996], %swap3A_999 {strides = array<i32>} : memref<32768xf32, #tpu.memory_space<vmem>>, vector<16xf32>,
    %get3A_1000 = arith.constant 128 : index
    %get3A_1001 = tpu.vector_load %arg4[%get3A_1000] {strides = array<i32>} : memref<272xf32, #tpu.memory_space<vmem>>, vector<16xf32>,
    %get3A_1002 = vector.shape_cast %get3A_1001 : vector<16xf32> to vector<16xf32>
    %swap3A_1003 = arith.constant 30712 : index
    %swap3A_1004 = tpu.vector_load %arg5[%swap3A_1003] {strides = array<i32>} : memref<32768xf32, #tpu.memory_space<vmem>>, vector<16xf32>,
    %swap3A_1005 = vector.shape_cast %swap3A_1004 : vector<16xf32> to vector<16xf32>
    %swap3A_1006 = vector.shape_cast %get3A_1002 : vector<16xf32> to vector<16xf32>
    tpu.vector_store %arg5[%swap3A_1003], %swap3A_1006 {strides = array<i32>} : memref<32768xf32, #tpu.memory_space<vmem>>, vector<16xf32>,
    %get3A_1007 = arith.constant 144 : index
    %get3A_1008 = tpu.vector_load %arg4[%get3A_1007] {strides = array<i32>} : memref<272xf32, #tpu.memory_space<vmem>>, vector<16xf32>,
    %get3A_1009 = vector.shape_cast %get3A_1008 : vector<16xf32> to vector<16xf32>
    %swap3A_1010 = arith.constant 30728 : index
    %swap3A_1011 = tpu.vector_load %arg5[%swap3A_1010] {strides = array<i32>} : memref<32768xf32, #tpu.memory_space<vmem>>, vector<16xf32>,
    %swap3A_1012 = vector.shape_cast %swap3A_1011 : vector<16xf32> to vector<16xf32>
    %swap3A_1013 = vector.shape_cast %get3A_1009 : vector<16xf32> to vector<16xf32>
    tpu.vector_store %arg5[%swap3A_1010], %swap3A_1013 {strides = array<i32>} : memref<32768xf32, #tpu.memory_space<vmem>>, vector<16xf32>,
    %get3A_1014 = arith.constant 160 : index
    %get3A_1015 = tpu.vector_load %arg4[%get3A_1014] {strides = array<i32>} : memref<272xf32, #tpu.memory_space<vmem>>, vector<16xf32>,
    %get3A_1016 = vector.shape_cast %get3A_1015 : vector<16xf32> to vector<16xf32>
    %swap3A_1017 = arith.constant 30744 : index
    %swap3A_1018 = tpu.vector_load %arg5[%swap3A_1017] {strides = array<i32>} : memref<32768xf32, #tpu.memory_space<vmem>>, vector<16xf32>,
    %swap3A_1019 = vector.shape_cast %swap3A_1018 : vector<16xf32> to vector<16xf32>
    %swap3A_1020 = vector.shape_cast %get3A_1016 : vector<16xf32> to vector<16xf32>
    tpu.vector_store %arg5[%swap3A_1017], %swap3A_1020 {strides = array<i32>} : memref<32768xf32, #tpu.memory_space<vmem>>, vector<16xf32>,
    %get3A_1021 = arith.constant 176 : index
    %get3A_1022 = tpu.vector_load %arg4[%get3A_1021] {strides = array<i32>} : memref<272xf32, #tpu.memory_space<vmem>>, vector<16xf32>,
    %get3A_1023 = vector.shape_cast %get3A_1022 : vector<16xf32> to vector<16xf32>
    %swap3A_1024 = arith.constant 30760 : index
    %swap3A_1025 = tpu.vector_load %arg5[%swap3A_1024] {strides = array<i32>} : memref<32768xf32, #tpu.memory_space<vmem>>, vector<16xf32>,
    %swap3A_1026 = vector.shape_cast %swap3A_1025 : vector<16xf32> to vector<16xf32>
    %swap3A_1027 = vector.shape_cast %get3A_1023 : vector<16xf32> to vector<16xf32>
    tpu.vector_store %arg5[%swap3A_1024], %swap3A_1027 {strides = array<i32>} : memref<32768xf32, #tpu.memory_space<vmem>>, vector<16xf32>,
    %get3A_1028 = arith.constant 192 : index
    %get3A_1029 = tpu.vector_load %arg4[%get3A_1028] {strides = array<i32>} : memref<272xf32, #tpu.memory_space<vmem>>, vector<16xf32>,
    %get3A_1030 = vector.shape_cast %get3A_1029 : vector<16xf32> to vector<16xf32>
    %swap3A_1031 = arith.constant 30776 : index
    %swap3A_1032 = tpu.vector_load %arg5[%swap3A_1031] {strides = array<i32>} : memref<32768xf32, #tpu.memory_space<vmem>>, vector<16xf32>,
    %swap3A_1033 = vector.shape_cast %swap3A_1032 : vector<16xf32> to vector<16xf32>
    %swap3A_1034 = vector.shape_cast %get3A_1030 : vector<16xf32> to vector<16xf32>
    tpu.vector_store %arg5[%swap3A_1031], %swap3A_1034 {strides = array<i32>} : memref<32768xf32, #tpu.memory_space<vmem>>, vector<16xf32>,
    %get3A_1035 = arith.constant 208 : index
    %get3A_1036 = tpu.vector_load %arg4[%get3A_1035] {strides = array<i32>} : memref<272xf32, #tpu.memory_space<vmem>>, vector<16xf32>,
    %get3A_1037 = vector.shape_cast %get3A_1036 : vector<16xf32> to vector<16xf32>
    %swap3A_1038 = arith.constant 30792 : index
    %swap3A_1039 = tpu.vector_load %arg5[%swap3A_1038] {strides = array<i32>} : memref<32768xf32, #tpu.memory_space<vmem>>, vector<16xf32>,
    %swap3A_1040 = vector.shape_cast %swap3A_1039 : vector<16xf32> to vector<16xf32>
    %swap3A_1041 = vector.shape_cast %get3A_1037 : vector<16xf32> to vector<16xf32>
    tpu.vector_store %arg5[%swap3A_1038], %swap3A_1041 {strides = array<i32>} : memref<32768xf32, #tpu.memory_space<vmem>>, vector<16xf32>,
    %get3A_1042 = arith.constant 224 : index
    %get3A_1043 = tpu.vector_load %arg4[%get3A_1042] {strides = array<i32>} : memref<272xf32, #tpu.memory_space<vmem>>, vector<16xf32>,
    %get3A_1044 = vector.shape_cast %get3A_1043 : vector<16xf32> to vector<16xf32>
    %swap3A_1045 = arith.constant 30808 : index
    %swap3A_1046 = tpu.vector_load %arg5[%swap3A_1045] {strides = array<i32>} : memref<32768xf32, #tpu.memory_space<vmem>>, vector<16xf32>,
    %swap3A_1047 = vector.shape_cast %swap3A_1046 : vector<16xf32> to vector<16xf32>
    %swap3A_1048 = vector.shape_cast %get3A_1044 : vector<16xf32> to vector<16xf32>
    tpu.vector_store %arg5[%swap3A_1045], %swap3A_1048 {strides = array<i32>} : memref<32768xf32, #tpu.memory_space<vmem>>, vector<16xf32>,
    %get3A_1049 = arith.constant 240 : index
    %get3A_1050 = tpu.vector_load %arg4[%get3A_1049] {strides = array<i32>} : memref<272xf32, #tpu.memory_space<vmem>>, vector<16xf32>,
    %get3A_1051 = vector.shape_cast %get3A_1050 : vector<16xf32> to vector<16xf32>
    %swap3A_1052 = arith.constant 30824 : index
    %swap3A_1053 = tpu.vector_load %arg5[%swap3A_1052] {strides = array<i32>} : memref<32768xf32, #tpu.memory_space<vmem>>, vector<16xf32>,
    %swap3A_1054 = vector.shape_cast %swap3A_1053 : vector<16xf32> to vector<16xf32>
    %swap3A_1055 = vector.shape_cast %get3A_1051 : vector<16xf32> to vector<16xf32>
    tpu.vector_store %arg5[%swap3A_1052], %swap3A_1055 {strides = array<i32>} : memref<32768xf32, #tpu.memory_space<vmem>>, vector<16xf32>,
    %get3A_1056 = arith.constant 256 : index
    %get3A_1057 = tpu.vector_load %arg4[%get3A_1056] {strides = array<i32>} : memref<272xf32, #tpu.memory_space<vmem>>, vector<16xf32>,
    %get3A_1058 = vector.shape_cast %get3A_1057 : vector<16xf32> to vector<16xf32>
    %swap3A_1059 = arith.constant 30840 : index
    %swap3A_1060 = tpu.vector_load %arg5[%swap3A_1059] {strides = array<i32>} : memref<32768xf32, #tpu.memory_space<vmem>>, vector<16xf32>,
    %swap3A_1061 = vector.shape_cast %swap3A_1060 : vector<16xf32> to vector<16xf32>
    %swap3A_1062 = vector.shape_cast %get3A_1058 : vector<16xf32> to vector<16xf32>
    tpu.vector_store %arg5[%swap3A_1059], %swap3A_1062 {strides = array<i32>} : memref<32768xf32, #tpu.memory_space<vmem>>, vector<16xf32>,
    %scan3A_1063 = arith.constant 0 : i32
    %scan3A_1064 = arith.constant 0 : i32
    %scan3A_1065 = arith.constant 64 : i32
    %scan3A_1066 = arith.addi %scan3A_1064, %scan3A_1065 : i32
    %scan3A_1067 = arith.constant 1 : i32
    scf.for %scan3A_1100 = %scan3A_1064 to %scan3A_1066 step %scan3A_1067  : i32 {
      %shift_right_arithmetic3A_1101 = arith.constant 3 : i32
      %shift_right_arithmetic3A_1102 = arith.shrsi %scan3A_1100, %shift_right_arithmetic3A_1101 : i32
      %and3A_1103 = arith.constant 7 : i32
      %and3A_1104 = arith.andi %scan3A_1100, %and3A_1103 : i32
      %mul3A_1105 = arith.constant 2 : i32
      %mul3A_1106 = arith.muli %mul3A_1105, %shift_right_arithmetic3A_1102 : i32
      %add3A_1107 = arith.addi %mul3A_1106, %and3A_2 : i32
      %mul3A_1108 = arith.constant 8 : i32
      %mul3A_1109 = arith.muli %mul3A_1108, %add3A_1107 : i32
      %sub3A = arith.constant 1663 : i32
      %sub3A_1110 = arith.subi %sub3A, %mul3A_1109 : i32
      %sub3A_1111 = arith.subi %sub3A_1110, %and3A_1104 : i32
      %and3A_1112 = arith.constant 7 : i32
      %and3A_1113 = arith.andi %sub3A_1111, %and3A_1112 : i32
      %mul3A_1114 = arith.constant 4096 : i32
      %mul3A_1115 = arith.muli %and3A_1113, %mul3A_1114 : i32
      %sub3A_1116 = arith.subi %sub3A_1111, %and3A_1113 : i32
      %add3A_1117 = arith.addi %mul3A_1115, %sub3A_1116 : i32
      %multiple_of3A_1118 = tpu.assume_multiple %add3A_1117, 8 : i32
      %mul3A_1119 = arith.constant 16 : i32
      %mul3A_1120 = arith.muli %shift_right_arithmetic3A_1, %mul3A_1119 : i32
      %add3A_1121 = arith.addi %mul3A_1120, %add3A_1107 : i32
      %mul3A_1122 = arith.constant 8 : i32
      %mul3A_1123 = arith.muli %add3A_1121, %mul3A_1122 : i32
      %add3A_1124 = arith.addi %mul3A_1123, %and3A_1104 : i32
      %mul3A_1125 = arith.constant 896 : i32
      %mul3A_1126 = arith.muli %add3A_1124, %mul3A_1125 : i32
      %multiple_of3A_1127 = tpu.assume_multiple %mul3A_1126, 8 : i32
      %dma_start3A = tpu.memref_slice %arg5[%multiple_of3A_1118] : memref<32768xf32, #tpu.memory_space<vmem>> -> memref<896xf32, #tpu.memory_space<vmem>>
      %dma_start3A_1128 = tpu.memref_slice %arg3[%multiple_of3A_1127] : memref<1835008xf32, #tpu.memory_space<hbm>> -> memref<896xf32, #tpu.memory_space<hbm>>
      %dma_start3A_1129 = tpu.memref_slice %arg3[%multiple_of3A_1127] : memref<1835008xf32, #tpu.memory_space<hbm>> -> memref<896xf32, #tpu.memory_space<hbm>>
      %dma_start3A_1130 = tpu.memref_slice %arg5[%multiple_of3A_1118] : memref<32768xf32, #tpu.memory_space<vmem>> -> memref<896xf32, #tpu.memory_space<vmem>>
      tpu.enqueue_dma source(%dma_start3A_1130 : memref<896xf32, #tpu.memory_space<vmem>>) target(%dma_start3A_1129 : memref<896xf32, #tpu.memory_space<hbm>>) target_semaphore(%arg6 : memref<!tpu.dma_semaphore, #tpu.memory_space<semaphore_mem>>)
      %ge3A = arith.constant 4 : i32
      %ge3A_1131 = arith.cmpi sge, %scan3A_1100, %ge3A : i32
      %convert_element_type3A = arith.extui %ge3A_1131 : i1 to i32
      %cond3A = arith.constant 0 : i32
      %cond3A_1132 = arith.cmpi ne, %convert_element_type3A, %cond3A : i32
      scf.if %cond3A_1132 {
        %dma_wait3A_1133 = arith.constant 0 : i32
        %dma_wait3A_1134 = tpu.memref_slice %arg5[%dma_wait3A_1133] : memref<32768xf32, #tpu.memory_space<vmem>> -> memref<896xf32, #tpu.memory_space<vmem>>
        %dma_wait3A_1135 = arith.constant 0 : i32
        %dma_wait3A_1136 = tpu.memref_slice %arg3[%dma_wait3A_1135] : memref<1835008xf32, #tpu.memory_space<hbm>> -> memref<896xf32, #tpu.memory_space<hbm>>
        %dma_wait3A_1137 = arith.constant 0 : i32
        %dma_wait3A_1138 = tpu.memref_slice %arg3[%dma_wait3A_1137] : memref<1835008xf32, #tpu.memory_space<hbm>> -> memref<896xf32, #tpu.memory_space<hbm>>
        %dma_wait3A_1139 = arith.constant 0 : i32
        %dma_wait3A_1140 = tpu.memref_slice %arg5[%dma_wait3A_1139] : memref<32768xf32, #tpu.memory_space<vmem>> -> memref<896xf32, #tpu.memory_space<vmem>>
        tpu.wait_dma2 semaphore(%arg6 : memref<!tpu.dma_semaphore, #tpu.memory_space<semaphore_mem>>) src(%dma_wait3A_1140 : memref<896xf32, #tpu.memory_space<vmem>>) dst(%dma_wait3A_1138 : memref<896xf32, #tpu.memory_space<hbm>>)
      } else {
      }
    }
    %scan3A_1068 = arith.constant 64 : i32
    %dma_wait3A = arith.constant 0 : i32
    %dma_wait3A_1069 = tpu.memref_slice %arg5[%dma_wait3A] : memref<32768xf32, #tpu.memory_space<vmem>> -> memref<896xf32, #tpu.memory_space<vmem>>
    %dma_wait3A_1070 = arith.constant 0 : i32
    %dma_wait3A_1071 = tpu.memref_slice %arg3[%dma_wait3A_1070] : memref<1835008xf32, #tpu.memory_space<hbm>> -> memref<896xf32, #tpu.memory_space<hbm>>
    %dma_wait3A_1072 = arith.constant 0 : i32
    %dma_wait3A_1073 = tpu.memref_slice %arg3[%dma_wait3A_1072] : memref<1835008xf32, #tpu.memory_space<hbm>> -> memref<896xf32, #tpu.memory_space<hbm>>
    %dma_wait3A_1074 = arith.constant 0 : i32
    %dma_wait3A_1075 = tpu.memref_slice %arg5[%dma_wait3A_1074] : memref<32768xf32, #tpu.memory_space<vmem>> -> memref<896xf32, #tpu.memory_space<vmem>>
    tpu.wait_dma2 semaphore(%arg6 : memref<!tpu.dma_semaphore, #tpu.memory_space<semaphore_mem>>) src(%dma_wait3A_1075 : memref<896xf32, #tpu.memory_space<vmem>>) dst(%dma_wait3A_1073 : memref<896xf32, #tpu.memory_space<hbm>>)
    %dma_wait3A_1076 = arith.constant 0 : i32
    %dma_wait3A_1077 = tpu.memref_slice %arg5[%dma_wait3A_1076] : memref<32768xf32, #tpu.memory_space<vmem>> -> memref<896xf32, #tpu.memory_space<vmem>>
    %dma_wait3A_1078 = arith.constant 0 : i32
    %dma_wait3A_1079 = tpu.memref_slice %arg3[%dma_wait3A_1078] : memref<1835008xf32, #tpu.memory_space<hbm>> -> memref<896xf32, #tpu.memory_space<hbm>>
    %dma_wait3A_1080 = arith.constant 0 : i32
    %dma_wait3A_1081 = tpu.memref_slice %arg3[%dma_wait3A_1080] : memref<1835008xf32, #tpu.memory_space<hbm>> -> memref<896xf32, #tpu.memory_space<hbm>>
    %dma_wait3A_1082 = arith.constant 0 : i32
    %dma_wait3A_1083 = tpu.memref_slice %arg5[%dma_wait3A_1082] : memref<32768xf32, #tpu.memory_space<vmem>> -> memref<896xf32, #tpu.memory_space<vmem>>
    tpu.wait_dma2 semaphore(%arg6 : memref<!tpu.dma_semaphore, #tpu.memory_space<semaphore_mem>>) src(%dma_wait3A_1083 : memref<896xf32, #tpu.memory_space<vmem>>) dst(%dma_wait3A_1081 : memref<896xf32, #tpu.memory_space<hbm>>)
    %dma_wait3A_1084 = arith.constant 0 : i32
    %dma_wait3A_1085 = tpu.memref_slice %arg5[%dma_wait3A_1084] : memref<32768xf32, #tpu.memory_space<vmem>> -> memref<896xf32, #tpu.memory_space<vmem>>
    %dma_wait3A_1086 = arith.constant 0 : i32
    %dma_wait3A_1087 = tpu.memref_slice %arg3[%dma_wait3A_1086] : memref<1835008xf32, #tpu.memory_space<hbm>> -> memref<896xf32, #tpu.memory_space<hbm>>
    %dma_wait3A_1088 = arith.constant 0 : i32
    %dma_wait3A_1089 = tpu.memref_slice %arg3[%dma_wait3A_1088] : memref<1835008xf32, #tpu.memory_space<hbm>> -> memref<896xf32, #tpu.memory_space<hbm>>
    %dma_wait3A_1090 = arith.constant 0 : i32
    %dma_wait3A_1091 = tpu.memref_slice %arg5[%dma_wait3A_1090] : memref<32768xf32, #tpu.memory_space<vmem>> -> memref<896xf32, #tpu.memory_space<vmem>>
    tpu.wait_dma2 semaphore(%arg6 : memref<!tpu.dma_semaphore, #tpu.memory_space<semaphore_mem>>) src(%dma_wait3A_1091 : memref<896xf32, #tpu.memory_space<vmem>>) dst(%dma_wait3A_1089 : memref<896xf32, #tpu.memory_space<hbm>>)
    %dma_wait3A_1092 = arith.constant 0 : i32
    %dma_wait3A_1093 = tpu.memref_slice %arg5[%dma_wait3A_1092] : memref<32768xf32, #tpu.memory_space<vmem>> -> memref<896xf32, #tpu.memory_space<vmem>>
    %dma_wait3A_1094 = arith.constant 0 : i32
    %dma_wait3A_1095 = tpu.memref_slice %arg3[%dma_wait3A_1094] : memref<1835008xf32, #tpu.memory_space<hbm>> -> memref<896xf32, #tpu.memory_space<hbm>>
    %dma_wait3A_1096 = arith.constant 0 : i32
    %dma_wait3A_1097 = tpu.memref_slice %arg3[%dma_wait3A_1096] : memref<1835008xf32, #tpu.memory_space<hbm>> -> memref<896xf32, #tpu.memory_space<hbm>>
    %dma_wait3A_1098 = arith.constant 0 : i32
    %dma_wait3A_1099 = tpu.memref_slice %arg5[%dma_wait3A_1098] : memref<32768xf32, #tpu.memory_space<vmem>> -> memref<896xf32, #tpu.memory_space<vmem>>
    tpu.wait_dma2 semaphore(%arg6 : memref<!tpu.dma_semaphore, #tpu.memory_space<semaphore_mem>>) src(%dma_wait3A_1099 : memref<896xf32, #tpu.memory_space<vmem>>) dst(%dma_wait3A_1097 : memref<896xf32, #tpu.memory_space<hbm>>)
    return
  }
}

#map = affine_map<(d0, d1) -> (0, 0, 0, 0)>
module attributes {stable_mosaic.version = 14 : i64} {
  func.func @_emit_body(%arg0: i32, %arg1: i32, %arg2: memref<16x16x8x896xf32, #tpu.memory_space<hbm>>, %arg3: memref<16x256x8x2048xf32, #tpu.memory_space<hbm>>, %arg4: memref<8x896xf32, #tpu.memory_space<vmem>>, %arg5: memref<8x896xf32, #tpu.memory_space<vmem>>, %arg6: memref<8x896xf32, #tpu.memory_space<vmem>>, %arg7: memref<8x896xf32, #tpu.memory_space<vmem>>, %arg8: memref<!tpu.dma_semaphore, #tpu.memory_space<semaphore_mem>>, %arg9: memref<!tpu.dma_semaphore, #tpu.memory_space<semaphore_mem>>) attributes {dimension_semantics = [#tpu.dimension_semantics<core_parallel>, #tpu.dimension_semantics<subcore_parallel>], iteration_bounds = array<i64: 2, 16>, scalar_prefetch = 0 : i64, scratch_operands = 6 : i64, tpu.core_type = #tpu.core_type<sc_vector_subcore>, window_params = [{transform_indices = #map}, {transform_indices = #map}]} {
    %mul3A = arith.constant 2 : i32
    %mul3A_0 = arith.muli %arg1, %mul3A : i32
    %add3A = arith.addi %mul3A_0, %arg0 : i32
    %shift_right_arithmetic3A = arith.constant 1 : i32
    %shift_right_arithmetic3A_1 = arith.shrsi %add3A, %shift_right_arithmetic3A : i32
    %and3A = arith.constant 1 : i32
    %and3A_2 = arith.andi %add3A, %and3A : i32
    %add3A_3 = arith.constant 0 : i32
    %add3A_4 = arith.addi %add3A_3, %and3A_2 : i32
    %dma_start3A = arith.constant 0 : i32
    %dma_start3A_5 = arith.constant 0 : i32
    %dma_start3A_6 = tpu.memref_slice %arg2[%shift_right_arithmetic3A_1, %add3A_4, %dma_start3A, %dma_start3A_5] : memref<16x16x8x896xf32, #tpu.memory_space<hbm>> -> memref<1x1x8x896xf32, #tpu.memory_space<hbm>>
    %dma_start3A_7 = tpu.memref_squeeze %dma_start3A_6 : memref<1x1x8x896xf32, #tpu.memory_space<hbm>> -> memref<8x896xf32, #tpu.memory_space<hbm>>
    %dma_start3A_8 = arith.constant 0 : i32
    %dma_start3A_9 = arith.constant 0 : i32
    %dma_start3A_10 = tpu.memref_slice %arg2[%shift_right_arithmetic3A_1, %add3A_4, %dma_start3A_8, %dma_start3A_9] : memref<16x16x8x896xf32, #tpu.memory_space<hbm>> -> memref<1x1x8x896xf32, #tpu.memory_space<hbm>>
    %dma_start3A_11 = tpu.memref_squeeze %dma_start3A_10 : memref<1x1x8x896xf32, #tpu.memory_space<hbm>> -> memref<8x896xf32, #tpu.memory_space<hbm>>
    tpu.enqueue_dma source(%dma_start3A_11 : memref<8x896xf32, #tpu.memory_space<hbm>>) target(%arg4 : memref<8x896xf32, #tpu.memory_space<vmem>>) target_semaphore(%arg8 : memref<!tpu.dma_semaphore, #tpu.memory_space<semaphore_mem>>)
    %add3A_12 = arith.constant 2 : i32
    %add3A_13 = arith.addi %add3A_12, %and3A_2 : i32
    %dma_start3A_14 = arith.constant 0 : i32
    %dma_start3A_15 = arith.constant 0 : i32
    %dma_start3A_16 = tpu.memref_slice %arg2[%shift_right_arithmetic3A_1, %add3A_13, %dma_start3A_14, %dma_start3A_15] : memref<16x16x8x896xf32, #tpu.memory_space<hbm>> -> memref<1x1x8x896xf32, #tpu.memory_space<hbm>>
    %dma_start3A_17 = tpu.memref_squeeze %dma_start3A_16 : memref<1x1x8x896xf32, #tpu.memory_space<hbm>> -> memref<8x896xf32, #tpu.memory_space<hbm>>
    %dma_start3A_18 = arith.constant 0 : i32
    %dma_start3A_19 = arith.constant 0 : i32
    %dma_start3A_20 = tpu.memref_slice %arg2[%shift_right_arithmetic3A_1, %add3A_13, %dma_start3A_18, %dma_start3A_19] : memref<16x16x8x896xf32, #tpu.memory_space<hbm>> -> memref<1x1x8x896xf32, #tpu.memory_space<hbm>>
    %dma_start3A_21 = tpu.memref_squeeze %dma_start3A_20 : memref<1x1x8x896xf32, #tpu.memory_space<hbm>> -> memref<8x896xf32, #tpu.memory_space<hbm>>
    tpu.enqueue_dma source(%dma_start3A_21 : memref<8x896xf32, #tpu.memory_space<hbm>>) target(%arg5 : memref<8x896xf32, #tpu.memory_space<vmem>>) target_semaphore(%arg8 : memref<!tpu.dma_semaphore, #tpu.memory_space<semaphore_mem>>)
    %add3A_22 = arith.constant 4 : i32
    %add3A_23 = arith.addi %add3A_22, %and3A_2 : i32
    %dma_start3A_24 = arith.constant 0 : i32
    %dma_start3A_25 = arith.constant 0 : i32
    %dma_start3A_26 = tpu.memref_slice %arg2[%shift_right_arithmetic3A_1, %add3A_23, %dma_start3A_24, %dma_start3A_25] : memref<16x16x8x896xf32, #tpu.memory_space<hbm>> -> memref<1x1x8x896xf32, #tpu.memory_space<hbm>>
    %dma_start3A_27 = tpu.memref_squeeze %dma_start3A_26 : memref<1x1x8x896xf32, #tpu.memory_space<hbm>> -> memref<8x896xf32, #tpu.memory_space<hbm>>
    %dma_start3A_28 = arith.constant 0 : i32
    %dma_start3A_29 = arith.constant 0 : i32
    %dma_start3A_30 = tpu.memref_slice %arg2[%shift_right_arithmetic3A_1, %add3A_23, %dma_start3A_28, %dma_start3A_29] : memref<16x16x8x896xf32, #tpu.memory_space<hbm>> -> memref<1x1x8x896xf32, #tpu.memory_space<hbm>>
    %dma_start3A_31 = tpu.memref_squeeze %dma_start3A_30 : memref<1x1x8x896xf32, #tpu.memory_space<hbm>> -> memref<8x896xf32, #tpu.memory_space<hbm>>
    tpu.enqueue_dma source(%dma_start3A_31 : memref<8x896xf32, #tpu.memory_space<hbm>>) target(%arg6 : memref<8x896xf32, #tpu.memory_space<vmem>>) target_semaphore(%arg8 : memref<!tpu.dma_semaphore, #tpu.memory_space<semaphore_mem>>)
    %add3A_32 = arith.constant 6 : i32
    %add3A_33 = arith.addi %add3A_32, %and3A_2 : i32
    %dma_start3A_34 = arith.constant 0 : i32
    %dma_start3A_35 = arith.constant 0 : i32
    %dma_start3A_36 = tpu.memref_slice %arg2[%shift_right_arithmetic3A_1, %add3A_33, %dma_start3A_34, %dma_start3A_35] : memref<16x16x8x896xf32, #tpu.memory_space<hbm>> -> memref<1x1x8x896xf32, #tpu.memory_space<hbm>>
    %dma_start3A_37 = tpu.memref_squeeze %dma_start3A_36 : memref<1x1x8x896xf32, #tpu.memory_space<hbm>> -> memref<8x896xf32, #tpu.memory_space<hbm>>
    %dma_start3A_38 = arith.constant 0 : i32
    %dma_start3A_39 = arith.constant 0 : i32
    %dma_start3A_40 = tpu.memref_slice %arg2[%shift_right_arithmetic3A_1, %add3A_33, %dma_start3A_38, %dma_start3A_39] : memref<16x16x8x896xf32, #tpu.memory_space<hbm>> -> memref<1x1x8x896xf32, #tpu.memory_space<hbm>>
    %dma_start3A_41 = tpu.memref_squeeze %dma_start3A_40 : memref<1x1x8x896xf32, #tpu.memory_space<hbm>> -> memref<8x896xf32, #tpu.memory_space<hbm>>
    tpu.enqueue_dma source(%dma_start3A_41 : memref<8x896xf32, #tpu.memory_space<hbm>>) target(%arg7 : memref<8x896xf32, #tpu.memory_space<vmem>>) target_semaphore(%arg8 : memref<!tpu.dma_semaphore, #tpu.memory_space<semaphore_mem>>)
    %add3A_42 = arith.constant 0 : i32
    %add3A_43 = arith.addi %add3A_42, %and3A_2 : i32
    %dma_wait3A = arith.constant 0 : i32
    %dma_wait3A_44 = arith.constant 0 : i32
    %dma_wait3A_45 = arith.constant 0 : i32
    %dma_wait3A_46 = arith.constant 0 : i32
    %dma_wait3A_47 = tpu.memref_slice %arg2[%dma_wait3A, %dma_wait3A_44, %dma_wait3A_45, %dma_wait3A_46] : memref<16x16x8x896xf32, #tpu.memory_space<hbm>> -> memref<1x1x8x896xf32, #tpu.memory_space<hbm>>
    %dma_wait3A_48 = tpu.memref_squeeze %dma_wait3A_47 : memref<1x1x8x896xf32, #tpu.memory_space<hbm>> -> memref<8x896xf32, #tpu.memory_space<hbm>>
    %dma_wait3A_49 = arith.constant 0 : i32
    %dma_wait3A_50 = arith.constant 0 : i32
    %dma_wait3A_51 = tpu.memref_slice %arg2[%dma_wait3A, %dma_wait3A_44, %dma_wait3A_49, %dma_wait3A_50] : memref<16x16x8x896xf32, #tpu.memory_space<hbm>> -> memref<1x1x8x896xf32, #tpu.memory_space<hbm>>
    %dma_wait3A_52 = tpu.memref_squeeze %dma_wait3A_51 : memref<1x1x8x896xf32, #tpu.memory_space<hbm>> -> memref<8x896xf32, #tpu.memory_space<hbm>>
    tpu.wait_dma2 semaphore(%arg8 : memref<!tpu.dma_semaphore, #tpu.memory_space<semaphore_mem>>) src(%dma_wait3A_52 : memref<8x896xf32, #tpu.memory_space<hbm>>) dst(%arg4 : memref<8x896xf32, #tpu.memory_space<vmem>>)
    %scan3A = arith.constant 0 : i32
    %scan3A_53 = arith.constant 0 : i32
    %scan3A_54 = arith.constant 16 : i32
    %scan3A_55 = arith.addi %scan3A_53, %scan3A_54 : i32
    %scan3A_56 = arith.constant 1 : i32
    scf.for %scan3A_254 = %scan3A_53 to %scan3A_55 step %scan3A_56  : i32 {
      %mul3A_255 = arith.constant 16 : i32
      %mul3A_256 = arith.muli %mul3A_255, %scan3A_254 : i32
      %add3A_257 = arith.addi %add3A_43, %mul3A_256 : i32
      %sub3A = arith.constant 1 : i32
      %sub3A_258 = arith.subi %scan3A_254, %sub3A : i32
      %mul3A_259 = arith.constant 128 : i32
      %mul3A_260 = arith.muli %mul3A_259, %sub3A_258 : i32
      %jit3A = arith.constant 0 : i32
      %jit3A_261 = arith.constant 1536 : i32
      %max3A = arith.maxsi %jit3A, %mul3A_260 : i32
      %min3A = arith.minsi %jit3A_261, %max3A : i32
      %shift_right_arithmetic3A_262 = arith.constant 7 : i32
      %shift_right_arithmetic3A_263 = arith.shrsi %min3A, %shift_right_arithmetic3A_262 : i32
      %add3A_264 = arith.constant 384 : i32
      %add3A_265 = arith.addi %min3A, %add3A_264 : i32
      %mul3A_266 = arith.constant 128 : i32
      %mul3A_267 = arith.muli %mul3A_266, %scan3A_254 : i32
      %sub3A_268 = arith.subi %add3A_265, %mul3A_267 : i32
      %multiple_of3A = tpu.assume_multiple %sub3A_268, 128 : i32
      %multiple_of3A_269 = tpu.assume_multiple %min3A, 128 : i32
      %dma_start3A_270 = arith.constant 0 : i32
      %dma_start3A_271 = tpu.memref_slice %arg4[%dma_start3A_270, %multiple_of3A] : memref<8x896xf32, #tpu.memory_space<vmem>> -> memref<8x512xf32, #tpu.memory_space<vmem>>
      %dma_start3A_272 = arith.constant 0 : i32
      %dma_start3A_273 = arith.constant 0 : i32
      %dma_start3A_274 = tpu.memref_slice %arg3[%shift_right_arithmetic3A_1, %add3A_257, %dma_start3A_272, %dma_start3A_273] : memref<16x256x8x2048xf32, #tpu.memory_space<hbm>> -> memref<1x1x8x2048xf32, #tpu.memory_space<hbm>>
      %dma_start3A_275 = tpu.memref_squeeze %dma_start3A_274 : memref<1x1x8x2048xf32, #tpu.memory_space<hbm>> -> memref<8x2048xf32, #tpu.memory_space<hbm>>
      %dma_start3A_276 = arith.constant 0 : i32
      %dma_start3A_277 = tpu.memref_slice %dma_start3A_275[%dma_start3A_276, %multiple_of3A_269] : memref<8x2048xf32, #tpu.memory_space<hbm>> -> memref<8x512xf32, #tpu.memory_space<hbm>>
      %dma_start3A_278 = arith.constant 0 : i32
      %dma_start3A_279 = arith.constant 0 : i32
      %dma_start3A_280 = tpu.memref_slice %arg3[%shift_right_arithmetic3A_1, %add3A_257, %dma_start3A_278, %dma_start3A_279] : memref<16x256x8x2048xf32, #tpu.memory_space<hbm>> -> memref<1x1x8x2048xf32, #tpu.memory_space<hbm>>
      %dma_start3A_281 = tpu.memref_squeeze %dma_start3A_280 : memref<1x1x8x2048xf32, #tpu.memory_space<hbm>> -> memref<8x2048xf32, #tpu.memory_space<hbm>>
      %dma_start3A_282 = arith.constant 0 : i32
      %dma_start3A_283 = tpu.memref_slice %dma_start3A_281[%dma_start3A_282, %multiple_of3A_269] : memref<8x2048xf32, #tpu.memory_space<hbm>> -> memref<8x512xf32, #tpu.memory_space<hbm>>
      %dma_start3A_284 = arith.constant 0 : i32
      %dma_start3A_285 = tpu.memref_slice %arg4[%dma_start3A_284, %multiple_of3A] : memref<8x896xf32, #tpu.memory_space<vmem>> -> memref<8x512xf32, #tpu.memory_space<vmem>>
      tpu.enqueue_dma source(%dma_start3A_285 : memref<8x512xf32, #tpu.memory_space<vmem>>) target(%dma_start3A_283 : memref<8x512xf32, #tpu.memory_space<hbm>>) target_semaphore(%arg9 : memref<!tpu.dma_semaphore, #tpu.memory_space<semaphore_mem>>)
      %scan3A_286 = arith.constant 0 : i32
      %scan3A_287 = arith.constant 0 : i32
      %scan3A_288 = arith.constant 12 : i32
      %scan3A_289 = arith.addi %scan3A_287, %scan3A_288 : i32
      %scan3A_290 = arith.constant 1 : i32
      scf.for %scan3A_292 = %scan3A_287 to %scan3A_289 step %scan3A_290  : i32 {
        %lt3A = arith.cmpi slt, %scan3A_292, %shift_right_arithmetic3A_263 : i32
        %add3A_293 = arith.constant 4 : i32
        %add3A_294 = arith.addi %scan3A_292, %add3A_293 : i32
        %select_n3A = arith.select %lt3A, %scan3A_292, %add3A_294 : i32
        %mul3A_295 = arith.constant 128 : i32
        %mul3A_296 = arith.muli %select_n3A, %mul3A_295 : i32
        %jit3A_297 = arith.constant 0 : i32
        %jit3A_298 = arith.constant 768 : i32
        %select_n3A_299 = arith.select %lt3A, %jit3A_297, %jit3A_298 : i32
        %multiple_of3A_300 = tpu.assume_multiple %select_n3A_299, 128 : i32
        %multiple_of3A_301 = tpu.assume_multiple %mul3A_296, 128 : i32
        %dma_start3A_302 = arith.constant 0 : i32
        %dma_start3A_303 = tpu.memref_slice %arg4[%dma_start3A_302, %multiple_of3A_300] : memref<8x896xf32, #tpu.memory_space<vmem>> -> memref<8x128xf32, #tpu.memory_space<vmem>>
        %dma_start3A_304 = arith.constant 0 : i32
        %dma_start3A_305 = arith.constant 0 : i32
        %dma_start3A_306 = tpu.memref_slice %arg3[%shift_right_arithmetic3A_1, %add3A_257, %dma_start3A_304, %dma_start3A_305] : memref<16x256x8x2048xf32, #tpu.memory_space<hbm>> -> memref<1x1x8x2048xf32, #tpu.memory_space<hbm>>
        %dma_start3A_307 = tpu.memref_squeeze %dma_start3A_306 : memref<1x1x8x2048xf32, #tpu.memory_space<hbm>> -> memref<8x2048xf32, #tpu.memory_space<hbm>>
        %dma_start3A_308 = arith.constant 0 : i32
        %dma_start3A_309 = tpu.memref_slice %dma_start3A_307[%dma_start3A_308, %multiple_of3A_301] : memref<8x2048xf32, #tpu.memory_space<hbm>> -> memref<8x128xf32, #tpu.memory_space<hbm>>
        %dma_start3A_310 = arith.constant 0 : i32
        %dma_start3A_311 = arith.constant 0 : i32
        %dma_start3A_312 = tpu.memref_slice %arg3[%shift_right_arithmetic3A_1, %add3A_257, %dma_start3A_310, %dma_start3A_311] : memref<16x256x8x2048xf32, #tpu.memory_space<hbm>> -> memref<1x1x8x2048xf32, #tpu.memory_space<hbm>>
        %dma_start3A_313 = tpu.memref_squeeze %dma_start3A_312 : memref<1x1x8x2048xf32, #tpu.memory_space<hbm>> -> memref<8x2048xf32, #tpu.memory_space<hbm>>
        %dma_start3A_314 = arith.constant 0 : i32
        %dma_start3A_315 = tpu.memref_slice %dma_start3A_313[%dma_start3A_314, %multiple_of3A_301] : memref<8x2048xf32, #tpu.memory_space<hbm>> -> memref<8x128xf32, #tpu.memory_space<hbm>>
        %dma_start3A_316 = arith.constant 0 : i32
        %dma_start3A_317 = tpu.memref_slice %arg4[%dma_start3A_316, %multiple_of3A_300] : memref<8x896xf32, #tpu.memory_space<vmem>> -> memref<8x128xf32, #tpu.memory_space<vmem>>
        tpu.enqueue_dma source(%dma_start3A_317 : memref<8x128xf32, #tpu.memory_space<vmem>>) target(%dma_start3A_315 : memref<8x128xf32, #tpu.memory_space<hbm>>) target_semaphore(%arg9 : memref<!tpu.dma_semaphore, #tpu.memory_space<semaphore_mem>>)
      }
      %scan3A_291 = arith.constant 12 : i32
    }
    %scan3A_57 = arith.constant 16 : i32
    %add3A_58 = arith.constant 2 : i32
    %add3A_59 = arith.addi %add3A_58, %and3A_2 : i32
    %dma_wait3A_60 = arith.constant 0 : i32
    %dma_wait3A_61 = arith.constant 0 : i32
    %dma_wait3A_62 = arith.constant 0 : i32
    %dma_wait3A_63 = arith.constant 0 : i32
    %dma_wait3A_64 = tpu.memref_slice %arg2[%dma_wait3A_60, %dma_wait3A_61, %dma_wait3A_62, %dma_wait3A_63] : memref<16x16x8x896xf32, #tpu.memory_space<hbm>> -> memref<1x1x8x896xf32, #tpu.memory_space<hbm>>
    %dma_wait3A_65 = tpu.memref_squeeze %dma_wait3A_64 : memref<1x1x8x896xf32, #tpu.memory_space<hbm>> -> memref<8x896xf32, #tpu.memory_space<hbm>>
    %dma_wait3A_66 = arith.constant 0 : i32
    %dma_wait3A_67 = arith.constant 0 : i32
    %dma_wait3A_68 = tpu.memref_slice %arg2[%dma_wait3A_60, %dma_wait3A_61, %dma_wait3A_66, %dma_wait3A_67] : memref<16x16x8x896xf32, #tpu.memory_space<hbm>> -> memref<1x1x8x896xf32, #tpu.memory_space<hbm>>
    %dma_wait3A_69 = tpu.memref_squeeze %dma_wait3A_68 : memref<1x1x8x896xf32, #tpu.memory_space<hbm>> -> memref<8x896xf32, #tpu.memory_space<hbm>>
    tpu.wait_dma2 semaphore(%arg8 : memref<!tpu.dma_semaphore, #tpu.memory_space<semaphore_mem>>) src(%dma_wait3A_69 : memref<8x896xf32, #tpu.memory_space<hbm>>) dst(%arg5 : memref<8x896xf32, #tpu.memory_space<vmem>>)
    %scan3A_70 = arith.constant 0 : i32
    %scan3A_71 = arith.constant 0 : i32
    %scan3A_72 = arith.constant 16 : i32
    %scan3A_73 = arith.addi %scan3A_71, %scan3A_72 : i32
    %scan3A_74 = arith.constant 1 : i32
    scf.for %scan3A_254 = %scan3A_71 to %scan3A_73 step %scan3A_74  : i32 {
      %mul3A_255 = arith.constant 16 : i32
      %mul3A_256 = arith.muli %mul3A_255, %scan3A_254 : i32
      %add3A_257 = arith.addi %add3A_59, %mul3A_256 : i32
      %sub3A = arith.constant 1 : i32
      %sub3A_258 = arith.subi %scan3A_254, %sub3A : i32
      %mul3A_259 = arith.constant 128 : i32
      %mul3A_260 = arith.muli %mul3A_259, %sub3A_258 : i32
      %jit3A = arith.constant 0 : i32
      %jit3A_261 = arith.constant 1536 : i32
      %max3A = arith.maxsi %jit3A, %mul3A_260 : i32
      %min3A = arith.minsi %jit3A_261, %max3A : i32
      %shift_right_arithmetic3A_262 = arith.constant 7 : i32
      %shift_right_arithmetic3A_263 = arith.shrsi %min3A, %shift_right_arithmetic3A_262 : i32
      %add3A_264 = arith.constant 384 : i32
      %add3A_265 = arith.addi %min3A, %add3A_264 : i32
      %mul3A_266 = arith.constant 128 : i32
      %mul3A_267 = arith.muli %mul3A_266, %scan3A_254 : i32
      %sub3A_268 = arith.subi %add3A_265, %mul3A_267 : i32
      %multiple_of3A = tpu.assume_multiple %sub3A_268, 128 : i32
      %multiple_of3A_269 = tpu.assume_multiple %min3A, 128 : i32
      %dma_start3A_270 = arith.constant 0 : i32
      %dma_start3A_271 = tpu.memref_slice %arg5[%dma_start3A_270, %multiple_of3A] : memref<8x896xf32, #tpu.memory_space<vmem>> -> memref<8x512xf32, #tpu.memory_space<vmem>>
      %dma_start3A_272 = arith.constant 0 : i32
      %dma_start3A_273 = arith.constant 0 : i32
      %dma_start3A_274 = tpu.memref_slice %arg3[%shift_right_arithmetic3A_1, %add3A_257, %dma_start3A_272, %dma_start3A_273] : memref<16x256x8x2048xf32, #tpu.memory_space<hbm>> -> memref<1x1x8x2048xf32, #tpu.memory_space<hbm>>
      %dma_start3A_275 = tpu.memref_squeeze %dma_start3A_274 : memref<1x1x8x2048xf32, #tpu.memory_space<hbm>> -> memref<8x2048xf32, #tpu.memory_space<hbm>>
      %dma_start3A_276 = arith.constant 0 : i32
      %dma_start3A_277 = tpu.memref_slice %dma_start3A_275[%dma_start3A_276, %multiple_of3A_269] : memref<8x2048xf32, #tpu.memory_space<hbm>> -> memref<8x512xf32, #tpu.memory_space<hbm>>
      %dma_start3A_278 = arith.constant 0 : i32
      %dma_start3A_279 = arith.constant 0 : i32
      %dma_start3A_280 = tpu.memref_slice %arg3[%shift_right_arithmetic3A_1, %add3A_257, %dma_start3A_278, %dma_start3A_279] : memref<16x256x8x2048xf32, #tpu.memory_space<hbm>> -> memref<1x1x8x2048xf32, #tpu.memory_space<hbm>>
      %dma_start3A_281 = tpu.memref_squeeze %dma_start3A_280 : memref<1x1x8x2048xf32, #tpu.memory_space<hbm>> -> memref<8x2048xf32, #tpu.memory_space<hbm>>
      %dma_start3A_282 = arith.constant 0 : i32
      %dma_start3A_283 = tpu.memref_slice %dma_start3A_281[%dma_start3A_282, %multiple_of3A_269] : memref<8x2048xf32, #tpu.memory_space<hbm>> -> memref<8x512xf32, #tpu.memory_space<hbm>>
      %dma_start3A_284 = arith.constant 0 : i32
      %dma_start3A_285 = tpu.memref_slice %arg5[%dma_start3A_284, %multiple_of3A] : memref<8x896xf32, #tpu.memory_space<vmem>> -> memref<8x512xf32, #tpu.memory_space<vmem>>
      tpu.enqueue_dma source(%dma_start3A_285 : memref<8x512xf32, #tpu.memory_space<vmem>>) target(%dma_start3A_283 : memref<8x512xf32, #tpu.memory_space<hbm>>) target_semaphore(%arg9 : memref<!tpu.dma_semaphore, #tpu.memory_space<semaphore_mem>>)
      %scan3A_286 = arith.constant 0 : i32
      %scan3A_287 = arith.constant 0 : i32
      %scan3A_288 = arith.constant 12 : i32
      %scan3A_289 = arith.addi %scan3A_287, %scan3A_288 : i32
      %scan3A_290 = arith.constant 1 : i32
      scf.for %scan3A_292 = %scan3A_287 to %scan3A_289 step %scan3A_290  : i32 {
        %lt3A = arith.cmpi slt, %scan3A_292, %shift_right_arithmetic3A_263 : i32
        %add3A_293 = arith.constant 4 : i32
        %add3A_294 = arith.addi %scan3A_292, %add3A_293 : i32
        %select_n3A = arith.select %lt3A, %scan3A_292, %add3A_294 : i32
        %mul3A_295 = arith.constant 128 : i32
        %mul3A_296 = arith.muli %select_n3A, %mul3A_295 : i32
        %jit3A_297 = arith.constant 0 : i32
        %jit3A_298 = arith.constant 768 : i32
        %select_n3A_299 = arith.select %lt3A, %jit3A_297, %jit3A_298 : i32
        %multiple_of3A_300 = tpu.assume_multiple %select_n3A_299, 128 : i32
        %multiple_of3A_301 = tpu.assume_multiple %mul3A_296, 128 : i32
        %dma_start3A_302 = arith.constant 0 : i32
        %dma_start3A_303 = tpu.memref_slice %arg5[%dma_start3A_302, %multiple_of3A_300] : memref<8x896xf32, #tpu.memory_space<vmem>> -> memref<8x128xf32, #tpu.memory_space<vmem>>
        %dma_start3A_304 = arith.constant 0 : i32
        %dma_start3A_305 = arith.constant 0 : i32
        %dma_start3A_306 = tpu.memref_slice %arg3[%shift_right_arithmetic3A_1, %add3A_257, %dma_start3A_304, %dma_start3A_305] : memref<16x256x8x2048xf32, #tpu.memory_space<hbm>> -> memref<1x1x8x2048xf32, #tpu.memory_space<hbm>>
        %dma_start3A_307 = tpu.memref_squeeze %dma_start3A_306 : memref<1x1x8x2048xf32, #tpu.memory_space<hbm>> -> memref<8x2048xf32, #tpu.memory_space<hbm>>
        %dma_start3A_308 = arith.constant 0 : i32
        %dma_start3A_309 = tpu.memref_slice %dma_start3A_307[%dma_start3A_308, %multiple_of3A_301] : memref<8x2048xf32, #tpu.memory_space<hbm>> -> memref<8x128xf32, #tpu.memory_space<hbm>>
        %dma_start3A_310 = arith.constant 0 : i32
        %dma_start3A_311 = arith.constant 0 : i32
        %dma_start3A_312 = tpu.memref_slice %arg3[%shift_right_arithmetic3A_1, %add3A_257, %dma_start3A_310, %dma_start3A_311] : memref<16x256x8x2048xf32, #tpu.memory_space<hbm>> -> memref<1x1x8x2048xf32, #tpu.memory_space<hbm>>
        %dma_start3A_313 = tpu.memref_squeeze %dma_start3A_312 : memref<1x1x8x2048xf32, #tpu.memory_space<hbm>> -> memref<8x2048xf32, #tpu.memory_space<hbm>>
        %dma_start3A_314 = arith.constant 0 : i32
        %dma_start3A_315 = tpu.memref_slice %dma_start3A_313[%dma_start3A_314, %multiple_of3A_301] : memref<8x2048xf32, #tpu.memory_space<hbm>> -> memref<8x128xf32, #tpu.memory_space<hbm>>
        %dma_start3A_316 = arith.constant 0 : i32
        %dma_start3A_317 = tpu.memref_slice %arg5[%dma_start3A_316, %multiple_of3A_300] : memref<8x896xf32, #tpu.memory_space<vmem>> -> memref<8x128xf32, #tpu.memory_space<vmem>>
        tpu.enqueue_dma source(%dma_start3A_317 : memref<8x128xf32, #tpu.memory_space<vmem>>) target(%dma_start3A_315 : memref<8x128xf32, #tpu.memory_space<hbm>>) target_semaphore(%arg9 : memref<!tpu.dma_semaphore, #tpu.memory_space<semaphore_mem>>)
      }
      %scan3A_291 = arith.constant 12 : i32
    }
    %scan3A_75 = arith.constant 16 : i32
    %add3A_76 = arith.constant 4 : i32
    %add3A_77 = arith.addi %add3A_76, %and3A_2 : i32
    %dma_wait3A_78 = arith.constant 0 : i32
    %dma_wait3A_79 = arith.constant 0 : i32
    %dma_wait3A_80 = arith.constant 0 : i32
    %dma_wait3A_81 = arith.constant 0 : i32
    %dma_wait3A_82 = tpu.memref_slice %arg2[%dma_wait3A_78, %dma_wait3A_79, %dma_wait3A_80, %dma_wait3A_81] : memref<16x16x8x896xf32, #tpu.memory_space<hbm>> -> memref<1x1x8x896xf32, #tpu.memory_space<hbm>>
    %dma_wait3A_83 = tpu.memref_squeeze %dma_wait3A_82 : memref<1x1x8x896xf32, #tpu.memory_space<hbm>> -> memref<8x896xf32, #tpu.memory_space<hbm>>
    %dma_wait3A_84 = arith.constant 0 : i32
    %dma_wait3A_85 = arith.constant 0 : i32
    %dma_wait3A_86 = tpu.memref_slice %arg2[%dma_wait3A_78, %dma_wait3A_79, %dma_wait3A_84, %dma_wait3A_85] : memref<16x16x8x896xf32, #tpu.memory_space<hbm>> -> memref<1x1x8x896xf32, #tpu.memory_space<hbm>>
    %dma_wait3A_87 = tpu.memref_squeeze %dma_wait3A_86 : memref<1x1x8x896xf32, #tpu.memory_space<hbm>> -> memref<8x896xf32, #tpu.memory_space<hbm>>
    tpu.wait_dma2 semaphore(%arg8 : memref<!tpu.dma_semaphore, #tpu.memory_space<semaphore_mem>>) src(%dma_wait3A_87 : memref<8x896xf32, #tpu.memory_space<hbm>>) dst(%arg6 : memref<8x896xf32, #tpu.memory_space<vmem>>)
    %scan3A_88 = arith.constant 0 : i32
    %scan3A_89 = arith.constant 0 : i32
    %scan3A_90 = arith.constant 16 : i32
    %scan3A_91 = arith.addi %scan3A_89, %scan3A_90 : i32
    %scan3A_92 = arith.constant 1 : i32
    scf.for %scan3A_254 = %scan3A_89 to %scan3A_91 step %scan3A_92  : i32 {
      %mul3A_255 = arith.constant 16 : i32
      %mul3A_256 = arith.muli %mul3A_255, %scan3A_254 : i32
      %add3A_257 = arith.addi %add3A_77, %mul3A_256 : i32
      %sub3A = arith.constant 1 : i32
      %sub3A_258 = arith.subi %scan3A_254, %sub3A : i32
      %mul3A_259 = arith.constant 128 : i32
      %mul3A_260 = arith.muli %mul3A_259, %sub3A_258 : i32
      %jit3A = arith.constant 0 : i32
      %jit3A_261 = arith.constant 1536 : i32
      %max3A = arith.maxsi %jit3A, %mul3A_260 : i32
      %min3A = arith.minsi %jit3A_261, %max3A : i32
      %shift_right_arithmetic3A_262 = arith.constant 7 : i32
      %shift_right_arithmetic3A_263 = arith.shrsi %min3A, %shift_right_arithmetic3A_262 : i32
      %add3A_264 = arith.constant 384 : i32
      %add3A_265 = arith.addi %min3A, %add3A_264 : i32
      %mul3A_266 = arith.constant 128 : i32
      %mul3A_267 = arith.muli %mul3A_266, %scan3A_254 : i32
      %sub3A_268 = arith.subi %add3A_265, %mul3A_267 : i32
      %multiple_of3A = tpu.assume_multiple %sub3A_268, 128 : i32
      %multiple_of3A_269 = tpu.assume_multiple %min3A, 128 : i32
      %dma_start3A_270 = arith.constant 0 : i32
      %dma_start3A_271 = tpu.memref_slice %arg6[%dma_start3A_270, %multiple_of3A] : memref<8x896xf32, #tpu.memory_space<vmem>> -> memref<8x512xf32, #tpu.memory_space<vmem>>
      %dma_start3A_272 = arith.constant 0 : i32
      %dma_start3A_273 = arith.constant 0 : i32
      %dma_start3A_274 = tpu.memref_slice %arg3[%shift_right_arithmetic3A_1, %add3A_257, %dma_start3A_272, %dma_start3A_273] : memref<16x256x8x2048xf32, #tpu.memory_space<hbm>> -> memref<1x1x8x2048xf32, #tpu.memory_space<hbm>>
      %dma_start3A_275 = tpu.memref_squeeze %dma_start3A_274 : memref<1x1x8x2048xf32, #tpu.memory_space<hbm>> -> memref<8x2048xf32, #tpu.memory_space<hbm>>
      %dma_start3A_276 = arith.constant 0 : i32
      %dma_start3A_277 = tpu.memref_slice %dma_start3A_275[%dma_start3A_276, %multiple_of3A_269] : memref<8x2048xf32, #tpu.memory_space<hbm>> -> memref<8x512xf32, #tpu.memory_space<hbm>>
      %dma_start3A_278 = arith.constant 0 : i32
      %dma_start3A_279 = arith.constant 0 : i32
      %dma_start3A_280 = tpu.memref_slice %arg3[%shift_right_arithmetic3A_1, %add3A_257, %dma_start3A_278, %dma_start3A_279] : memref<16x256x8x2048xf32, #tpu.memory_space<hbm>> -> memref<1x1x8x2048xf32, #tpu.memory_space<hbm>>
      %dma_start3A_281 = tpu.memref_squeeze %dma_start3A_280 : memref<1x1x8x2048xf32, #tpu.memory_space<hbm>> -> memref<8x2048xf32, #tpu.memory_space<hbm>>
      %dma_start3A_282 = arith.constant 0 : i32
      %dma_start3A_283 = tpu.memref_slice %dma_start3A_281[%dma_start3A_282, %multiple_of3A_269] : memref<8x2048xf32, #tpu.memory_space<hbm>> -> memref<8x512xf32, #tpu.memory_space<hbm>>
      %dma_start3A_284 = arith.constant 0 : i32
      %dma_start3A_285 = tpu.memref_slice %arg6[%dma_start3A_284, %multiple_of3A] : memref<8x896xf32, #tpu.memory_space<vmem>> -> memref<8x512xf32, #tpu.memory_space<vmem>>
      tpu.enqueue_dma source(%dma_start3A_285 : memref<8x512xf32, #tpu.memory_space<vmem>>) target(%dma_start3A_283 : memref<8x512xf32, #tpu.memory_space<hbm>>) target_semaphore(%arg9 : memref<!tpu.dma_semaphore, #tpu.memory_space<semaphore_mem>>)
      %scan3A_286 = arith.constant 0 : i32
      %scan3A_287 = arith.constant 0 : i32
      %scan3A_288 = arith.constant 12 : i32
      %scan3A_289 = arith.addi %scan3A_287, %scan3A_288 : i32
      %scan3A_290 = arith.constant 1 : i32
      scf.for %scan3A_292 = %scan3A_287 to %scan3A_289 step %scan3A_290  : i32 {
        %lt3A = arith.cmpi slt, %scan3A_292, %shift_right_arithmetic3A_263 : i32
        %add3A_293 = arith.constant 4 : i32
        %add3A_294 = arith.addi %scan3A_292, %add3A_293 : i32
        %select_n3A = arith.select %lt3A, %scan3A_292, %add3A_294 : i32
        %mul3A_295 = arith.constant 128 : i32
        %mul3A_296 = arith.muli %select_n3A, %mul3A_295 : i32
        %jit3A_297 = arith.constant 0 : i32
        %jit3A_298 = arith.constant 768 : i32
        %select_n3A_299 = arith.select %lt3A, %jit3A_297, %jit3A_298 : i32
        %multiple_of3A_300 = tpu.assume_multiple %select_n3A_299, 128 : i32
        %multiple_of3A_301 = tpu.assume_multiple %mul3A_296, 128 : i32
        %dma_start3A_302 = arith.constant 0 : i32
        %dma_start3A_303 = tpu.memref_slice %arg6[%dma_start3A_302, %multiple_of3A_300] : memref<8x896xf32, #tpu.memory_space<vmem>> -> memref<8x128xf32, #tpu.memory_space<vmem>>
        %dma_start3A_304 = arith.constant 0 : i32
        %dma_start3A_305 = arith.constant 0 : i32
        %dma_start3A_306 = tpu.memref_slice %arg3[%shift_right_arithmetic3A_1, %add3A_257, %dma_start3A_304, %dma_start3A_305] : memref<16x256x8x2048xf32, #tpu.memory_space<hbm>> -> memref<1x1x8x2048xf32, #tpu.memory_space<hbm>>
        %dma_start3A_307 = tpu.memref_squeeze %dma_start3A_306 : memref<1x1x8x2048xf32, #tpu.memory_space<hbm>> -> memref<8x2048xf32, #tpu.memory_space<hbm>>
        %dma_start3A_308 = arith.constant 0 : i32
        %dma_start3A_309 = tpu.memref_slice %dma_start3A_307[%dma_start3A_308, %multiple_of3A_301] : memref<8x2048xf32, #tpu.memory_space<hbm>> -> memref<8x128xf32, #tpu.memory_space<hbm>>
        %dma_start3A_310 = arith.constant 0 : i32
        %dma_start3A_311 = arith.constant 0 : i32
        %dma_start3A_312 = tpu.memref_slice %arg3[%shift_right_arithmetic3A_1, %add3A_257, %dma_start3A_310, %dma_start3A_311] : memref<16x256x8x2048xf32, #tpu.memory_space<hbm>> -> memref<1x1x8x2048xf32, #tpu.memory_space<hbm>>
        %dma_start3A_313 = tpu.memref_squeeze %dma_start3A_312 : memref<1x1x8x2048xf32, #tpu.memory_space<hbm>> -> memref<8x2048xf32, #tpu.memory_space<hbm>>
        %dma_start3A_314 = arith.constant 0 : i32
        %dma_start3A_315 = tpu.memref_slice %dma_start3A_313[%dma_start3A_314, %multiple_of3A_301] : memref<8x2048xf32, #tpu.memory_space<hbm>> -> memref<8x128xf32, #tpu.memory_space<hbm>>
        %dma_start3A_316 = arith.constant 0 : i32
        %dma_start3A_317 = tpu.memref_slice %arg6[%dma_start3A_316, %multiple_of3A_300] : memref<8x896xf32, #tpu.memory_space<vmem>> -> memref<8x128xf32, #tpu.memory_space<vmem>>
        tpu.enqueue_dma source(%dma_start3A_317 : memref<8x128xf32, #tpu.memory_space<vmem>>) target(%dma_start3A_315 : memref<8x128xf32, #tpu.memory_space<hbm>>) target_semaphore(%arg9 : memref<!tpu.dma_semaphore, #tpu.memory_space<semaphore_mem>>)
      }
      %scan3A_291 = arith.constant 12 : i32
    }
    %scan3A_93 = arith.constant 16 : i32
    %add3A_94 = arith.constant 6 : i32
    %add3A_95 = arith.addi %add3A_94, %and3A_2 : i32
    %dma_wait3A_96 = arith.constant 0 : i32
    %dma_wait3A_97 = arith.constant 0 : i32
    %dma_wait3A_98 = arith.constant 0 : i32
    %dma_wait3A_99 = arith.constant 0 : i32
    %dma_wait3A_100 = tpu.memref_slice %arg2[%dma_wait3A_96, %dma_wait3A_97, %dma_wait3A_98, %dma_wait3A_99] : memref<16x16x8x896xf32, #tpu.memory_space<hbm>> -> memref<1x1x8x896xf32, #tpu.memory_space<hbm>>
    %dma_wait3A_101 = tpu.memref_squeeze %dma_wait3A_100 : memref<1x1x8x896xf32, #tpu.memory_space<hbm>> -> memref<8x896xf32, #tpu.memory_space<hbm>>
    %dma_wait3A_102 = arith.constant 0 : i32
    %dma_wait3A_103 = arith.constant 0 : i32
    %dma_wait3A_104 = tpu.memref_slice %arg2[%dma_wait3A_96, %dma_wait3A_97, %dma_wait3A_102, %dma_wait3A_103] : memref<16x16x8x896xf32, #tpu.memory_space<hbm>> -> memref<1x1x8x896xf32, #tpu.memory_space<hbm>>
    %dma_wait3A_105 = tpu.memref_squeeze %dma_wait3A_104 : memref<1x1x8x896xf32, #tpu.memory_space<hbm>> -> memref<8x896xf32, #tpu.memory_space<hbm>>
    tpu.wait_dma2 semaphore(%arg8 : memref<!tpu.dma_semaphore, #tpu.memory_space<semaphore_mem>>) src(%dma_wait3A_105 : memref<8x896xf32, #tpu.memory_space<hbm>>) dst(%arg7 : memref<8x896xf32, #tpu.memory_space<vmem>>)
    %scan3A_106 = arith.constant 0 : i32
    %scan3A_107 = arith.constant 0 : i32
    %scan3A_108 = arith.constant 16 : i32
    %scan3A_109 = arith.addi %scan3A_107, %scan3A_108 : i32
    %scan3A_110 = arith.constant 1 : i32
    scf.for %scan3A_254 = %scan3A_107 to %scan3A_109 step %scan3A_110  : i32 {
      %mul3A_255 = arith.constant 16 : i32
      %mul3A_256 = arith.muli %mul3A_255, %scan3A_254 : i32
      %add3A_257 = arith.addi %add3A_95, %mul3A_256 : i32
      %sub3A = arith.constant 1 : i32
      %sub3A_258 = arith.subi %scan3A_254, %sub3A : i32
      %mul3A_259 = arith.constant 128 : i32
      %mul3A_260 = arith.muli %mul3A_259, %sub3A_258 : i32
      %jit3A = arith.constant 0 : i32
      %jit3A_261 = arith.constant 1536 : i32
      %max3A = arith.maxsi %jit3A, %mul3A_260 : i32
      %min3A = arith.minsi %jit3A_261, %max3A : i32
      %shift_right_arithmetic3A_262 = arith.constant 7 : i32
      %shift_right_arithmetic3A_263 = arith.shrsi %min3A, %shift_right_arithmetic3A_262 : i32
      %add3A_264 = arith.constant 384 : i32
      %add3A_265 = arith.addi %min3A, %add3A_264 : i32
      %mul3A_266 = arith.constant 128 : i32
      %mul3A_267 = arith.muli %mul3A_266, %scan3A_254 : i32
      %sub3A_268 = arith.subi %add3A_265, %mul3A_267 : i32
      %multiple_of3A = tpu.assume_multiple %sub3A_268, 128 : i32
      %multiple_of3A_269 = tpu.assume_multiple %min3A, 128 : i32
      %dma_start3A_270 = arith.constant 0 : i32
      %dma_start3A_271 = tpu.memref_slice %arg7[%dma_start3A_270, %multiple_of3A] : memref<8x896xf32, #tpu.memory_space<vmem>> -> memref<8x512xf32, #tpu.memory_space<vmem>>
      %dma_start3A_272 = arith.constant 0 : i32
      %dma_start3A_273 = arith.constant 0 : i32
      %dma_start3A_274 = tpu.memref_slice %arg3[%shift_right_arithmetic3A_1, %add3A_257, %dma_start3A_272, %dma_start3A_273] : memref<16x256x8x2048xf32, #tpu.memory_space<hbm>> -> memref<1x1x8x2048xf32, #tpu.memory_space<hbm>>
      %dma_start3A_275 = tpu.memref_squeeze %dma_start3A_274 : memref<1x1x8x2048xf32, #tpu.memory_space<hbm>> -> memref<8x2048xf32, #tpu.memory_space<hbm>>
      %dma_start3A_276 = arith.constant 0 : i32
      %dma_start3A_277 = tpu.memref_slice %dma_start3A_275[%dma_start3A_276, %multiple_of3A_269] : memref<8x2048xf32, #tpu.memory_space<hbm>> -> memref<8x512xf32, #tpu.memory_space<hbm>>
      %dma_start3A_278 = arith.constant 0 : i32
      %dma_start3A_279 = arith.constant 0 : i32
      %dma_start3A_280 = tpu.memref_slice %arg3[%shift_right_arithmetic3A_1, %add3A_257, %dma_start3A_278, %dma_start3A_279] : memref<16x256x8x2048xf32, #tpu.memory_space<hbm>> -> memref<1x1x8x2048xf32, #tpu.memory_space<hbm>>
      %dma_start3A_281 = tpu.memref_squeeze %dma_start3A_280 : memref<1x1x8x2048xf32, #tpu.memory_space<hbm>> -> memref<8x2048xf32, #tpu.memory_space<hbm>>
      %dma_start3A_282 = arith.constant 0 : i32
      %dma_start3A_283 = tpu.memref_slice %dma_start3A_281[%dma_start3A_282, %multiple_of3A_269] : memref<8x2048xf32, #tpu.memory_space<hbm>> -> memref<8x512xf32, #tpu.memory_space<hbm>>
      %dma_start3A_284 = arith.constant 0 : i32
      %dma_start3A_285 = tpu.memref_slice %arg7[%dma_start3A_284, %multiple_of3A] : memref<8x896xf32, #tpu.memory_space<vmem>> -> memref<8x512xf32, #tpu.memory_space<vmem>>
      tpu.enqueue_dma source(%dma_start3A_285 : memref<8x512xf32, #tpu.memory_space<vmem>>) target(%dma_start3A_283 : memref<8x512xf32, #tpu.memory_space<hbm>>) target_semaphore(%arg9 : memref<!tpu.dma_semaphore, #tpu.memory_space<semaphore_mem>>)
      %scan3A_286 = arith.constant 0 : i32
      %scan3A_287 = arith.constant 0 : i32
      %scan3A_288 = arith.constant 12 : i32
      %scan3A_289 = arith.addi %scan3A_287, %scan3A_288 : i32
      %scan3A_290 = arith.constant 1 : i32
      scf.for %scan3A_292 = %scan3A_287 to %scan3A_289 step %scan3A_290  : i32 {
        %lt3A = arith.cmpi slt, %scan3A_292, %shift_right_arithmetic3A_263 : i32
        %add3A_293 = arith.constant 4 : i32
        %add3A_294 = arith.addi %scan3A_292, %add3A_293 : i32
        %select_n3A = arith.select %lt3A, %scan3A_292, %add3A_294 : i32
        %mul3A_295 = arith.constant 128 : i32
        %mul3A_296 = arith.muli %select_n3A, %mul3A_295 : i32
        %jit3A_297 = arith.constant 0 : i32
        %jit3A_298 = arith.constant 768 : i32
        %select_n3A_299 = arith.select %lt3A, %jit3A_297, %jit3A_298 : i32
        %multiple_of3A_300 = tpu.assume_multiple %select_n3A_299, 128 : i32
        %multiple_of3A_301 = tpu.assume_multiple %mul3A_296, 128 : i32
        %dma_start3A_302 = arith.constant 0 : i32
        %dma_start3A_303 = tpu.memref_slice %arg7[%dma_start3A_302, %multiple_of3A_300] : memref<8x896xf32, #tpu.memory_space<vmem>> -> memref<8x128xf32, #tpu.memory_space<vmem>>
        %dma_start3A_304 = arith.constant 0 : i32
        %dma_start3A_305 = arith.constant 0 : i32
        %dma_start3A_306 = tpu.memref_slice %arg3[%shift_right_arithmetic3A_1, %add3A_257, %dma_start3A_304, %dma_start3A_305] : memref<16x256x8x2048xf32, #tpu.memory_space<hbm>> -> memref<1x1x8x2048xf32, #tpu.memory_space<hbm>>
        %dma_start3A_307 = tpu.memref_squeeze %dma_start3A_306 : memref<1x1x8x2048xf32, #tpu.memory_space<hbm>> -> memref<8x2048xf32, #tpu.memory_space<hbm>>
        %dma_start3A_308 = arith.constant 0 : i32
        %dma_start3A_309 = tpu.memref_slice %dma_start3A_307[%dma_start3A_308, %multiple_of3A_301] : memref<8x2048xf32, #tpu.memory_space<hbm>> -> memref<8x128xf32, #tpu.memory_space<hbm>>
        %dma_start3A_310 = arith.constant 0 : i32
        %dma_start3A_311 = arith.constant 0 : i32
        %dma_start3A_312 = tpu.memref_slice %arg3[%shift_right_arithmetic3A_1, %add3A_257, %dma_start3A_310, %dma_start3A_311] : memref<16x256x8x2048xf32, #tpu.memory_space<hbm>> -> memref<1x1x8x2048xf32, #tpu.memory_space<hbm>>
        %dma_start3A_313 = tpu.memref_squeeze %dma_start3A_312 : memref<1x1x8x2048xf32, #tpu.memory_space<hbm>> -> memref<8x2048xf32, #tpu.memory_space<hbm>>
        %dma_start3A_314 = arith.constant 0 : i32
        %dma_start3A_315 = tpu.memref_slice %dma_start3A_313[%dma_start3A_314, %multiple_of3A_301] : memref<8x2048xf32, #tpu.memory_space<hbm>> -> memref<8x128xf32, #tpu.memory_space<hbm>>
        %dma_start3A_316 = arith.constant 0 : i32
        %dma_start3A_317 = tpu.memref_slice %arg7[%dma_start3A_316, %multiple_of3A_300] : memref<8x896xf32, #tpu.memory_space<vmem>> -> memref<8x128xf32, #tpu.memory_space<vmem>>
        tpu.enqueue_dma source(%dma_start3A_317 : memref<8x128xf32, #tpu.memory_space<vmem>>) target(%dma_start3A_315 : memref<8x128xf32, #tpu.memory_space<hbm>>) target_semaphore(%arg9 : memref<!tpu.dma_semaphore, #tpu.memory_space<semaphore_mem>>)
      }
      %scan3A_291 = arith.constant 12 : i32
    }
    %scan3A_111 = arith.constant 16 : i32
    %scan3A_112 = arith.constant 0 : i32
    %scan3A_113 = arith.constant 0 : i32
    %scan3A_114 = arith.constant 64 : i32
    %scan3A_115 = arith.addi %scan3A_113, %scan3A_114 : i32
    %scan3A_116 = arith.constant 1 : i32
    scf.for %scan3A_254 = %scan3A_113 to %scan3A_115 step %scan3A_116  : i32 {
      %dma_wait3A_255 = arith.constant 0 : i32
      %dma_wait3A_256 = arith.constant 0 : i32
      %dma_wait3A_257 = arith.constant 0 : i32
      %dma_wait3A_258 = arith.constant 0 : i32
      %dma_wait3A_259 = tpu.memref_slice %arg4[%dma_wait3A_257, %dma_wait3A_258] : memref<8x896xf32, #tpu.memory_space<vmem>> -> memref<8x512xf32, #tpu.memory_space<vmem>>
      %dma_wait3A_260 = arith.constant 0 : i32
      %dma_wait3A_261 = arith.constant 0 : i32
      %dma_wait3A_262 = tpu.memref_slice %arg3[%dma_wait3A_255, %dma_wait3A_256, %dma_wait3A_260, %dma_wait3A_261] : memref<16x256x8x2048xf32, #tpu.memory_space<hbm>> -> memref<1x1x8x2048xf32, #tpu.memory_space<hbm>>
      %dma_wait3A_263 = tpu.memref_squeeze %dma_wait3A_262 : memref<1x1x8x2048xf32, #tpu.memory_space<hbm>> -> memref<8x2048xf32, #tpu.memory_space<hbm>>
      %dma_wait3A_264 = arith.constant 0 : i32
      %dma_wait3A_265 = arith.constant 0 : i32
      %dma_wait3A_266 = tpu.memref_slice %dma_wait3A_263[%dma_wait3A_264, %dma_wait3A_265] : memref<8x2048xf32, #tpu.memory_space<hbm>> -> memref<8x512xf32, #tpu.memory_space<hbm>>
      %dma_wait3A_267 = arith.constant 0 : i32
      %dma_wait3A_268 = arith.constant 0 : i32
      %dma_wait3A_269 = tpu.memref_slice %arg3[%dma_wait3A_255, %dma_wait3A_256, %dma_wait3A_267, %dma_wait3A_268] : memref<16x256x8x2048xf32, #tpu.memory_space<hbm>> -> memref<1x1x8x2048xf32, #tpu.memory_space<hbm>>
      %dma_wait3A_270 = tpu.memref_squeeze %dma_wait3A_269 : memref<1x1x8x2048xf32, #tpu.memory_space<hbm>> -> memref<8x2048xf32, #tpu.memory_space<hbm>>
      %dma_wait3A_271 = arith.constant 0 : i32
      %dma_wait3A_272 = arith.constant 0 : i32
      %dma_wait3A_273 = tpu.memref_slice %dma_wait3A_270[%dma_wait3A_271, %dma_wait3A_272] : memref<8x2048xf32, #tpu.memory_space<hbm>> -> memref<8x512xf32, #tpu.memory_space<hbm>>
      %dma_wait3A_274 = arith.constant 0 : i32
      %dma_wait3A_275 = arith.constant 0 : i32
      %dma_wait3A_276 = tpu.memref_slice %arg4[%dma_wait3A_274, %dma_wait3A_275] : memref<8x896xf32, #tpu.memory_space<vmem>> -> memref<8x512xf32, #tpu.memory_space<vmem>>
      tpu.wait_dma2 semaphore(%arg9 : memref<!tpu.dma_semaphore, #tpu.memory_space<semaphore_mem>>) src(%dma_wait3A_276 : memref<8x512xf32, #tpu.memory_space<vmem>>) dst(%dma_wait3A_273 : memref<8x512xf32, #tpu.memory_space<hbm>>)
    }
    %scan3A_117 = arith.constant 64 : i32
    %add3A_118 = arith.constant 8 : i32
    %add3A_119 = arith.addi %add3A_118, %and3A_2 : i32
    %dma_start3A_120 = arith.constant 0 : i32
    %dma_start3A_121 = arith.constant 0 : i32
    %dma_start3A_122 = tpu.memref_slice %arg2[%shift_right_arithmetic3A_1, %add3A_119, %dma_start3A_120, %dma_start3A_121] : memref<16x16x8x896xf32, #tpu.memory_space<hbm>> -> memref<1x1x8x896xf32, #tpu.memory_space<hbm>>
    %dma_start3A_123 = tpu.memref_squeeze %dma_start3A_122 : memref<1x1x8x896xf32, #tpu.memory_space<hbm>> -> memref<8x896xf32, #tpu.memory_space<hbm>>
    %dma_start3A_124 = arith.constant 0 : i32
    %dma_start3A_125 = arith.constant 0 : i32
    %dma_start3A_126 = tpu.memref_slice %arg2[%shift_right_arithmetic3A_1, %add3A_119, %dma_start3A_124, %dma_start3A_125] : memref<16x16x8x896xf32, #tpu.memory_space<hbm>> -> memref<1x1x8x896xf32, #tpu.memory_space<hbm>>
    %dma_start3A_127 = tpu.memref_squeeze %dma_start3A_126 : memref<1x1x8x896xf32, #tpu.memory_space<hbm>> -> memref<8x896xf32, #tpu.memory_space<hbm>>
    tpu.enqueue_dma source(%dma_start3A_127 : memref<8x896xf32, #tpu.memory_space<hbm>>) target(%arg4 : memref<8x896xf32, #tpu.memory_space<vmem>>) target_semaphore(%arg8 : memref<!tpu.dma_semaphore, #tpu.memory_space<semaphore_mem>>)
    %add3A_128 = arith.constant 8 : i32
    %add3A_129 = arith.addi %add3A_128, %and3A_2 : i32
    %dma_wait3A_130 = arith.constant 0 : i32
    %dma_wait3A_131 = arith.constant 0 : i32
    %dma_wait3A_132 = arith.constant 0 : i32
    %dma_wait3A_133 = arith.constant 0 : i32
    %dma_wait3A_134 = tpu.memref_slice %arg2[%dma_wait3A_130, %dma_wait3A_131, %dma_wait3A_132, %dma_wait3A_133] : memref<16x16x8x896xf32, #tpu.memory_space<hbm>> -> memref<1x1x8x896xf32, #tpu.memory_space<hbm>>
    %dma_wait3A_135 = tpu.memref_squeeze %dma_wait3A_134 : memref<1x1x8x896xf32, #tpu.memory_space<hbm>> -> memref<8x896xf32, #tpu.memory_space<hbm>>
    %dma_wait3A_136 = arith.constant 0 : i32
    %dma_wait3A_137 = arith.constant 0 : i32
    %dma_wait3A_138 = tpu.memref_slice %arg2[%dma_wait3A_130, %dma_wait3A_131, %dma_wait3A_136, %dma_wait3A_137] : memref<16x16x8x896xf32, #tpu.memory_space<hbm>> -> memref<1x1x8x896xf32, #tpu.memory_space<hbm>>
    %dma_wait3A_139 = tpu.memref_squeeze %dma_wait3A_138 : memref<1x1x8x896xf32, #tpu.memory_space<hbm>> -> memref<8x896xf32, #tpu.memory_space<hbm>>
    tpu.wait_dma2 semaphore(%arg8 : memref<!tpu.dma_semaphore, #tpu.memory_space<semaphore_mem>>) src(%dma_wait3A_139 : memref<8x896xf32, #tpu.memory_space<hbm>>) dst(%arg4 : memref<8x896xf32, #tpu.memory_space<vmem>>)
    %scan3A_140 = arith.constant 0 : i32
    %scan3A_141 = arith.constant 0 : i32
    %scan3A_142 = arith.constant 16 : i32
    %scan3A_143 = arith.addi %scan3A_141, %scan3A_142 : i32
    %scan3A_144 = arith.constant 1 : i32
    scf.for %scan3A_254 = %scan3A_141 to %scan3A_143 step %scan3A_144  : i32 {
      %mul3A_255 = arith.constant 16 : i32
      %mul3A_256 = arith.muli %mul3A_255, %scan3A_254 : i32
      %add3A_257 = arith.addi %add3A_129, %mul3A_256 : i32
      %sub3A = arith.constant 1 : i32
      %sub3A_258 = arith.subi %scan3A_254, %sub3A : i32
      %mul3A_259 = arith.constant 128 : i32
      %mul3A_260 = arith.muli %mul3A_259, %sub3A_258 : i32
      %jit3A = arith.constant 0 : i32
      %jit3A_261 = arith.constant 1536 : i32
      %max3A = arith.maxsi %jit3A, %mul3A_260 : i32
      %min3A = arith.minsi %jit3A_261, %max3A : i32
      %shift_right_arithmetic3A_262 = arith.constant 7 : i32
      %shift_right_arithmetic3A_263 = arith.shrsi %min3A, %shift_right_arithmetic3A_262 : i32
      %add3A_264 = arith.constant 384 : i32
      %add3A_265 = arith.addi %min3A, %add3A_264 : i32
      %mul3A_266 = arith.constant 128 : i32
      %mul3A_267 = arith.muli %mul3A_266, %scan3A_254 : i32
      %sub3A_268 = arith.subi %add3A_265, %mul3A_267 : i32
      %multiple_of3A = tpu.assume_multiple %sub3A_268, 128 : i32
      %multiple_of3A_269 = tpu.assume_multiple %min3A, 128 : i32
      %dma_start3A_270 = arith.constant 0 : i32
      %dma_start3A_271 = tpu.memref_slice %arg4[%dma_start3A_270, %multiple_of3A] : memref<8x896xf32, #tpu.memory_space<vmem>> -> memref<8x512xf32, #tpu.memory_space<vmem>>
      %dma_start3A_272 = arith.constant 0 : i32
      %dma_start3A_273 = arith.constant 0 : i32
      %dma_start3A_274 = tpu.memref_slice %arg3[%shift_right_arithmetic3A_1, %add3A_257, %dma_start3A_272, %dma_start3A_273] : memref<16x256x8x2048xf32, #tpu.memory_space<hbm>> -> memref<1x1x8x2048xf32, #tpu.memory_space<hbm>>
      %dma_start3A_275 = tpu.memref_squeeze %dma_start3A_274 : memref<1x1x8x2048xf32, #tpu.memory_space<hbm>> -> memref<8x2048xf32, #tpu.memory_space<hbm>>
      %dma_start3A_276 = arith.constant 0 : i32
      %dma_start3A_277 = tpu.memref_slice %dma_start3A_275[%dma_start3A_276, %multiple_of3A_269] : memref<8x2048xf32, #tpu.memory_space<hbm>> -> memref<8x512xf32, #tpu.memory_space<hbm>>
      %dma_start3A_278 = arith.constant 0 : i32
      %dma_start3A_279 = arith.constant 0 : i32
      %dma_start3A_280 = tpu.memref_slice %arg3[%shift_right_arithmetic3A_1, %add3A_257, %dma_start3A_278, %dma_start3A_279] : memref<16x256x8x2048xf32, #tpu.memory_space<hbm>> -> memref<1x1x8x2048xf32, #tpu.memory_space<hbm>>
      %dma_start3A_281 = tpu.memref_squeeze %dma_start3A_280 : memref<1x1x8x2048xf32, #tpu.memory_space<hbm>> -> memref<8x2048xf32, #tpu.memory_space<hbm>>
      %dma_start3A_282 = arith.constant 0 : i32
      %dma_start3A_283 = tpu.memref_slice %dma_start3A_281[%dma_start3A_282, %multiple_of3A_269] : memref<8x2048xf32, #tpu.memory_space<hbm>> -> memref<8x512xf32, #tpu.memory_space<hbm>>
      %dma_start3A_284 = arith.constant 0 : i32
      %dma_start3A_285 = tpu.memref_slice %arg4[%dma_start3A_284, %multiple_of3A] : memref<8x896xf32, #tpu.memory_space<vmem>> -> memref<8x512xf32, #tpu.memory_space<vmem>>
      tpu.enqueue_dma source(%dma_start3A_285 : memref<8x512xf32, #tpu.memory_space<vmem>>) target(%dma_start3A_283 : memref<8x512xf32, #tpu.memory_space<hbm>>) target_semaphore(%arg9 : memref<!tpu.dma_semaphore, #tpu.memory_space<semaphore_mem>>)
      %scan3A_286 = arith.constant 0 : i32
      %scan3A_287 = arith.constant 0 : i32
      %scan3A_288 = arith.constant 12 : i32
      %scan3A_289 = arith.addi %scan3A_287, %scan3A_288 : i32
      %scan3A_290 = arith.constant 1 : i32
      scf.for %scan3A_292 = %scan3A_287 to %scan3A_289 step %scan3A_290  : i32 {
        %lt3A = arith.cmpi slt, %scan3A_292, %shift_right_arithmetic3A_263 : i32
        %add3A_293 = arith.constant 4 : i32
        %add3A_294 = arith.addi %scan3A_292, %add3A_293 : i32
        %select_n3A = arith.select %lt3A, %scan3A_292, %add3A_294 : i32
        %mul3A_295 = arith.constant 128 : i32
        %mul3A_296 = arith.muli %select_n3A, %mul3A_295 : i32
        %jit3A_297 = arith.constant 0 : i32
        %jit3A_298 = arith.constant 768 : i32
        %select_n3A_299 = arith.select %lt3A, %jit3A_297, %jit3A_298 : i32
        %multiple_of3A_300 = tpu.assume_multiple %select_n3A_299, 128 : i32
        %multiple_of3A_301 = tpu.assume_multiple %mul3A_296, 128 : i32
        %dma_start3A_302 = arith.constant 0 : i32
        %dma_start3A_303 = tpu.memref_slice %arg4[%dma_start3A_302, %multiple_of3A_300] : memref<8x896xf32, #tpu.memory_space<vmem>> -> memref<8x128xf32, #tpu.memory_space<vmem>>
        %dma_start3A_304 = arith.constant 0 : i32
        %dma_start3A_305 = arith.constant 0 : i32
        %dma_start3A_306 = tpu.memref_slice %arg3[%shift_right_arithmetic3A_1, %add3A_257, %dma_start3A_304, %dma_start3A_305] : memref<16x256x8x2048xf32, #tpu.memory_space<hbm>> -> memref<1x1x8x2048xf32, #tpu.memory_space<hbm>>
        %dma_start3A_307 = tpu.memref_squeeze %dma_start3A_306 : memref<1x1x8x2048xf32, #tpu.memory_space<hbm>> -> memref<8x2048xf32, #tpu.memory_space<hbm>>
        %dma_start3A_308 = arith.constant 0 : i32
        %dma_start3A_309 = tpu.memref_slice %dma_start3A_307[%dma_start3A_308, %multiple_of3A_301] : memref<8x2048xf32, #tpu.memory_space<hbm>> -> memref<8x128xf32, #tpu.memory_space<hbm>>
        %dma_start3A_310 = arith.constant 0 : i32
        %dma_start3A_311 = arith.constant 0 : i32
        %dma_start3A_312 = tpu.memref_slice %arg3[%shift_right_arithmetic3A_1, %add3A_257, %dma_start3A_310, %dma_start3A_311] : memref<16x256x8x2048xf32, #tpu.memory_space<hbm>> -> memref<1x1x8x2048xf32, #tpu.memory_space<hbm>>
        %dma_start3A_313 = tpu.memref_squeeze %dma_start3A_312 : memref<1x1x8x2048xf32, #tpu.memory_space<hbm>> -> memref<8x2048xf32, #tpu.memory_space<hbm>>
        %dma_start3A_314 = arith.constant 0 : i32
        %dma_start3A_315 = tpu.memref_slice %dma_start3A_313[%dma_start3A_314, %multiple_of3A_301] : memref<8x2048xf32, #tpu.memory_space<hbm>> -> memref<8x128xf32, #tpu.memory_space<hbm>>
        %dma_start3A_316 = arith.constant 0 : i32
        %dma_start3A_317 = tpu.memref_slice %arg4[%dma_start3A_316, %multiple_of3A_300] : memref<8x896xf32, #tpu.memory_space<vmem>> -> memref<8x128xf32, #tpu.memory_space<vmem>>
        tpu.enqueue_dma source(%dma_start3A_317 : memref<8x128xf32, #tpu.memory_space<vmem>>) target(%dma_start3A_315 : memref<8x128xf32, #tpu.memory_space<hbm>>) target_semaphore(%arg9 : memref<!tpu.dma_semaphore, #tpu.memory_space<semaphore_mem>>)
      }
      %scan3A_291 = arith.constant 12 : i32
    }
    %scan3A_145 = arith.constant 16 : i32
    %scan3A_146 = arith.constant 0 : i32
    %scan3A_147 = arith.constant 0 : i32
    %scan3A_148 = arith.constant 64 : i32
    %scan3A_149 = arith.addi %scan3A_147, %scan3A_148 : i32
    %scan3A_150 = arith.constant 1 : i32
    scf.for %scan3A_254 = %scan3A_147 to %scan3A_149 step %scan3A_150  : i32 {
      %dma_wait3A_255 = arith.constant 0 : i32
      %dma_wait3A_256 = arith.constant 0 : i32
      %dma_wait3A_257 = arith.constant 0 : i32
      %dma_wait3A_258 = arith.constant 0 : i32
      %dma_wait3A_259 = tpu.memref_slice %arg4[%dma_wait3A_257, %dma_wait3A_258] : memref<8x896xf32, #tpu.memory_space<vmem>> -> memref<8x512xf32, #tpu.memory_space<vmem>>
      %dma_wait3A_260 = arith.constant 0 : i32
      %dma_wait3A_261 = arith.constant 0 : i32
      %dma_wait3A_262 = tpu.memref_slice %arg3[%dma_wait3A_255, %dma_wait3A_256, %dma_wait3A_260, %dma_wait3A_261] : memref<16x256x8x2048xf32, #tpu.memory_space<hbm>> -> memref<1x1x8x2048xf32, #tpu.memory_space<hbm>>
      %dma_wait3A_263 = tpu.memref_squeeze %dma_wait3A_262 : memref<1x1x8x2048xf32, #tpu.memory_space<hbm>> -> memref<8x2048xf32, #tpu.memory_space<hbm>>
      %dma_wait3A_264 = arith.constant 0 : i32
      %dma_wait3A_265 = arith.constant 0 : i32
      %dma_wait3A_266 = tpu.memref_slice %dma_wait3A_263[%dma_wait3A_264, %dma_wait3A_265] : memref<8x2048xf32, #tpu.memory_space<hbm>> -> memref<8x512xf32, #tpu.memory_space<hbm>>
      %dma_wait3A_267 = arith.constant 0 : i32
      %dma_wait3A_268 = arith.constant 0 : i32
      %dma_wait3A_269 = tpu.memref_slice %arg3[%dma_wait3A_255, %dma_wait3A_256, %dma_wait3A_267, %dma_wait3A_268] : memref<16x256x8x2048xf32, #tpu.memory_space<hbm>> -> memref<1x1x8x2048xf32, #tpu.memory_space<hbm>>
      %dma_wait3A_270 = tpu.memref_squeeze %dma_wait3A_269 : memref<1x1x8x2048xf32, #tpu.memory_space<hbm>> -> memref<8x2048xf32, #tpu.memory_space<hbm>>
      %dma_wait3A_271 = arith.constant 0 : i32
      %dma_wait3A_272 = arith.constant 0 : i32
      %dma_wait3A_273 = tpu.memref_slice %dma_wait3A_270[%dma_wait3A_271, %dma_wait3A_272] : memref<8x2048xf32, #tpu.memory_space<hbm>> -> memref<8x512xf32, #tpu.memory_space<hbm>>
      %dma_wait3A_274 = arith.constant 0 : i32
      %dma_wait3A_275 = arith.constant 0 : i32
      %dma_wait3A_276 = tpu.memref_slice %arg4[%dma_wait3A_274, %dma_wait3A_275] : memref<8x896xf32, #tpu.memory_space<vmem>> -> memref<8x512xf32, #tpu.memory_space<vmem>>
      tpu.wait_dma2 semaphore(%arg9 : memref<!tpu.dma_semaphore, #tpu.memory_space<semaphore_mem>>) src(%dma_wait3A_276 : memref<8x512xf32, #tpu.memory_space<vmem>>) dst(%dma_wait3A_273 : memref<8x512xf32, #tpu.memory_space<hbm>>)
    }
    %scan3A_151 = arith.constant 64 : i32
    %add3A_152 = arith.constant 10 : i32
    %add3A_153 = arith.addi %add3A_152, %and3A_2 : i32
    %dma_start3A_154 = arith.constant 0 : i32
    %dma_start3A_155 = arith.constant 0 : i32
    %dma_start3A_156 = tpu.memref_slice %arg2[%shift_right_arithmetic3A_1, %add3A_153, %dma_start3A_154, %dma_start3A_155] : memref<16x16x8x896xf32, #tpu.memory_space<hbm>> -> memref<1x1x8x896xf32, #tpu.memory_space<hbm>>
    %dma_start3A_157 = tpu.memref_squeeze %dma_start3A_156 : memref<1x1x8x896xf32, #tpu.memory_space<hbm>> -> memref<8x896xf32, #tpu.memory_space<hbm>>
    %dma_start3A_158 = arith.constant 0 : i32
    %dma_start3A_159 = arith.constant 0 : i32
    %dma_start3A_160 = tpu.memref_slice %arg2[%shift_right_arithmetic3A_1, %add3A_153, %dma_start3A_158, %dma_start3A_159] : memref<16x16x8x896xf32, #tpu.memory_space<hbm>> -> memref<1x1x8x896xf32, #tpu.memory_space<hbm>>
    %dma_start3A_161 = tpu.memref_squeeze %dma_start3A_160 : memref<1x1x8x896xf32, #tpu.memory_space<hbm>> -> memref<8x896xf32, #tpu.memory_space<hbm>>
    tpu.enqueue_dma source(%dma_start3A_161 : memref<8x896xf32, #tpu.memory_space<hbm>>) target(%arg5 : memref<8x896xf32, #tpu.memory_space<vmem>>) target_semaphore(%arg8 : memref<!tpu.dma_semaphore, #tpu.memory_space<semaphore_mem>>)
    %add3A_162 = arith.constant 10 : i32
    %add3A_163 = arith.addi %add3A_162, %and3A_2 : i32
    %dma_wait3A_164 = arith.constant 0 : i32
    %dma_wait3A_165 = arith.constant 0 : i32
    %dma_wait3A_166 = arith.constant 0 : i32
    %dma_wait3A_167 = arith.constant 0 : i32
    %dma_wait3A_168 = tpu.memref_slice %arg2[%dma_wait3A_164, %dma_wait3A_165, %dma_wait3A_166, %dma_wait3A_167] : memref<16x16x8x896xf32, #tpu.memory_space<hbm>> -> memref<1x1x8x896xf32, #tpu.memory_space<hbm>>
    %dma_wait3A_169 = tpu.memref_squeeze %dma_wait3A_168 : memref<1x1x8x896xf32, #tpu.memory_space<hbm>> -> memref<8x896xf32, #tpu.memory_space<hbm>>
    %dma_wait3A_170 = arith.constant 0 : i32
    %dma_wait3A_171 = arith.constant 0 : i32
    %dma_wait3A_172 = tpu.memref_slice %arg2[%dma_wait3A_164, %dma_wait3A_165, %dma_wait3A_170, %dma_wait3A_171] : memref<16x16x8x896xf32, #tpu.memory_space<hbm>> -> memref<1x1x8x896xf32, #tpu.memory_space<hbm>>
    %dma_wait3A_173 = tpu.memref_squeeze %dma_wait3A_172 : memref<1x1x8x896xf32, #tpu.memory_space<hbm>> -> memref<8x896xf32, #tpu.memory_space<hbm>>
    tpu.wait_dma2 semaphore(%arg8 : memref<!tpu.dma_semaphore, #tpu.memory_space<semaphore_mem>>) src(%dma_wait3A_173 : memref<8x896xf32, #tpu.memory_space<hbm>>) dst(%arg5 : memref<8x896xf32, #tpu.memory_space<vmem>>)
    %scan3A_174 = arith.constant 0 : i32
    %scan3A_175 = arith.constant 0 : i32
    %scan3A_176 = arith.constant 16 : i32
    %scan3A_177 = arith.addi %scan3A_175, %scan3A_176 : i32
    %scan3A_178 = arith.constant 1 : i32
    scf.for %scan3A_254 = %scan3A_175 to %scan3A_177 step %scan3A_178  : i32 {
      %mul3A_255 = arith.constant 16 : i32
      %mul3A_256 = arith.muli %mul3A_255, %scan3A_254 : i32
      %add3A_257 = arith.addi %add3A_163, %mul3A_256 : i32
      %sub3A = arith.constant 1 : i32
      %sub3A_258 = arith.subi %scan3A_254, %sub3A : i32
      %mul3A_259 = arith.constant 128 : i32
      %mul3A_260 = arith.muli %mul3A_259, %sub3A_258 : i32
      %jit3A = arith.constant 0 : i32
      %jit3A_261 = arith.constant 1536 : i32
      %max3A = arith.maxsi %jit3A, %mul3A_260 : i32
      %min3A = arith.minsi %jit3A_261, %max3A : i32
      %shift_right_arithmetic3A_262 = arith.constant 7 : i32
      %shift_right_arithmetic3A_263 = arith.shrsi %min3A, %shift_right_arithmetic3A_262 : i32
      %add3A_264 = arith.constant 384 : i32
      %add3A_265 = arith.addi %min3A, %add3A_264 : i32
      %mul3A_266 = arith.constant 128 : i32
      %mul3A_267 = arith.muli %mul3A_266, %scan3A_254 : i32
      %sub3A_268 = arith.subi %add3A_265, %mul3A_267 : i32
      %multiple_of3A = tpu.assume_multiple %sub3A_268, 128 : i32
      %multiple_of3A_269 = tpu.assume_multiple %min3A, 128 : i32
      %dma_start3A_270 = arith.constant 0 : i32
      %dma_start3A_271 = tpu.memref_slice %arg5[%dma_start3A_270, %multiple_of3A] : memref<8x896xf32, #tpu.memory_space<vmem>> -> memref<8x512xf32, #tpu.memory_space<vmem>>
      %dma_start3A_272 = arith.constant 0 : i32
      %dma_start3A_273 = arith.constant 0 : i32
      %dma_start3A_274 = tpu.memref_slice %arg3[%shift_right_arithmetic3A_1, %add3A_257, %dma_start3A_272, %dma_start3A_273] : memref<16x256x8x2048xf32, #tpu.memory_space<hbm>> -> memref<1x1x8x2048xf32, #tpu.memory_space<hbm>>
      %dma_start3A_275 = tpu.memref_squeeze %dma_start3A_274 : memref<1x1x8x2048xf32, #tpu.memory_space<hbm>> -> memref<8x2048xf32, #tpu.memory_space<hbm>>
      %dma_start3A_276 = arith.constant 0 : i32
      %dma_start3A_277 = tpu.memref_slice %dma_start3A_275[%dma_start3A_276, %multiple_of3A_269] : memref<8x2048xf32, #tpu.memory_space<hbm>> -> memref<8x512xf32, #tpu.memory_space<hbm>>
      %dma_start3A_278 = arith.constant 0 : i32
      %dma_start3A_279 = arith.constant 0 : i32
      %dma_start3A_280 = tpu.memref_slice %arg3[%shift_right_arithmetic3A_1, %add3A_257, %dma_start3A_278, %dma_start3A_279] : memref<16x256x8x2048xf32, #tpu.memory_space<hbm>> -> memref<1x1x8x2048xf32, #tpu.memory_space<hbm>>
      %dma_start3A_281 = tpu.memref_squeeze %dma_start3A_280 : memref<1x1x8x2048xf32, #tpu.memory_space<hbm>> -> memref<8x2048xf32, #tpu.memory_space<hbm>>
      %dma_start3A_282 = arith.constant 0 : i32
      %dma_start3A_283 = tpu.memref_slice %dma_start3A_281[%dma_start3A_282, %multiple_of3A_269] : memref<8x2048xf32, #tpu.memory_space<hbm>> -> memref<8x512xf32, #tpu.memory_space<hbm>>
      %dma_start3A_284 = arith.constant 0 : i32
      %dma_start3A_285 = tpu.memref_slice %arg5[%dma_start3A_284, %multiple_of3A] : memref<8x896xf32, #tpu.memory_space<vmem>> -> memref<8x512xf32, #tpu.memory_space<vmem>>
      tpu.enqueue_dma source(%dma_start3A_285 : memref<8x512xf32, #tpu.memory_space<vmem>>) target(%dma_start3A_283 : memref<8x512xf32, #tpu.memory_space<hbm>>) target_semaphore(%arg9 : memref<!tpu.dma_semaphore, #tpu.memory_space<semaphore_mem>>)
      %scan3A_286 = arith.constant 0 : i32
      %scan3A_287 = arith.constant 0 : i32
      %scan3A_288 = arith.constant 12 : i32
      %scan3A_289 = arith.addi %scan3A_287, %scan3A_288 : i32
      %scan3A_290 = arith.constant 1 : i32
      scf.for %scan3A_292 = %scan3A_287 to %scan3A_289 step %scan3A_290  : i32 {
        %lt3A = arith.cmpi slt, %scan3A_292, %shift_right_arithmetic3A_263 : i32
        %add3A_293 = arith.constant 4 : i32
        %add3A_294 = arith.addi %scan3A_292, %add3A_293 : i32
        %select_n3A = arith.select %lt3A, %scan3A_292, %add3A_294 : i32
        %mul3A_295 = arith.constant 128 : i32
        %mul3A_296 = arith.muli %select_n3A, %mul3A_295 : i32
        %jit3A_297 = arith.constant 0 : i32
        %jit3A_298 = arith.constant 768 : i32
        %select_n3A_299 = arith.select %lt3A, %jit3A_297, %jit3A_298 : i32
        %multiple_of3A_300 = tpu.assume_multiple %select_n3A_299, 128 : i32
        %multiple_of3A_301 = tpu.assume_multiple %mul3A_296, 128 : i32
        %dma_start3A_302 = arith.constant 0 : i32
        %dma_start3A_303 = tpu.memref_slice %arg5[%dma_start3A_302, %multiple_of3A_300] : memref<8x896xf32, #tpu.memory_space<vmem>> -> memref<8x128xf32, #tpu.memory_space<vmem>>
        %dma_start3A_304 = arith.constant 0 : i32
        %dma_start3A_305 = arith.constant 0 : i32
        %dma_start3A_306 = tpu.memref_slice %arg3[%shift_right_arithmetic3A_1, %add3A_257, %dma_start3A_304, %dma_start3A_305] : memref<16x256x8x2048xf32, #tpu.memory_space<hbm>> -> memref<1x1x8x2048xf32, #tpu.memory_space<hbm>>
        %dma_start3A_307 = tpu.memref_squeeze %dma_start3A_306 : memref<1x1x8x2048xf32, #tpu.memory_space<hbm>> -> memref<8x2048xf32, #tpu.memory_space<hbm>>
        %dma_start3A_308 = arith.constant 0 : i32
        %dma_start3A_309 = tpu.memref_slice %dma_start3A_307[%dma_start3A_308, %multiple_of3A_301] : memref<8x2048xf32, #tpu.memory_space<hbm>> -> memref<8x128xf32, #tpu.memory_space<hbm>>
        %dma_start3A_310 = arith.constant 0 : i32
        %dma_start3A_311 = arith.constant 0 : i32
        %dma_start3A_312 = tpu.memref_slice %arg3[%shift_right_arithmetic3A_1, %add3A_257, %dma_start3A_310, %dma_start3A_311] : memref<16x256x8x2048xf32, #tpu.memory_space<hbm>> -> memref<1x1x8x2048xf32, #tpu.memory_space<hbm>>
        %dma_start3A_313 = tpu.memref_squeeze %dma_start3A_312 : memref<1x1x8x2048xf32, #tpu.memory_space<hbm>> -> memref<8x2048xf32, #tpu.memory_space<hbm>>
        %dma_start3A_314 = arith.constant 0 : i32
        %dma_start3A_315 = tpu.memref_slice %dma_start3A_313[%dma_start3A_314, %multiple_of3A_301] : memref<8x2048xf32, #tpu.memory_space<hbm>> -> memref<8x128xf32, #tpu.memory_space<hbm>>
        %dma_start3A_316 = arith.constant 0 : i32
        %dma_start3A_317 = tpu.memref_slice %arg5[%dma_start3A_316, %multiple_of3A_300] : memref<8x896xf32, #tpu.memory_space<vmem>> -> memref<8x128xf32, #tpu.memory_space<vmem>>
        tpu.enqueue_dma source(%dma_start3A_317 : memref<8x128xf32, #tpu.memory_space<vmem>>) target(%dma_start3A_315 : memref<8x128xf32, #tpu.memory_space<hbm>>) target_semaphore(%arg9 : memref<!tpu.dma_semaphore, #tpu.memory_space<semaphore_mem>>)
      }
      %scan3A_291 = arith.constant 12 : i32
    }
    %scan3A_179 = arith.constant 16 : i32
    %scan3A_180 = arith.constant 0 : i32
    %scan3A_181 = arith.constant 0 : i32
    %scan3A_182 = arith.constant 64 : i32
    %scan3A_183 = arith.addi %scan3A_181, %scan3A_182 : i32
    %scan3A_184 = arith.constant 1 : i32
    scf.for %scan3A_254 = %scan3A_181 to %scan3A_183 step %scan3A_184  : i32 {
      %dma_wait3A_255 = arith.constant 0 : i32
      %dma_wait3A_256 = arith.constant 0 : i32
      %dma_wait3A_257 = arith.constant 0 : i32
      %dma_wait3A_258 = arith.constant 0 : i32
      %dma_wait3A_259 = tpu.memref_slice %arg4[%dma_wait3A_257, %dma_wait3A_258] : memref<8x896xf32, #tpu.memory_space<vmem>> -> memref<8x512xf32, #tpu.memory_space<vmem>>
      %dma_wait3A_260 = arith.constant 0 : i32
      %dma_wait3A_261 = arith.constant 0 : i32
      %dma_wait3A_262 = tpu.memref_slice %arg3[%dma_wait3A_255, %dma_wait3A_256, %dma_wait3A_260, %dma_wait3A_261] : memref<16x256x8x2048xf32, #tpu.memory_space<hbm>> -> memref<1x1x8x2048xf32, #tpu.memory_space<hbm>>
      %dma_wait3A_263 = tpu.memref_squeeze %dma_wait3A_262 : memref<1x1x8x2048xf32, #tpu.memory_space<hbm>> -> memref<8x2048xf32, #tpu.memory_space<hbm>>
      %dma_wait3A_264 = arith.constant 0 : i32
      %dma_wait3A_265 = arith.constant 0 : i32
      %dma_wait3A_266 = tpu.memref_slice %dma_wait3A_263[%dma_wait3A_264, %dma_wait3A_265] : memref<8x2048xf32, #tpu.memory_space<hbm>> -> memref<8x512xf32, #tpu.memory_space<hbm>>
      %dma_wait3A_267 = arith.constant 0 : i32
      %dma_wait3A_268 = arith.constant 0 : i32
      %dma_wait3A_269 = tpu.memref_slice %arg3[%dma_wait3A_255, %dma_wait3A_256, %dma_wait3A_267, %dma_wait3A_268] : memref<16x256x8x2048xf32, #tpu.memory_space<hbm>> -> memref<1x1x8x2048xf32, #tpu.memory_space<hbm>>
      %dma_wait3A_270 = tpu.memref_squeeze %dma_wait3A_269 : memref<1x1x8x2048xf32, #tpu.memory_space<hbm>> -> memref<8x2048xf32, #tpu.memory_space<hbm>>
      %dma_wait3A_271 = arith.constant 0 : i32
      %dma_wait3A_272 = arith.constant 0 : i32
      %dma_wait3A_273 = tpu.memref_slice %dma_wait3A_270[%dma_wait3A_271, %dma_wait3A_272] : memref<8x2048xf32, #tpu.memory_space<hbm>> -> memref<8x512xf32, #tpu.memory_space<hbm>>
      %dma_wait3A_274 = arith.constant 0 : i32
      %dma_wait3A_275 = arith.constant 0 : i32
      %dma_wait3A_276 = tpu.memref_slice %arg4[%dma_wait3A_274, %dma_wait3A_275] : memref<8x896xf32, #tpu.memory_space<vmem>> -> memref<8x512xf32, #tpu.memory_space<vmem>>
      tpu.wait_dma2 semaphore(%arg9 : memref<!tpu.dma_semaphore, #tpu.memory_space<semaphore_mem>>) src(%dma_wait3A_276 : memref<8x512xf32, #tpu.memory_space<vmem>>) dst(%dma_wait3A_273 : memref<8x512xf32, #tpu.memory_space<hbm>>)
    }
    %scan3A_185 = arith.constant 64 : i32
    %add3A_186 = arith.constant 12 : i32
    %add3A_187 = arith.addi %add3A_186, %and3A_2 : i32
    %dma_start3A_188 = arith.constant 0 : i32
    %dma_start3A_189 = arith.constant 0 : i32
    %dma_start3A_190 = tpu.memref_slice %arg2[%shift_right_arithmetic3A_1, %add3A_187, %dma_start3A_188, %dma_start3A_189] : memref<16x16x8x896xf32, #tpu.memory_space<hbm>> -> memref<1x1x8x896xf32, #tpu.memory_space<hbm>>
    %dma_start3A_191 = tpu.memref_squeeze %dma_start3A_190 : memref<1x1x8x896xf32, #tpu.memory_space<hbm>> -> memref<8x896xf32, #tpu.memory_space<hbm>>
    %dma_start3A_192 = arith.constant 0 : i32
    %dma_start3A_193 = arith.constant 0 : i32
    %dma_start3A_194 = tpu.memref_slice %arg2[%shift_right_arithmetic3A_1, %add3A_187, %dma_start3A_192, %dma_start3A_193] : memref<16x16x8x896xf32, #tpu.memory_space<hbm>> -> memref<1x1x8x896xf32, #tpu.memory_space<hbm>>
    %dma_start3A_195 = tpu.memref_squeeze %dma_start3A_194 : memref<1x1x8x896xf32, #tpu.memory_space<hbm>> -> memref<8x896xf32, #tpu.memory_space<hbm>>
    tpu.enqueue_dma source(%dma_start3A_195 : memref<8x896xf32, #tpu.memory_space<hbm>>) target(%arg6 : memref<8x896xf32, #tpu.memory_space<vmem>>) target_semaphore(%arg8 : memref<!tpu.dma_semaphore, #tpu.memory_space<semaphore_mem>>)
    %add3A_196 = arith.constant 12 : i32
    %add3A_197 = arith.addi %add3A_196, %and3A_2 : i32
    %dma_wait3A_198 = arith.constant 0 : i32
    %dma_wait3A_199 = arith.constant 0 : i32
    %dma_wait3A_200 = arith.constant 0 : i32
    %dma_wait3A_201 = arith.constant 0 : i32
    %dma_wait3A_202 = tpu.memref_slice %arg2[%dma_wait3A_198, %dma_wait3A_199, %dma_wait3A_200, %dma_wait3A_201] : memref<16x16x8x896xf32, #tpu.memory_space<hbm>> -> memref<1x1x8x896xf32, #tpu.memory_space<hbm>>
    %dma_wait3A_203 = tpu.memref_squeeze %dma_wait3A_202 : memref<1x1x8x896xf32, #tpu.memory_space<hbm>> -> memref<8x896xf32, #tpu.memory_space<hbm>>
    %dma_wait3A_204 = arith.constant 0 : i32
    %dma_wait3A_205 = arith.constant 0 : i32
    %dma_wait3A_206 = tpu.memref_slice %arg2[%dma_wait3A_198, %dma_wait3A_199, %dma_wait3A_204, %dma_wait3A_205] : memref<16x16x8x896xf32, #tpu.memory_space<hbm>> -> memref<1x1x8x896xf32, #tpu.memory_space<hbm>>
    %dma_wait3A_207 = tpu.memref_squeeze %dma_wait3A_206 : memref<1x1x8x896xf32, #tpu.memory_space<hbm>> -> memref<8x896xf32, #tpu.memory_space<hbm>>
    tpu.wait_dma2 semaphore(%arg8 : memref<!tpu.dma_semaphore, #tpu.memory_space<semaphore_mem>>) src(%dma_wait3A_207 : memref<8x896xf32, #tpu.memory_space<hbm>>) dst(%arg6 : memref<8x896xf32, #tpu.memory_space<vmem>>)
    %scan3A_208 = arith.constant 0 : i32
    %scan3A_209 = arith.constant 0 : i32
    %scan3A_210 = arith.constant 16 : i32
    %scan3A_211 = arith.addi %scan3A_209, %scan3A_210 : i32
    %scan3A_212 = arith.constant 1 : i32
    scf.for %scan3A_254 = %scan3A_209 to %scan3A_211 step %scan3A_212  : i32 {
      %mul3A_255 = arith.constant 16 : i32
      %mul3A_256 = arith.muli %mul3A_255, %scan3A_254 : i32
      %add3A_257 = arith.addi %add3A_197, %mul3A_256 : i32
      %sub3A = arith.constant 1 : i32
      %sub3A_258 = arith.subi %scan3A_254, %sub3A : i32
      %mul3A_259 = arith.constant 128 : i32
      %mul3A_260 = arith.muli %mul3A_259, %sub3A_258 : i32
      %jit3A = arith.constant 0 : i32
      %jit3A_261 = arith.constant 1536 : i32
      %max3A = arith.maxsi %jit3A, %mul3A_260 : i32
      %min3A = arith.minsi %jit3A_261, %max3A : i32
      %shift_right_arithmetic3A_262 = arith.constant 7 : i32
      %shift_right_arithmetic3A_263 = arith.shrsi %min3A, %shift_right_arithmetic3A_262 : i32
      %add3A_264 = arith.constant 384 : i32
      %add3A_265 = arith.addi %min3A, %add3A_264 : i32
      %mul3A_266 = arith.constant 128 : i32
      %mul3A_267 = arith.muli %mul3A_266, %scan3A_254 : i32
      %sub3A_268 = arith.subi %add3A_265, %mul3A_267 : i32
      %multiple_of3A = tpu.assume_multiple %sub3A_268, 128 : i32
      %multiple_of3A_269 = tpu.assume_multiple %min3A, 128 : i32
      %dma_start3A_270 = arith.constant 0 : i32
      %dma_start3A_271 = tpu.memref_slice %arg6[%dma_start3A_270, %multiple_of3A] : memref<8x896xf32, #tpu.memory_space<vmem>> -> memref<8x512xf32, #tpu.memory_space<vmem>>
      %dma_start3A_272 = arith.constant 0 : i32
      %dma_start3A_273 = arith.constant 0 : i32
      %dma_start3A_274 = tpu.memref_slice %arg3[%shift_right_arithmetic3A_1, %add3A_257, %dma_start3A_272, %dma_start3A_273] : memref<16x256x8x2048xf32, #tpu.memory_space<hbm>> -> memref<1x1x8x2048xf32, #tpu.memory_space<hbm>>
      %dma_start3A_275 = tpu.memref_squeeze %dma_start3A_274 : memref<1x1x8x2048xf32, #tpu.memory_space<hbm>> -> memref<8x2048xf32, #tpu.memory_space<hbm>>
      %dma_start3A_276 = arith.constant 0 : i32
      %dma_start3A_277 = tpu.memref_slice %dma_start3A_275[%dma_start3A_276, %multiple_of3A_269] : memref<8x2048xf32, #tpu.memory_space<hbm>> -> memref<8x512xf32, #tpu.memory_space<hbm>>
      %dma_start3A_278 = arith.constant 0 : i32
      %dma_start3A_279 = arith.constant 0 : i32
      %dma_start3A_280 = tpu.memref_slice %arg3[%shift_right_arithmetic3A_1, %add3A_257, %dma_start3A_278, %dma_start3A_279] : memref<16x256x8x2048xf32, #tpu.memory_space<hbm>> -> memref<1x1x8x2048xf32, #tpu.memory_space<hbm>>
      %dma_start3A_281 = tpu.memref_squeeze %dma_start3A_280 : memref<1x1x8x2048xf32, #tpu.memory_space<hbm>> -> memref<8x2048xf32, #tpu.memory_space<hbm>>
      %dma_start3A_282 = arith.constant 0 : i32
      %dma_start3A_283 = tpu.memref_slice %dma_start3A_281[%dma_start3A_282, %multiple_of3A_269] : memref<8x2048xf32, #tpu.memory_space<hbm>> -> memref<8x512xf32, #tpu.memory_space<hbm>>
      %dma_start3A_284 = arith.constant 0 : i32
      %dma_start3A_285 = tpu.memref_slice %arg6[%dma_start3A_284, %multiple_of3A] : memref<8x896xf32, #tpu.memory_space<vmem>> -> memref<8x512xf32, #tpu.memory_space<vmem>>
      tpu.enqueue_dma source(%dma_start3A_285 : memref<8x512xf32, #tpu.memory_space<vmem>>) target(%dma_start3A_283 : memref<8x512xf32, #tpu.memory_space<hbm>>) target_semaphore(%arg9 : memref<!tpu.dma_semaphore, #tpu.memory_space<semaphore_mem>>)
      %scan3A_286 = arith.constant 0 : i32
      %scan3A_287 = arith.constant 0 : i32
      %scan3A_288 = arith.constant 12 : i32
      %scan3A_289 = arith.addi %scan3A_287, %scan3A_288 : i32
      %scan3A_290 = arith.constant 1 : i32
      scf.for %scan3A_292 = %scan3A_287 to %scan3A_289 step %scan3A_290  : i32 {
        %lt3A = arith.cmpi slt, %scan3A_292, %shift_right_arithmetic3A_263 : i32
        %add3A_293 = arith.constant 4 : i32
        %add3A_294 = arith.addi %scan3A_292, %add3A_293 : i32
        %select_n3A = arith.select %lt3A, %scan3A_292, %add3A_294 : i32
        %mul3A_295 = arith.constant 128 : i32
        %mul3A_296 = arith.muli %select_n3A, %mul3A_295 : i32
        %jit3A_297 = arith.constant 0 : i32
        %jit3A_298 = arith.constant 768 : i32
        %select_n3A_299 = arith.select %lt3A, %jit3A_297, %jit3A_298 : i32
        %multiple_of3A_300 = tpu.assume_multiple %select_n3A_299, 128 : i32
        %multiple_of3A_301 = tpu.assume_multiple %mul3A_296, 128 : i32
        %dma_start3A_302 = arith.constant 0 : i32
        %dma_start3A_303 = tpu.memref_slice %arg6[%dma_start3A_302, %multiple_of3A_300] : memref<8x896xf32, #tpu.memory_space<vmem>> -> memref<8x128xf32, #tpu.memory_space<vmem>>
        %dma_start3A_304 = arith.constant 0 : i32
        %dma_start3A_305 = arith.constant 0 : i32
        %dma_start3A_306 = tpu.memref_slice %arg3[%shift_right_arithmetic3A_1, %add3A_257, %dma_start3A_304, %dma_start3A_305] : memref<16x256x8x2048xf32, #tpu.memory_space<hbm>> -> memref<1x1x8x2048xf32, #tpu.memory_space<hbm>>
        %dma_start3A_307 = tpu.memref_squeeze %dma_start3A_306 : memref<1x1x8x2048xf32, #tpu.memory_space<hbm>> -> memref<8x2048xf32, #tpu.memory_space<hbm>>
        %dma_start3A_308 = arith.constant 0 : i32
        %dma_start3A_309 = tpu.memref_slice %dma_start3A_307[%dma_start3A_308, %multiple_of3A_301] : memref<8x2048xf32, #tpu.memory_space<hbm>> -> memref<8x128xf32, #tpu.memory_space<hbm>>
        %dma_start3A_310 = arith.constant 0 : i32
        %dma_start3A_311 = arith.constant 0 : i32
        %dma_start3A_312 = tpu.memref_slice %arg3[%shift_right_arithmetic3A_1, %add3A_257, %dma_start3A_310, %dma_start3A_311] : memref<16x256x8x2048xf32, #tpu.memory_space<hbm>> -> memref<1x1x8x2048xf32, #tpu.memory_space<hbm>>
        %dma_start3A_313 = tpu.memref_squeeze %dma_start3A_312 : memref<1x1x8x2048xf32, #tpu.memory_space<hbm>> -> memref<8x2048xf32, #tpu.memory_space<hbm>>
        %dma_start3A_314 = arith.constant 0 : i32
        %dma_start3A_315 = tpu.memref_slice %dma_start3A_313[%dma_start3A_314, %multiple_of3A_301] : memref<8x2048xf32, #tpu.memory_space<hbm>> -> memref<8x128xf32, #tpu.memory_space<hbm>>
        %dma_start3A_316 = arith.constant 0 : i32
        %dma_start3A_317 = tpu.memref_slice %arg6[%dma_start3A_316, %multiple_of3A_300] : memref<8x896xf32, #tpu.memory_space<vmem>> -> memref<8x128xf32, #tpu.memory_space<vmem>>
        tpu.enqueue_dma source(%dma_start3A_317 : memref<8x128xf32, #tpu.memory_space<vmem>>) target(%dma_start3A_315 : memref<8x128xf32, #tpu.memory_space<hbm>>) target_semaphore(%arg9 : memref<!tpu.dma_semaphore, #tpu.memory_space<semaphore_mem>>)
      }
      %scan3A_291 = arith.constant 12 : i32
    }
    %scan3A_213 = arith.constant 16 : i32
    %scan3A_214 = arith.constant 0 : i32
    %scan3A_215 = arith.constant 0 : i32
    %scan3A_216 = arith.constant 64 : i32
    %scan3A_217 = arith.addi %scan3A_215, %scan3A_216 : i32
    %scan3A_218 = arith.constant 1 : i32
    scf.for %scan3A_254 = %scan3A_215 to %scan3A_217 step %scan3A_218  : i32 {
      %dma_wait3A_255 = arith.constant 0 : i32
      %dma_wait3A_256 = arith.constant 0 : i32
      %dma_wait3A_257 = arith.constant 0 : i32
      %dma_wait3A_258 = arith.constant 0 : i32
      %dma_wait3A_259 = tpu.memref_slice %arg4[%dma_wait3A_257, %dma_wait3A_258] : memref<8x896xf32, #tpu.memory_space<vmem>> -> memref<8x512xf32, #tpu.memory_space<vmem>>
      %dma_wait3A_260 = arith.constant 0 : i32
      %dma_wait3A_261 = arith.constant 0 : i32
      %dma_wait3A_262 = tpu.memref_slice %arg3[%dma_wait3A_255, %dma_wait3A_256, %dma_wait3A_260, %dma_wait3A_261] : memref<16x256x8x2048xf32, #tpu.memory_space<hbm>> -> memref<1x1x8x2048xf32, #tpu.memory_space<hbm>>
      %dma_wait3A_263 = tpu.memref_squeeze %dma_wait3A_262 : memref<1x1x8x2048xf32, #tpu.memory_space<hbm>> -> memref<8x2048xf32, #tpu.memory_space<hbm>>
      %dma_wait3A_264 = arith.constant 0 : i32
      %dma_wait3A_265 = arith.constant 0 : i32
      %dma_wait3A_266 = tpu.memref_slice %dma_wait3A_263[%dma_wait3A_264, %dma_wait3A_265] : memref<8x2048xf32, #tpu.memory_space<hbm>> -> memref<8x512xf32, #tpu.memory_space<hbm>>
      %dma_wait3A_267 = arith.constant 0 : i32
      %dma_wait3A_268 = arith.constant 0 : i32
      %dma_wait3A_269 = tpu.memref_slice %arg3[%dma_wait3A_255, %dma_wait3A_256, %dma_wait3A_267, %dma_wait3A_268] : memref<16x256x8x2048xf32, #tpu.memory_space<hbm>> -> memref<1x1x8x2048xf32, #tpu.memory_space<hbm>>
      %dma_wait3A_270 = tpu.memref_squeeze %dma_wait3A_269 : memref<1x1x8x2048xf32, #tpu.memory_space<hbm>> -> memref<8x2048xf32, #tpu.memory_space<hbm>>
      %dma_wait3A_271 = arith.constant 0 : i32
      %dma_wait3A_272 = arith.constant 0 : i32
      %dma_wait3A_273 = tpu.memref_slice %dma_wait3A_270[%dma_wait3A_271, %dma_wait3A_272] : memref<8x2048xf32, #tpu.memory_space<hbm>> -> memref<8x512xf32, #tpu.memory_space<hbm>>
      %dma_wait3A_274 = arith.constant 0 : i32
      %dma_wait3A_275 = arith.constant 0 : i32
      %dma_wait3A_276 = tpu.memref_slice %arg4[%dma_wait3A_274, %dma_wait3A_275] : memref<8x896xf32, #tpu.memory_space<vmem>> -> memref<8x512xf32, #tpu.memory_space<vmem>>
      tpu.wait_dma2 semaphore(%arg9 : memref<!tpu.dma_semaphore, #tpu.memory_space<semaphore_mem>>) src(%dma_wait3A_276 : memref<8x512xf32, #tpu.memory_space<vmem>>) dst(%dma_wait3A_273 : memref<8x512xf32, #tpu.memory_space<hbm>>)
    }
    %scan3A_219 = arith.constant 64 : i32
    %add3A_220 = arith.constant 14 : i32
    %add3A_221 = arith.addi %add3A_220, %and3A_2 : i32
    %dma_start3A_222 = arith.constant 0 : i32
    %dma_start3A_223 = arith.constant 0 : i32
    %dma_start3A_224 = tpu.memref_slice %arg2[%shift_right_arithmetic3A_1, %add3A_221, %dma_start3A_222, %dma_start3A_223] : memref<16x16x8x896xf32, #tpu.memory_space<hbm>> -> memref<1x1x8x896xf32, #tpu.memory_space<hbm>>
    %dma_start3A_225 = tpu.memref_squeeze %dma_start3A_224 : memref<1x1x8x896xf32, #tpu.memory_space<hbm>> -> memref<8x896xf32, #tpu.memory_space<hbm>>
    %dma_start3A_226 = arith.constant 0 : i32
    %dma_start3A_227 = arith.constant 0 : i32
    %dma_start3A_228 = tpu.memref_slice %arg2[%shift_right_arithmetic3A_1, %add3A_221, %dma_start3A_226, %dma_start3A_227] : memref<16x16x8x896xf32, #tpu.memory_space<hbm>> -> memref<1x1x8x896xf32, #tpu.memory_space<hbm>>
    %dma_start3A_229 = tpu.memref_squeeze %dma_start3A_228 : memref<1x1x8x896xf32, #tpu.memory_space<hbm>> -> memref<8x896xf32, #tpu.memory_space<hbm>>
    tpu.enqueue_dma source(%dma_start3A_229 : memref<8x896xf32, #tpu.memory_space<hbm>>) target(%arg7 : memref<8x896xf32, #tpu.memory_space<vmem>>) target_semaphore(%arg8 : memref<!tpu.dma_semaphore, #tpu.memory_space<semaphore_mem>>)
    %add3A_230 = arith.constant 14 : i32
    %add3A_231 = arith.addi %add3A_230, %and3A_2 : i32
    %dma_wait3A_232 = arith.constant 0 : i32
    %dma_wait3A_233 = arith.constant 0 : i32
    %dma_wait3A_234 = arith.constant 0 : i32
    %dma_wait3A_235 = arith.constant 0 : i32
    %dma_wait3A_236 = tpu.memref_slice %arg2[%dma_wait3A_232, %dma_wait3A_233, %dma_wait3A_234, %dma_wait3A_235] : memref<16x16x8x896xf32, #tpu.memory_space<hbm>> -> memref<1x1x8x896xf32, #tpu.memory_space<hbm>>
    %dma_wait3A_237 = tpu.memref_squeeze %dma_wait3A_236 : memref<1x1x8x896xf32, #tpu.memory_space<hbm>> -> memref<8x896xf32, #tpu.memory_space<hbm>>
    %dma_wait3A_238 = arith.constant 0 : i32
    %dma_wait3A_239 = arith.constant 0 : i32
    %dma_wait3A_240 = tpu.memref_slice %arg2[%dma_wait3A_232, %dma_wait3A_233, %dma_wait3A_238, %dma_wait3A_239] : memref<16x16x8x896xf32, #tpu.memory_space<hbm>> -> memref<1x1x8x896xf32, #tpu.memory_space<hbm>>
    %dma_wait3A_241 = tpu.memref_squeeze %dma_wait3A_240 : memref<1x1x8x896xf32, #tpu.memory_space<hbm>> -> memref<8x896xf32, #tpu.memory_space<hbm>>
    tpu.wait_dma2 semaphore(%arg8 : memref<!tpu.dma_semaphore, #tpu.memory_space<semaphore_mem>>) src(%dma_wait3A_241 : memref<8x896xf32, #tpu.memory_space<hbm>>) dst(%arg7 : memref<8x896xf32, #tpu.memory_space<vmem>>)
    %scan3A_242 = arith.constant 0 : i32
    %scan3A_243 = arith.constant 0 : i32
    %scan3A_244 = arith.constant 16 : i32
    %scan3A_245 = arith.addi %scan3A_243, %scan3A_244 : i32
    %scan3A_246 = arith.constant 1 : i32
    scf.for %scan3A_254 = %scan3A_243 to %scan3A_245 step %scan3A_246  : i32 {
      %mul3A_255 = arith.constant 16 : i32
      %mul3A_256 = arith.muli %mul3A_255, %scan3A_254 : i32
      %add3A_257 = arith.addi %add3A_231, %mul3A_256 : i32
      %sub3A = arith.constant 1 : i32
      %sub3A_258 = arith.subi %scan3A_254, %sub3A : i32
      %mul3A_259 = arith.constant 128 : i32
      %mul3A_260 = arith.muli %mul3A_259, %sub3A_258 : i32
      %jit3A = arith.constant 0 : i32
      %jit3A_261 = arith.constant 1536 : i32
      %max3A = arith.maxsi %jit3A, %mul3A_260 : i32
      %min3A = arith.minsi %jit3A_261, %max3A : i32
      %shift_right_arithmetic3A_262 = arith.constant 7 : i32
      %shift_right_arithmetic3A_263 = arith.shrsi %min3A, %shift_right_arithmetic3A_262 : i32
      %add3A_264 = arith.constant 384 : i32
      %add3A_265 = arith.addi %min3A, %add3A_264 : i32
      %mul3A_266 = arith.constant 128 : i32
      %mul3A_267 = arith.muli %mul3A_266, %scan3A_254 : i32
      %sub3A_268 = arith.subi %add3A_265, %mul3A_267 : i32
      %multiple_of3A = tpu.assume_multiple %sub3A_268, 128 : i32
      %multiple_of3A_269 = tpu.assume_multiple %min3A, 128 : i32
      %dma_start3A_270 = arith.constant 0 : i32
      %dma_start3A_271 = tpu.memref_slice %arg7[%dma_start3A_270, %multiple_of3A] : memref<8x896xf32, #tpu.memory_space<vmem>> -> memref<8x512xf32, #tpu.memory_space<vmem>>
      %dma_start3A_272 = arith.constant 0 : i32
      %dma_start3A_273 = arith.constant 0 : i32
      %dma_start3A_274 = tpu.memref_slice %arg3[%shift_right_arithmetic3A_1, %add3A_257, %dma_start3A_272, %dma_start3A_273] : memref<16x256x8x2048xf32, #tpu.memory_space<hbm>> -> memref<1x1x8x2048xf32, #tpu.memory_space<hbm>>
      %dma_start3A_275 = tpu.memref_squeeze %dma_start3A_274 : memref<1x1x8x2048xf32, #tpu.memory_space<hbm>> -> memref<8x2048xf32, #tpu.memory_space<hbm>>
      %dma_start3A_276 = arith.constant 0 : i32
      %dma_start3A_277 = tpu.memref_slice %dma_start3A_275[%dma_start3A_276, %multiple_of3A_269] : memref<8x2048xf32, #tpu.memory_space<hbm>> -> memref<8x512xf32, #tpu.memory_space<hbm>>
      %dma_start3A_278 = arith.constant 0 : i32
      %dma_start3A_279 = arith.constant 0 : i32
      %dma_start3A_280 = tpu.memref_slice %arg3[%shift_right_arithmetic3A_1, %add3A_257, %dma_start3A_278, %dma_start3A_279] : memref<16x256x8x2048xf32, #tpu.memory_space<hbm>> -> memref<1x1x8x2048xf32, #tpu.memory_space<hbm>>
      %dma_start3A_281 = tpu.memref_squeeze %dma_start3A_280 : memref<1x1x8x2048xf32, #tpu.memory_space<hbm>> -> memref<8x2048xf32, #tpu.memory_space<hbm>>
      %dma_start3A_282 = arith.constant 0 : i32
      %dma_start3A_283 = tpu.memref_slice %dma_start3A_281[%dma_start3A_282, %multiple_of3A_269] : memref<8x2048xf32, #tpu.memory_space<hbm>> -> memref<8x512xf32, #tpu.memory_space<hbm>>
      %dma_start3A_284 = arith.constant 0 : i32
      %dma_start3A_285 = tpu.memref_slice %arg7[%dma_start3A_284, %multiple_of3A] : memref<8x896xf32, #tpu.memory_space<vmem>> -> memref<8x512xf32, #tpu.memory_space<vmem>>
      tpu.enqueue_dma source(%dma_start3A_285 : memref<8x512xf32, #tpu.memory_space<vmem>>) target(%dma_start3A_283 : memref<8x512xf32, #tpu.memory_space<hbm>>) target_semaphore(%arg9 : memref<!tpu.dma_semaphore, #tpu.memory_space<semaphore_mem>>)
      %scan3A_286 = arith.constant 0 : i32
      %scan3A_287 = arith.constant 0 : i32
      %scan3A_288 = arith.constant 12 : i32
      %scan3A_289 = arith.addi %scan3A_287, %scan3A_288 : i32
      %scan3A_290 = arith.constant 1 : i32
      scf.for %scan3A_292 = %scan3A_287 to %scan3A_289 step %scan3A_290  : i32 {
        %lt3A = arith.cmpi slt, %scan3A_292, %shift_right_arithmetic3A_263 : i32
        %add3A_293 = arith.constant 4 : i32
        %add3A_294 = arith.addi %scan3A_292, %add3A_293 : i32
        %select_n3A = arith.select %lt3A, %scan3A_292, %add3A_294 : i32
        %mul3A_295 = arith.constant 128 : i32
        %mul3A_296 = arith.muli %select_n3A, %mul3A_295 : i32
        %jit3A_297 = arith.constant 0 : i32
        %jit3A_298 = arith.constant 768 : i32
        %select_n3A_299 = arith.select %lt3A, %jit3A_297, %jit3A_298 : i32
        %multiple_of3A_300 = tpu.assume_multiple %select_n3A_299, 128 : i32
        %multiple_of3A_301 = tpu.assume_multiple %mul3A_296, 128 : i32
        %dma_start3A_302 = arith.constant 0 : i32
        %dma_start3A_303 = tpu.memref_slice %arg7[%dma_start3A_302, %multiple_of3A_300] : memref<8x896xf32, #tpu.memory_space<vmem>> -> memref<8x128xf32, #tpu.memory_space<vmem>>
        %dma_start3A_304 = arith.constant 0 : i32
        %dma_start3A_305 = arith.constant 0 : i32
        %dma_start3A_306 = tpu.memref_slice %arg3[%shift_right_arithmetic3A_1, %add3A_257, %dma_start3A_304, %dma_start3A_305] : memref<16x256x8x2048xf32, #tpu.memory_space<hbm>> -> memref<1x1x8x2048xf32, #tpu.memory_space<hbm>>
        %dma_start3A_307 = tpu.memref_squeeze %dma_start3A_306 : memref<1x1x8x2048xf32, #tpu.memory_space<hbm>> -> memref<8x2048xf32, #tpu.memory_space<hbm>>
        %dma_start3A_308 = arith.constant 0 : i32
        %dma_start3A_309 = tpu.memref_slice %dma_start3A_307[%dma_start3A_308, %multiple_of3A_301] : memref<8x2048xf32, #tpu.memory_space<hbm>> -> memref<8x128xf32, #tpu.memory_space<hbm>>
        %dma_start3A_310 = arith.constant 0 : i32
        %dma_start3A_311 = arith.constant 0 : i32
        %dma_start3A_312 = tpu.memref_slice %arg3[%shift_right_arithmetic3A_1, %add3A_257, %dma_start3A_310, %dma_start3A_311] : memref<16x256x8x2048xf32, #tpu.memory_space<hbm>> -> memref<1x1x8x2048xf32, #tpu.memory_space<hbm>>
        %dma_start3A_313 = tpu.memref_squeeze %dma_start3A_312 : memref<1x1x8x2048xf32, #tpu.memory_space<hbm>> -> memref<8x2048xf32, #tpu.memory_space<hbm>>
        %dma_start3A_314 = arith.constant 0 : i32
        %dma_start3A_315 = tpu.memref_slice %dma_start3A_313[%dma_start3A_314, %multiple_of3A_301] : memref<8x2048xf32, #tpu.memory_space<hbm>> -> memref<8x128xf32, #tpu.memory_space<hbm>>
        %dma_start3A_316 = arith.constant 0 : i32
        %dma_start3A_317 = tpu.memref_slice %arg7[%dma_start3A_316, %multiple_of3A_300] : memref<8x896xf32, #tpu.memory_space<vmem>> -> memref<8x128xf32, #tpu.memory_space<vmem>>
        tpu.enqueue_dma source(%dma_start3A_317 : memref<8x128xf32, #tpu.memory_space<vmem>>) target(%dma_start3A_315 : memref<8x128xf32, #tpu.memory_space<hbm>>) target_semaphore(%arg9 : memref<!tpu.dma_semaphore, #tpu.memory_space<semaphore_mem>>)
      }
      %scan3A_291 = arith.constant 12 : i32
    }
    %scan3A_247 = arith.constant 16 : i32
    %scan3A_248 = arith.constant 0 : i32
    %scan3A_249 = arith.constant 0 : i32
    %scan3A_250 = arith.constant 256 : i32
    %scan3A_251 = arith.addi %scan3A_249, %scan3A_250 : i32
    %scan3A_252 = arith.constant 1 : i32
    scf.for %scan3A_254 = %scan3A_249 to %scan3A_251 step %scan3A_252  : i32 {
      %dma_wait3A_255 = arith.constant 0 : i32
      %dma_wait3A_256 = arith.constant 0 : i32
      %dma_wait3A_257 = arith.constant 0 : i32
      %dma_wait3A_258 = arith.constant 0 : i32
      %dma_wait3A_259 = tpu.memref_slice %arg4[%dma_wait3A_257, %dma_wait3A_258] : memref<8x896xf32, #tpu.memory_space<vmem>> -> memref<8x512xf32, #tpu.memory_space<vmem>>
      %dma_wait3A_260 = arith.constant 0 : i32
      %dma_wait3A_261 = arith.constant 0 : i32
      %dma_wait3A_262 = tpu.memref_slice %arg3[%dma_wait3A_255, %dma_wait3A_256, %dma_wait3A_260, %dma_wait3A_261] : memref<16x256x8x2048xf32, #tpu.memory_space<hbm>> -> memref<1x1x8x2048xf32, #tpu.memory_space<hbm>>
      %dma_wait3A_263 = tpu.memref_squeeze %dma_wait3A_262 : memref<1x1x8x2048xf32, #tpu.memory_space<hbm>> -> memref<8x2048xf32, #tpu.memory_space<hbm>>
      %dma_wait3A_264 = arith.constant 0 : i32
      %dma_wait3A_265 = arith.constant 0 : i32
      %dma_wait3A_266 = tpu.memref_slice %dma_wait3A_263[%dma_wait3A_264, %dma_wait3A_265] : memref<8x2048xf32, #tpu.memory_space<hbm>> -> memref<8x512xf32, #tpu.memory_space<hbm>>
      %dma_wait3A_267 = arith.constant 0 : i32
      %dma_wait3A_268 = arith.constant 0 : i32
      %dma_wait3A_269 = tpu.memref_slice %arg3[%dma_wait3A_255, %dma_wait3A_256, %dma_wait3A_267, %dma_wait3A_268] : memref<16x256x8x2048xf32, #tpu.memory_space<hbm>> -> memref<1x1x8x2048xf32, #tpu.memory_space<hbm>>
      %dma_wait3A_270 = tpu.memref_squeeze %dma_wait3A_269 : memref<1x1x8x2048xf32, #tpu.memory_space<hbm>> -> memref<8x2048xf32, #tpu.memory_space<hbm>>
      %dma_wait3A_271 = arith.constant 0 : i32
      %dma_wait3A_272 = arith.constant 0 : i32
      %dma_wait3A_273 = tpu.memref_slice %dma_wait3A_270[%dma_wait3A_271, %dma_wait3A_272] : memref<8x2048xf32, #tpu.memory_space<hbm>> -> memref<8x512xf32, #tpu.memory_space<hbm>>
      %dma_wait3A_274 = arith.constant 0 : i32
      %dma_wait3A_275 = arith.constant 0 : i32
      %dma_wait3A_276 = tpu.memref_slice %arg4[%dma_wait3A_274, %dma_wait3A_275] : memref<8x896xf32, #tpu.memory_space<vmem>> -> memref<8x512xf32, #tpu.memory_space<vmem>>
      tpu.wait_dma2 semaphore(%arg9 : memref<!tpu.dma_semaphore, #tpu.memory_space<semaphore_mem>>) src(%dma_wait3A_276 : memref<8x512xf32, #tpu.memory_space<vmem>>) dst(%dma_wait3A_273 : memref<8x512xf32, #tpu.memory_space<hbm>>)
    }
    %scan3A_253 = arith.constant 256 : i32
    return
  }
}

</mosaic_0001>

<sc_bundles>
// kernel: kernel.4.cloned.1.call-start
scs
__scs_entry_jumppad:
0x0: {  	(pc) =	sbr.rel $0x88, $3  }
0x1: {  	(tag) =	ssettag $0x0;
	lr =	simm.s32 $0x1  }
0x2: {  	[smem:$0x3FA0] =	sst lr;
	_ =	strace $0xD0000000  }
0x3: {  	_ = 	snop  }
0x4: {  	_ = 	snop  }
0x5: {  	_ = 	snop  }
0x6: {  	_ = 	snop  }
0x7: {  	_ = 	snop  }
__scs_overlays_trampoline_lowered:
0x8: {  	[smem:$0x3FAF] =	sst s0  }
0x9: {  	[smem:$0x3FB0] =	sst s1  }
0xa: {  	[smem:$0x3FB1] =	sst s2  }
0xb: {  	[smem:$0x3FB2] =	sst s3  }
0xc: {  	[smem:$0x3FB3] =	sst s4  }
0xd: {  	[smem:$0x3FB4] =	sst s5  }
0xe: {  	[smem:$0x3FB5] =	sst s6  }
0xf: {  	[smem:$0x3FB6] =	sst s7  }
0x10: {  	[smem:$0x3FB7] =	sst s8  }
0x11: {  	[smem:$0x3FB8] =	sst s9;
	s0 =	simm.s32 @!p0 $0x0  }
0x12: {  	s1 =	sld [smem:$0x3F9E];
	s0 =	simm.s32 @p0 $0x1  }
0x13: {  	[smem:$0x3FB9] =	sst s0;
	s0 =	simm.s32 @!p1 $0x0  }
0x14: {  	s2 =	sld [smem:$0x3F9D];
	s0 =	simm.s32 @p1 $0x1  }
0x15: {  	[smem:$0x3FBA] =	sst s0;
	s0 =	simm.s32 @!p2 $0x0  }
0x16: {  	s3 =	sld [smem:$0x3FDB];
	s0 =	simm.s32 @p2 $0x1  }
0x17: {  	s4 =	simm.s32 $0x1BF5;
	[smem:$0x3FBC] =	sst s0  }
0x18: {  	s0 =	sld [smem:$0x3F9F];
	_ =	swait.ge [sflag:s4], $0x0  }
0x19: {  	s7 =	sld [smem:$0x3FA0]  }
0x1a: {  	s8 =	sadd.s32 $0xFFFFE003, lr  }
0x1b: {  	s9 =	sadd.s32 $0xFFFFFEF7, lr;
	s5 =	simm.s32 $0xFFFFFFFF;
	p2 =	slt.u32 s8, $0xFFFFF086  }
0x1c: {  	p1 =	slt.u32 s9, $0xF7A;
	s5 =	simm.s32 @!p2 $0x0  }
0x1d: {  	s5 =	simm.s32 @p1 $0x1;
	p0 =	seq.s32 s7, s2  }
0x1e: {  	s7 =	smul.u32 @!p0 $0xF7A, s2;
	p2 =	seq.s32 @!p0 s5, $0x0  }
0x1f: {  	s9 =	smul.u32 $0xF7A, s1;
	s8 =	simm.s32 @!p0 $0x1BF5;
	p2 =	por !p2, p0  }
0x20: {  	[sflag:s8] =	ssyncset.s32 @!p0 $0xFFFFF086;
	s6 =	sadd.s32 @!p0 s3, s7;
	s7 =	simm.s32 @!p0 $0x108  }
0x21: {  	s3 =	sadd.s32 s3, s9;
	s6 =	sadd.s32 @!p0 $0x88, s6;
	s7 =	simm.s32 @p2 $0x1082  }
0x22: {  	[simem:s7], [sflag:s8] =	dma.local @!p0 [hbm:s6], $0xF7A  }
0x23: {  	s9 =	sor.u32 $0xD0000000, s2;
	s6 =	simm.s32 $0x108;
	_ =	swait.ge @!p0 [sflag:s8], $0x0  }
0x24: {  	s3 =	sadd.s32 $0x88, s3;
	s6 =	simm.s32 @!p1 $0x1082;
	[sflag:s4] =	ssyncset.s32 $0xFFFFF086  }
0x25: {  	[simem:s6], [sflag:s4] =	dma.local [hbm:s3], $0xF7A  }
0x26: {  	[smem:$0x3FA0] =	sst s1;
	(tag) =	ssettag s2;
	_ =	strace s9  }
0x27: {  	s1 =	sld [smem:$0x3FB0]  }
0x28: {  	s2 =	sld [smem:$0x3FB1]  }
0x29: {  	s4 =	sld [smem:$0x3FB3]  }
0x2a: {  	p0 =	seq.s32 s5, $0x0;
	s5 =	sld [smem:$0x3FB4]  }
0x2b: {  	s6 =	sld [smem:$0x3FB5]  }
0x2c: {  	s7 =	sld [smem:$0x3FB6]  }
0x2d: {  	s3 =	simm.s32 $0x108;
	s8 =	sld [smem:$0x3FB7]  }
0x2e: {  	s3 =	simm.s32 @!p0 $0x1082;
	s9 =	sld [smem:$0x3FB8]  }
0x2f: {  	lr =	sadd.s32 s0, s3;
	s0 =	sld [smem:$0x3FAF]  }
0x30: {  	s3 =	sld [smem:$0x3FB2]  }
0x31: {  	[smem:$0x3FBB] =	sst s10  }
0x32: {  	s10 =	sld [smem:$0x3FB9];
	_ =	sdelay $0x3  }
0x33: {  	p0 =	seq.s32 s10, $0x1;
	s10 =	sld [smem:$0x3FBB];
	_ =	sdelay $0x3  }
0x34: {  	[smem:$0x3FBB] =	sst s10  }
0x35: {  	s10 =	sld [smem:$0x3FBA];
	_ =	sdelay $0x3  }
0x36: {  	p1 =	seq.s32 s10, $0x1;
	s10 =	sld [smem:$0x3FBB];
	_ =	sdelay $0x3  }
0x37: {  	[smem:$0x3FBB] =	sst s10  }
0x38: {  	s10 =	sld [smem:$0x3FBC]  }
0x39: {  	_ = 	snop;
	(pc) =	sbr.ind lr, $3  }
0x3a: {  	_ = 	snop  }
0x3b: {  	_ = 	snop  }
0x3c: {  	p2 =	seq.s32 s10, $0x1;
	s10 =	sld [smem:$0x3FBB]  }
0x3d: {  	_ =	shalt  }
0x3e: {  	_ =	shalt  }
0x3f: {  	_ =	shalt  }
0x40: {  	_ =	shalt  }
0x41: {  	_ =	shalt  }
0x42: {  	_ =	shalt  }
0x43: {  	_ =	shalt  }
0x44: {  	_ =	shalt  }
0x45: {  	_ =	shalt  }
0x46: {  	_ =	shalt  }
0x47: {  	_ =	shalt  }
0x48: {  	_ =	shalt  }
0x49: {  	_ =	shalt  }
0x4a: {  	_ =	shalt  }
0x4b: {  	_ =	shalt  }
0x4c: {  	_ =	shalt  }
0x4d: {  	_ =	shalt  }
0x4e: {  	_ =	shalt  }
0x4f: {  	_ =	shalt  }
0x50: {  	_ =	shalt  }
0x51: {  	_ =	shalt  }
0x52: {  	_ =	shalt  }
0x53: {  	_ =	shalt  }
0x54: {  	_ =	shalt  }
0x55: {  	_ =	shalt  }
0x56: {  	_ =	shalt  }
0x57: {  	_ =	shalt  }
0x58: {  	_ =	shalt  }
0x59: {  	_ =	shalt  }
0x5a: {  	_ =	shalt  }
0x5b: {  	_ =	shalt  }
0x5c: {  	_ =	shalt  }
0x5d: {  	_ =	shalt  }
0x5e: {  	_ =	shalt  }
0x5f: {  	_ =	shalt  }
0x60: {  	_ =	shalt  }
0x61: {  	_ =	shalt  }
0x62: {  	_ =	shalt  }
0x63: {  	_ =	shalt  }
0x64: {  	_ =	shalt  }
0x65: {  	_ =	shalt  }
0x66: {  	_ =	shalt  }
0x67: {  	_ =	shalt  }
0x68: {  	_ =	shalt  }
0x69: {  	_ =	shalt  }
0x6a: {  	_ =	shalt  }
0x6b: {  	_ =	shalt  }
0x6c: {  	_ =	shalt  }
0x6d: {  	_ =	shalt  }
0x6e: {  	_ =	shalt  }
0x6f: {  	_ =	shalt  }
0x70: {  	_ =	shalt  }
0x71: {  	_ =	shalt  }
0x72: {  	_ =	shalt  }
0x73: {  	_ =	shalt  }
0x74: {  	_ =	shalt  }
0x75: {  	_ =	shalt  }
0x76: {  	_ =	shalt  }
0x77: {  	_ =	shalt  }
0x78: {  	_ =	shalt  }
0x79: {  	_ =	shalt  }
0x7a: {  	_ =	shalt  }
0x7b: {  	_ =	shalt  }
0x7c: {  	_ =	shalt  }
0x7d: {  	_ =	shalt  }
0x7e: {  	_ =	shalt  }
0x7f: {  	_ =	shalt  }
0x80: {  	_ =	shalt  }
0x81: {  	_ =	shalt  }
0x82: {  	_ =	shalt  }
0x83: {  	_ =	shalt  }
0x84: {  	_ =	shalt  }
0x85: {  	_ =	shalt  }
0x86: {  	_ =	shalt  }
0x87: {  	_ =	shalt  }
.Lfunc_end0:
.L_simem_size_0:
called_computation_lowered:
.L_overlay_start_0:
0x88: {  	s2 =	sld [smem:$0x3FD9]  }
0x89: {  	s3 =	sld [smem:$0x3FFE];
	_ =	sdelay $0x1  }
0x8a: {  	s1 =	srdreg.scid  }
0x8b: {  	s0 =	sand.u32 $0x1, s1  }
0x8c: {  	s17 =	sshll.u32 s0, $0xA;
	s2 =	sadd.s32 s3, s2  }
0x8d: {  	s2 =	sadd.s32 s2, s17  }
0x8e: {  	[smem:$0x3FC7] =	sst s2  }
0x8f: {  	_ = 	snop  }
0x90: {  	s2 =	sld [smem:$0x3FD0];
	(tm) =	ssettm $0x1  }
0x91: {  	s18 =	sld [smem:$0x3FFB];
	_ =	sdelay $0x3  }
0x92: {  	_ =	strace s18  }
0x93: {  	s3 =	sld [smem:$0x3FFC];
	_ =	sdelay $0x3  }
0x94: {  	_ =	strace s3  }
0x95: {  	s3 =	sld [smem:$0x3FFD];
	_ =	sdelay $0x3  }
0x96: {  	_ =	strace s3  }
0x97: {  	_ =	strace $0x8FFFFFFF  }
0x98: {  	s19 =	sld [smem:$0x3FDB];
	_ =	sdelay $0x1  }
0x99: {  	s4 =	simm.s32 $_scs_section_size  }
0x9a: {  	s5 =	simm.s32 $_size__tile_overlayer_lowered;
	s6 =	simm.s32 $_tile_overlayer_lowered  }
0x9b: {  	s22 =	simm.s32 $0x1BFF;
	s21 =	sshll.u32 s6, $0x1;
	s3 =	sadd.s32 s4, s19  }
0x9c: {  	s7 =	simm.s32 $0x0;
	s20 =	sshll.u32 s5, $0x1;
	s5 =	sadd.s32 s21, s3  }
0x9d: {  	[timem:s7], [sflag:s22] =	dma.local [hbm:s5], s20  }
0x9e: {  	_ =	swait.ge [sflag:s22], s20  }
0x9f: {  	s4 =	ssub.s32 $0x0, s20;
	[sflag:s22] =	ssyncset.done $0x0  }
0xa0: {  	[sflag:s22] =	ssyncadd.s32 s4;
	_ =	sdelay $0x1  }
0xa1: {  	s23 =	simm.s32 $0x1B8B  }
0xa2: {  	_ =	swait.ge [sflag:s23], $0x1  }
0xa3: {  	[sflag:s23] =	ssyncset.done $0x0  }
0xa4: {  	s25 =	simm.s32 $0x1B8E;
	s24 =	sld [smem:$0x3FFE];
	[sflag:s23] =	ssyncadd.s32 $0xFFFFFFFF  }
0xa5: {  	s26 =	simm.s32 $execute0_lowered;
	[smem:$0x3FD2] =	sst s25  }
0xa6: {  	s5 =	sshll.u32 s26, $0x1;
	_ =	strace $0x80000046;
	[dreg:$0x1] =	wrdreg $0xFFFFFFFF  }
0xa7: {  	s28 =	simm.s32 $_size_execute0_lowered;
	s3 =	sadd.s32 s3, s5;
	[dreg:$0x0] =	wrdreg $0x0  }
0xa8: {  	s5 =	sshll.u32 s28, $0x1;
	[dreg:$0x2] =	wrdreg s3  }
0xa9: {  	[dreg:$0x3] =	wrdreg s5  }
0xaa: {  	[dreg:$0x4] =	wrdreg $0xC0  }
0xab: {  	_ =	task [dreg:s7], $0x5FFFF  }
0xac: {  	[dreg:$0x1] =	wrdreg $0xFFFFFFFF  }
0xad: {  	[dreg:$0x0] =	wrdreg $0x60  }
0xae: {  	[dreg:$0x2] =	wrdreg s24  }
0xaf: {  	[dreg:$0x3] =	wrdreg s2  }
0xb0: {  	[dreg:$0x4] =	wrdreg $0x9  }
0xb1: {  	_ =	task.clear_ibuf [dreg:s7], $0x5FFFF;
	_ =	strace $0x90000046  }
0xb2: {  	s29 =	simm.s32 $0x9;
	_ =	strace $0x80000048  }
0xb3: {  	_ =	swait.ge [sflag:s29], $0x1  }
0xb4: {  	[sflag:s29] =	ssyncadd.s32 $0xFFFFFFFF  }
0xb5: {  	_ =	strace $0x90000048  }
0xb6: {  	_ =	sfence  }
0xb7: {  	s30 =	sld [smem:$0x0];
	_ =	sdelay $0x2  }
0xb8: {  	s31 =	sshll.u32 s1, $0xD;
	s1 =	sshrl.u32 s1, $0x2  }
0xb9: {  	s3 =	sand.u32 $0x4000, s31;
	s1 =	sadd.s32 s1, s30  }
0xba: {  	s0 =	sor.u32 s3, s0;
	s1 =	sshll.u32 s1, $0x11  }
0xbb: {  	s0 =	sor.u32 s1, s0  }
0xbc: {  	s0 =	sadd.s32 $0x8F2B, s0  }
0xbd: {  	[sflag:s0] =	ssyncadd.remote.s32 $0x1  }
0xbe: {  	_ =	sfence.sel $0xFFFF  }
0xbf: {  	[dreg:$0x0] =	wrdreg $0xFFFFFFFF;
	(pc) =	sbr.abs _section_cstart, $3  }
0xc0: {  	[dreg:$0x1] =	wrdreg $0xFFFFFFFF  }
0xc1: {  	_ =	task.clear_ibuf [dreg:s7], $0x2FFFF;
	_ =	strace $0x9FFFFFFF  }
0xc2: {  	(tm) =	ssettm $0x7FFFFFFF  }
0xc3: {  	_ =	shalt  }
tec
execute0_lowered:
.L_overlay_start_1:
0x0: {  	(tag) =	ssettag $0x1  }
0x1: {  	s6 =	rddreg [dreg:$0x0]  }
0x2: {  	s2 =	rddreg [dreg:$0x1]  }
0x3: {  	s0 =	rddreg [dreg:$0x2];
	s4 =	srdreg.scid  }
0x4: {  	s3 =	simm.s32 $0x0;
	s1 =	stileid.u32;
	s16 =	simm.s32 $0x2  }
0x5: {  	s17 =	simm.s32 $0x1;
	s18 =	simm.s32 $0x0;
	s4 =	sand.u32 $0x1, s4  }
0x6: {  	s7 =	smul.u32 $0x22, s1;
	s5 =	sshll.u32 s1, $0x7;
	[smem:$0x7FF] =	sst s3  }
0x7: {  	s15 =	sshll.u32 s4, $0x3;
	s8 =	ssub.s32 $0x2, s4;
	_ =	strace $0x80000047  }
0x8: {  	s9 =	sor.u32 s5, s15;
	s6 =	sadd.s32 s7, s6;
	s31 =	sshrl.u32 s8, $0x1  }
0x9: {  	s11 =	sxor.u32 $0x67F8, s15;
	s9 =	smul.u32 $0x70, s9;
	s7 =	ssub.s32 s8, s31  }
0xa: {  	s13 =	sxor.u32 $0x57F8, s15;
	s6 =	sadd.s32 $0x400, s6;
	s7 =	smax.u32 s7, $0x1  }
0xb: {  	s8 =	sadd.s32 s2, s9;
	s9 =	sxor.u32 $0x77F8, s15;
	s15 =	sxor.u32 $0x47F8, s15  }
0xc: {  	s10 =	sadd.s32 $0x70, s8;
	s12 =	sadd.s32 $0xE0, s8;
	s14 =	sadd.s32 $0x150, s8  }
.LBB2_1:
0xd: {  	[tilespmem:s3], [sflag:$0x2] =	stream.linear.gather [hbm4b:s6+s3], $0x110, $0x38;
	[tilespmem:$0x8180] =	vst v63  }
0xe: {  	_ =	swait.ge [sflag:s16], $0x110  }
0xf: {  	[sflag:s16] =	ssyncset.done $0x0  }
0x10: {  	[sflag:s16] =	ssyncadd.s32 $0xFFFFFEF0  }
0x11: {  	v0 =	vld [tilespmem:$0x0];
	_ =	sdelay $0x4  }
0x12: {  	v0 =	vadd.f32 $0.0e+00, v0;
	_ =	sdelay $0x1  }
0x13: {  	v0 =	vbroadcast v0, $0x0;
	_ =	sdelay $0x1  }
0x14: {  	[tilespmem:$0x770] =	vst v0  }
0x15: {  	[tilespmem:$0x780] =	vst v0  }
0x16: {  	[tilespmem:$0x790] =	vst v0  }
0x17: {  	[tilespmem:$0x7A0] =	vst v0  }
0x18: {  	[tilespmem:$0x7B0] =	vst v0  }
0x19: {  	[tilespmem:$0x7C0] =	vst v0  }
0x1a: {  	[tilespmem:$0x7D0] =	vst v0  }
0x1b: {  	[tilespmem:$0x7E0] =	vst v0  }
0x1c: {  	[tilespmem:$0x7F0] =	vst v0  }
0x1d: {  	[tilespmem:$0x800] =	vst v0  }
0x1e: {  	[tilespmem:$0x810] =	vst v0  }
0x1f: {  	[tilespmem:$0x820] =	vst v0  }
0x20: {  	[tilespmem:$0x830] =	vst v0  }
0x21: {  	[tilespmem:$0x840] =	vst v0  }
0x22: {  	[tilespmem:$0x850] =	vst v0  }
0x23: {  	[tilespmem:$0x860] =	vst v0  }
0x24: {  	v1 =	vld [tilespmem:$0x100];
	[tilespmem:$0x870] =	vst v0  }
0x25: {  	[tilespmem:$0x880] =	vst v0  }
0x26: {  	[tilespmem:$0x890] =	vst v0  }
0x27: {  	[tilespmem:$0x8A0] =	vst v0  }
0x28: {  	[tilespmem:$0x8B0] =	vst v0  }
0x29: {  	v1 =	vadd.f32 $0.0e+00, v1;
	[tilespmem:$0x8C0] =	vst v0  }
0x2a: {  	[tilespmem:$0x8D0] =	vst v0  }
0x2b: {  	v1 =	vbroadcast v1, $0x0;
	[tilespmem:$0x8E0] =	vst v0  }
0x2c: {  	s19 =	simm.s32 $0x10;
	s20 =	sand.u32 $0x1F0, s3;
	[tilespmem:$0x8F0] =	vst v0  }
.LBB2_2:
0x2d: {  	p0 =	sne.s32 s19, $0x170;
	[tilespmem:s20+$0xA00] =	vst v1;
	s20 =	smov.u32 s19;
	s19 =	sadd.s32 $0x10, s19  }
.Ltmp0:
0x2e: {  	(pc) =	sbr.rel @p0 .LBB2_2-.Ltmp0, $2  }
0x2f: {  	_ =	sdelay $0x2  }
0x30: {  	s20 =	sand.u32 $0x1F0, s20  }
0x31: {  	[tilespmem:s20+$0xA00] =	vst v1  }
0x32: {  	[tilespmem:$0x1770] =	vst v0  }
0x33: {  	[tilespmem:$0x1780] =	vst v0  }
0x34: {  	[tilespmem:$0x1790] =	vst v0  }
0x35: {  	[tilespmem:$0x17A0] =	vst v0  }
0x36: {  	[tilespmem:$0x17B0] =	vst v0  }
0x37: {  	[tilespmem:$0x17C0] =	vst v0  }
0x38: {  	[tilespmem:$0x17D0] =	vst v0  }
0x39: {  	[tilespmem:$0x17E0] =	vst v0  }
0x3a: {  	[tilespmem:$0x17F0] =	vst v0  }
0x3b: {  	[tilespmem:$0x1800] =	vst v0  }
0x3c: {  	[tilespmem:$0x1810] =	vst v0  }
0x3d: {  	[tilespmem:$0x1820] =	vst v0  }
0x3e: {  	[tilespmem:$0x1830] =	vst v0  }
0x3f: {  	[tilespmem:$0x1840] =	vst v0  }
0x40: {  	[tilespmem:$0x1850] =	vst v0  }
0x41: {  	[tilespmem:$0x1860] =	vst v0  }
0x42: {  	[tilespmem:$0x1870] =	vst v0  }
0x43: {  	[tilespmem:$0x1880] =	vst v0  }
0x44: {  	[tilespmem:$0x1890] =	vst v0  }
0x45: {  	[tilespmem:$0x18A0] =	vst v0  }
0x46: {  	v2 =	vld [tilespmem:$0x0];
	[tilespmem:$0x18B0] =	vst v0  }
0x47: {  	v3 =	vld [tilespmem:$0x10];
	[tilespmem:$0x18C0] =	vst v0  }
0x48: {  	v4 =	vld [tilespmem:$0x20];
	[tilespmem:$0x18D0] =	vst v0  }
0x49: {  	v5 =	vld [tilespmem:$0x30];
	[tilespmem:$0x18E0] =	vst v0  }
0x4a: {  	v6 =	vld [tilespmem:$0x40];
	[tilespmem:$0x18F0] =	vst v0  }
0x4b: {  	[tilespmem:$0x8FF] =	vst v2;
	v2 =	vld [tilespmem:$0x50]  }
0x4c: {  	[tilespmem:$0x90F] =	vst v3;
	v3 =	vld [tilespmem:$0x60]  }
0x4d: {  	v58 =	vld [tilespmem:$0x70];
	[tilespmem:$0x91F] =	vst v4  }
0x4e: {  	v59 =	vld [tilespmem:$0x80];
	[tilespmem:$0x92F] =	vst v5  }
0x4f: {  	v60 =	vld [tilespmem:$0x90];
	[tilespmem:$0x93F] =	vst v6  }
0x50: {  	[tilespmem:$0x94F] =	vst v2;
	v2 =	vld [tilespmem:$0xA0]  }
0x51: {  	[tilespmem:$0x95F] =	vst v3;
	v3 =	vld [tilespmem:$0xB0]  }
0x52: {  	v61 =	vld [tilespmem:$0xC0];
	[tilespmem:$0x96F] =	vst v58  }
0x53: {  	v62 =	vld [tilespmem:$0xD0];
	[tilespmem:$0x97F] =	vst v59  }
0x54: {  	v63 =	vld [tilespmem:$0xE0];
	[tilespmem:$0x98F] =	vst v60  }
0x55: {  	[tilespmem:$0x99F] =	vst v2;
	v2 =	vld [tilespmem:$0xF0]  }
0x56: {  	[tilespmem:$0x9AF] =	vst v3;
	v3 =	vld [tilespmem:$0x100]  }
0x57: {  	[tilespmem:$0x9BF] =	vst v61  }
0x58: {  	[tilespmem:$0x9CF] =	vst v62  }
0x59: {  	[tilespmem:$0x9DF] =	vst v63  }
0x5a: {  	s31 =	simm.s32 $0x0;
	[tilespmem:$0x9EF] =	vst v2  }
0x5b: {  	s19 =	simm.s32 $0x10;
	s20 =	sand.u32 $0x1F0, s31;
	[tilespmem:$0x9FF] =	vst v3  }
.LBB2_4:
0x5c: {  	p0 =	sne.s32 s19, $0x170;
	[tilespmem:s20+$0x1A00] =	vst v1;
	s20 =	smov.u32 s19;
	s19 =	sadd.s32 $0x10, s19  }
.Ltmp1:
0x5d: {  	(pc) =	sbr.rel @p0 .LBB2_4-.Ltmp1, $2  }
0x5e: {  	_ =	sdelay $0x2  }
0x5f: {  	s20 =	sand.u32 $0x1F0, s20  }
0x60: {  	[tilespmem:s20+$0x1A00] =	vst v1  }
0x61: {  	[tilespmem:$0x2770] =	vst v0  }
0x62: {  	[tilespmem:$0x2780] =	vst v0  }
0x63: {  	[tilespmem:$0x2790] =	vst v0  }
0x64: {  	[tilespmem:$0x27A0] =	vst v0  }
0x65: {  	[tilespmem:$0x27B0] =	vst v0  }
0x66: {  	[tilespmem:$0x27C0] =	vst v0  }
0x67: {  	[tilespmem:$0x27D0] =	vst v0  }
0x68: {  	[tilespmem:$0x27E0] =	vst v0  }
0x69: {  	[tilespmem:$0x27F0] =	vst v0  }
0x6a: {  	[tilespmem:$0x2800] =	vst v0  }
0x6b: {  	[tilespmem:$0x2810] =	vst v0  }
0x6c: {  	[tilespmem:$0x2820] =	vst v0  }
0x6d: {  	[tilespmem:$0x2830] =	vst v0  }
0x6e: {  	[tilespmem:$0x2840] =	vst v0  }
0x6f: {  	[tilespmem:$0x2850] =	vst v0  }
0x70: {  	[tilespmem:$0x2860] =	vst v0  }
0x71: {  	[tilespmem:$0x2870] =	vst v0  }
0x72: {  	[tilespmem:$0x2880] =	vst v0  }
0x73: {  	[tilespmem:$0x2890] =	vst v0  }
0x74: {  	[tilespmem:$0x28A0] =	vst v0  }
0x75: {  	v2 =	vld [tilespmem:$0x0];
	[tilespmem:$0x28B0] =	vst v0  }
0x76: {  	v3 =	vld [tilespmem:$0x10];
	[tilespmem:$0x28C0] =	vst v0  }
0x77: {  	v4 =	vld [tilespmem:$0x20];
	[tilespmem:$0x28D0] =	vst v0  }
0x78: {  	v5 =	vld [tilespmem:$0x30];
	[tilespmem:$0x28E0] =	vst v0  }
0x79: {  	v6 =	vld [tilespmem:$0x40];
	[tilespmem:$0x28F0] =	vst v0  }
0x7a: {  	[tilespmem:$0x18FE] =	vst v2;
	v2 =	vld [tilespmem:$0x50]  }
0x7b: {  	[tilespmem:$0x190E] =	vst v3;
	v3 =	vld [tilespmem:$0x60]  }
0x7c: {  	v58 =	vld [tilespmem:$0x70];
	[tilespmem:$0x191E] =	vst v4  }
0x7d: {  	v59 =	vld [tilespmem:$0x80];
	[tilespmem:$0x192E] =	vst v5  }
0x7e: {  	v60 =	vld [tilespmem:$0x90];
	[tilespmem:$0x193E] =	vst v6  }
0x7f: {  	[tilespmem:$0x194E] =	vst v2;
	v2 =	vld [tilespmem:$0xA0]  }
0x80: {  	[tilespmem:$0x195E] =	vst v3;
	v3 =	vld [tilespmem:$0xB0]  }
0x81: {  	v61 =	vld [tilespmem:$0xC0];
	[tilespmem:$0x196E] =	vst v58  }
0x82: {  	v62 =	vld [tilespmem:$0xD0];
	[tilespmem:$0x197E] =	vst v59  }
0x83: {  	v63 =	vld [tilespmem:$0xE0];
	[tilespmem:$0x198E] =	vst v60  }
0x84: {  	[tilespmem:$0x199E] =	vst v2;
	v2 =	vld [tilespmem:$0xF0]  }
0x85: {  	[tilespmem:$0x19AE] =	vst v3;
	v3 =	vld [tilespmem:$0x100]  }
0x86: {  	[tilespmem:$0x19BE] =	vst v61  }
0x87: {  	[tilespmem:$0x19CE] =	vst v62  }
0x88: {  	[tilespmem:$0x19DE] =	vst v63  }
0x89: {  	s31 =	simm.s32 $0x0;
	[tilespmem:$0x19EE] =	vst v2  }
0x8a: {  	s19 =	simm.s32 $0x10;
	s20 =	sand.u32 $0x1F0, s31;
	[tilespmem:$0x19FE] =	vst v3  }
.LBB2_6:
0x8b: {  	p0 =	sne.s32 s19, $0x170;
	[tilespmem:s20+$0x2A00] =	vst v1;
	s20 =	smov.u32 s19;
	s19 =	sadd.s32 $0x10, s19  }
.Ltmp2:
0x8c: {  	(pc) =	sbr.rel @p0 .LBB2_6-.Ltmp2, $2  }
0x8d: {  	_ =	sdelay $0x2  }
0x8e: {  	s20 =	sand.u32 $0x1F0, s20  }
0x8f: {  	[tilespmem:s20+$0x2A00] =	vst v1  }
0x90: {  	[tilespmem:$0x3770] =	vst v0  }
0x91: {  	[tilespmem:$0x3780] =	vst v0  }
0x92: {  	[tilespmem:$0x3790] =	vst v0  }
0x93: {  	[tilespmem:$0x37A0] =	vst v0  }
0x94: {  	[tilespmem:$0x37B0] =	vst v0  }
0x95: {  	[tilespmem:$0x37C0] =	vst v0  }
0x96: {  	[tilespmem:$0x37D0] =	vst v0  }
0x97: {  	[tilespmem:$0x37E0] =	vst v0  }
0x98: {  	[tilespmem:$0x37F0] =	vst v0  }
0x99: {  	[tilespmem:$0x3800] =	vst v0  }
0x9a: {  	[tilespmem:$0x3810] =	vst v0  }
0x9b: {  	[tilespmem:$0x3820] =	vst v0  }
0x9c: {  	[tilespmem:$0x3830] =	vst v0  }
0x9d: {  	[tilespmem:$0x3840] =	vst v0  }
0x9e: {  	[tilespmem:$0x3850] =	vst v0  }
0x9f: {  	[tilespmem:$0x3860] =	vst v0  }
0xa0: {  	[tilespmem:$0x3870] =	vst v0  }
0xa1: {  	[tilespmem:$0x3880] =	vst v0  }
0xa2: {  	[tilespmem:$0x3890] =	vst v0  }
0xa3: {  	[tilespmem:$0x38A0] =	vst v0  }
0xa4: {  	v2 =	vld [tilespmem:$0x0];
	[tilespmem:$0x38B0] =	vst v0  }
0xa5: {  	v3 =	vld [tilespmem:$0x10];
	[tilespmem:$0x38C0] =	vst v0  }
0xa6: {  	v4 =	vld [tilespmem:$0x20];
	[tilespmem:$0x38D0] =	vst v0  }
0xa7: {  	v5 =	vld [tilespmem:$0x30];
	[tilespmem:$0x38E0] =	vst v0  }
0xa8: {  	v6 =	vld [tilespmem:$0x40];
	[tilespmem:$0x38F0] =	vst v0  }
0xa9: {  	[tilespmem:$0x28FD] =	vst v2;
	v2 =	vld [tilespmem:$0x50]  }
0xaa: {  	[tilespmem:$0x290D] =	vst v3;
	v3 =	vld [tilespmem:$0x60]  }
0xab: {  	v58 =	vld [tilespmem:$0x70];
	[tilespmem:$0x291D] =	vst v4  }
0xac: {  	v59 =	vld [tilespmem:$0x80];
	[tilespmem:$0x292D] =	vst v5  }
0xad: {  	v60 =	vld [tilespmem:$0x90];
	[tilespmem:$0x293D] =	vst v6  }
0xae: {  	[tilespmem:$0x294D] =	vst v2;
	v2 =	vld [tilespmem:$0xA0]  }
0xaf: {  	[tilespmem:$0x295D] =	vst v3;
	v3 =	vld [tilespmem:$0xB0]  }
0xb0: {  	v61 =	vld [tilespmem:$0xC0];
	[tilespmem:$0x296D] =	vst v58  }
0xb1: {  	v62 =	vld [tilespmem:$0xD0];
	[tilespmem:$0x297D] =	vst v59  }
0xb2: {  	v63 =	vld [tilespmem:$0xE0];
	[tilespmem:$0x298D] =	vst v60  }
0xb3: {  	[tilespmem:$0x299D] =	vst v2;
	v2 =	vld [tilespmem:$0xF0]  }
0xb4: {  	[tilespmem:$0x29AD] =	vst v3;
	v3 =	vld [tilespmem:$0x100]  }
0xb5: {  	[tilespmem:$0x29BD] =	vst v61  }
0xb6: {  	[tilespmem:$0x29CD] =	vst v62  }
0xb7: {  	[tilespmem:$0x29DD] =	vst v63  }
0xb8: {  	s31 =	simm.s32 $0x0;
	[tilespmem:$0x29ED] =	vst v2  }
0xb9: {  	s19 =	simm.s32 $0x10;
	s20 =	sand.u32 $0x1F0, s31;
	[tilespmem:$0x29FD] =	vst v3  }
.LBB2_8:
0xba: {  	p0 =	sne.s32 s19, $0x170;
	[tilespmem:s20+$0x3A00] =	vst v1;
	s20 =	smov.u32 s19;
	s19 =	sadd.s32 $0x10, s19  }
.Ltmp3:
0xbb: {  	(pc) =	sbr.rel @p0 .LBB2_8-.Ltmp3, $2  }
0xbc: {  	_ =	sdelay $0x2  }
0xbd: {  	s20 =	sand.u32 $0x1F0, s20  }
0xbe: {  	[tilespmem:s20+$0x3A00] =	vst v1  }
0xbf: {  	[tilespmem:$0x4770] =	vst v0  }
0xc0: {  	[tilespmem:$0x4780] =	vst v0  }
0xc1: {  	[tilespmem:$0x4790] =	vst v0  }
0xc2: {  	[tilespmem:$0x47A0] =	vst v0  }
0xc3: {  	[tilespmem:$0x47B0] =	vst v0  }
0xc4: {  	[tilespmem:$0x47C0] =	vst v0  }
0xc5: {  	[tilespmem:$0x47D0] =	vst v0  }
0xc6: {  	[tilespmem:$0x47E0] =	vst v0  }
0xc7: {  	[tilespmem:$0x47F0] =	vst v0  }
0xc8: {  	[tilespmem:$0x4800] =	vst v0  }
0xc9: {  	[tilespmem:$0x4810] =	vst v0  }
0xca: {  	[tilespmem:$0x4820] =	vst v0  }
0xcb: {  	[tilespmem:$0x4830] =	vst v0  }
0xcc: {  	[tilespmem:$0x4840] =	vst v0  }
0xcd: {  	[tilespmem:$0x4850] =	vst v0  }
0xce: {  	[tilespmem:$0x4860] =	vst v0  }
0xcf: {  	[tilespmem:$0x4870] =	vst v0  }
0xd0: {  	[tilespmem:$0x4880] =	vst v0  }
0xd1: {  	[tilespmem:$0x4890] =	vst v0  }
0xd2: {  	[tilespmem:$0x48A0] =	vst v0  }
0xd3: {  	v2 =	vld [tilespmem:$0x0];
	[tilespmem:$0x48B0] =	vst v0  }
0xd4: {  	v3 =	vld [tilespmem:$0x10];
	[tilespmem:$0x48C0] =	vst v0  }
0xd5: {  	v4 =	vld [tilespmem:$0x20];
	[tilespmem:$0x48D0] =	vst v0  }
0xd6: {  	v5 =	vld [tilespmem:$0x30];
	[tilespmem:$0x48E0] =	vst v0  }
0xd7: {  	v6 =	vld [tilespmem:$0x40];
	[tilespmem:$0x48F0] =	vst v0  }
0xd8: {  	[tilespmem:$0x38FC] =	vst v2;
	v2 =	vld [tilespmem:$0x50]  }
0xd9: {  	[tilespmem:$0x390C] =	vst v3;
	v3 =	vld [tilespmem:$0x60]  }
0xda: {  	v58 =	vld [tilespmem:$0x70];
	[tilespmem:$0x391C] =	vst v4  }
0xdb: {  	v59 =	vld [tilespmem:$0x80];
	[tilespmem:$0x392C] =	vst v5  }
0xdc: {  	v60 =	vld [tilespmem:$0x90];
	[tilespmem:$0x393C] =	vst v6  }
0xdd: {  	[tilespmem:$0x394C] =	vst v2;
	v2 =	vld [tilespmem:$0xA0]  }
0xde: {  	[tilespmem:$0x395C] =	vst v3;
	v3 =	vld [tilespmem:$0xB0]  }
0xdf: {  	v61 =	vld [tilespmem:$0xC0];
	[tilespmem:$0x396C] =	vst v58  }
0xe0: {  	v62 =	vld [tilespmem:$0xD0];
	[tilespmem:$0x397C] =	vst v59  }
0xe1: {  	v63 =	vld [tilespmem:$0xE0];
	[tilespmem:$0x398C] =	vst v60  }
0xe2: {  	[tilespmem:$0x399C] =	vst v2;
	v2 =	vld [tilespmem:$0xF0]  }
0xe3: {  	[tilespmem:$0x39AC] =	vst v3;
	v3 =	vld [tilespmem:$0x100]  }
0xe4: {  	[tilespmem:$0x39BC] =	vst v61  }
0xe5: {  	[tilespmem:$0x39CC] =	vst v62  }
0xe6: {  	[tilespmem:$0x39DC] =	vst v63  }
0xe7: {  	s31 =	simm.s32 $0x0;
	[tilespmem:$0x39EC] =	vst v2  }
0xe8: {  	s19 =	simm.s32 $0x10;
	s20 =	sand.u32 $0x1F0, s31;
	[tilespmem:$0x39FC] =	vst v3  }
.LBB2_10:
0xe9: {  	p0 =	sne.s32 s19, $0x170;
	[tilespmem:s20+$0x4A00] =	vst v1;
	s20 =	smov.u32 s19;
	s19 =	sadd.s32 $0x10, s19  }
.Ltmp4:
0xea: {  	(pc) =	sbr.rel @p0 .LBB2_10-.Ltmp4, $2  }
0xeb: {  	_ =	sdelay $0x2  }
0xec: {  	s20 =	sand.u32 $0x1F0, s20  }
0xed: {  	[tilespmem:s20+$0x4A00] =	vst v1  }
0xee: {  	[tilespmem:$0x5770] =	vst v0  }
0xef: {  	[tilespmem:$0x5780] =	vst v0  }
0xf0: {  	[tilespmem:$0x5790] =	vst v0  }
0xf1: {  	[tilespmem:$0x57A0] =	vst v0  }
0xf2: {  	[tilespmem:$0x57B0] =	vst v0  }
0xf3: {  	[tilespmem:$0x57C0] =	vst v0  }
0xf4: {  	[tilespmem:$0x57D0] =	vst v0  }
0xf5: {  	[tilespmem:$0x57E0] =	vst v0  }
0xf6: {  	[tilespmem:$0x57F0] =	vst v0  }
0xf7: {  	[tilespmem:$0x5800] =	vst v0  }
0xf8: {  	[tilespmem:$0x5810] =	vst v0  }
0xf9: {  	[tilespmem:$0x5820] =	vst v0  }
0xfa: {  	[tilespmem:$0x5830] =	vst v0  }
0xfb: {  	[tilespmem:$0x5840] =	vst v0  }
0xfc: {  	[tilespmem:$0x5850] =	vst v0  }
0xfd: {  	[tilespmem:$0x5860] =	vst v0  }
0xfe: {  	[tilespmem:$0x5870] =	vst v0  }
0xff: {  	[tilespmem:$0x5880] =	vst v0  }
0x100: {  	[tilespmem:$0x5890] =	vst v0  }
0x101: {  	[tilespmem:$0x58A0] =	vst v0  }
0x102: {  	v2 =	vld [tilespmem:$0x0];
	[tilespmem:$0x58B0] =	vst v0  }
0x103: {  	v3 =	vld [tilespmem:$0x10];
	[tilespmem:$0x58C0] =	vst v0  }
0x104: {  	v4 =	vld [tilespmem:$0x20];
	[tilespmem:$0x58D0] =	vst v0  }
0x105: {  	v5 =	vld [tilespmem:$0x30];
	[tilespmem:$0x58E0] =	vst v0  }
0x106: {  	v6 =	vld [tilespmem:$0x40];
	[tilespmem:$0x58F0] =	vst v0  }
0x107: {  	[tilespmem:$0x48FB] =	vst v2;
	v2 =	vld [tilespmem:$0x50]  }
0x108: {  	[tilespmem:$0x490B] =	vst v3;
	v3 =	vld [tilespmem:$0x60]  }
0x109: {  	v58 =	vld [tilespmem:$0x70];
	[tilespmem:$0x491B] =	vst v4  }
0x10a: {  	v59 =	vld [tilespmem:$0x80];
	[tilespmem:$0x492B] =	vst v5  }
0x10b: {  	v60 =	vld [tilespmem:$0x90];
	[tilespmem:$0x493B] =	vst v6  }
0x10c: {  	[tilespmem:$0x494B] =	vst v2;
	v2 =	vld [tilespmem:$0xA0]  }
0x10d: {  	[tilespmem:$0x495B] =	vst v3;
	v3 =	vld [tilespmem:$0xB0]  }
0x10e: {  	v61 =	vld [tilespmem:$0xC0];
	[tilespmem:$0x496B] =	vst v58  }
0x10f: {  	v62 =	vld [tilespmem:$0xD0];
	[tilespmem:$0x497B] =	vst v59  }
0x110: {  	v63 =	vld [tilespmem:$0xE0];
	[tilespmem:$0x498B] =	vst v60  }
0x111: {  	[tilespmem:$0x499B] =	vst v2;
	v2 =	vld [tilespmem:$0xF0]  }
0x112: {  	[tilespmem:$0x49AB] =	vst v3;
	v3 =	vld [tilespmem:$0x100]  }
0x113: {  	[tilespmem:$0x49BB] =	vst v61  }
0x114: {  	[tilespmem:$0x49CB] =	vst v62  }
0x115: {  	[tilespmem:$0x49DB] =	vst v63  }
0x116: {  	s31 =	simm.s32 $0x0;
	[tilespmem:$0x49EB] =	vst v2  }
0x117: {  	s19 =	simm.s32 $0x10;
	s20 =	sand.u32 $0x1F0, s31;
	[tilespmem:$0x49FB] =	vst v3  }
.LBB2_12:
0x118: {  	p0 =	sne.s32 s19, $0x170;
	[tilespmem:s20+$0x5A00] =	vst v1;
	s20 =	smov.u32 s19;
	s19 =	sadd.s32 $0x10, s19  }
.Ltmp5:
0x119: {  	(pc) =	sbr.rel @p0 .LBB2_12-.Ltmp5, $2  }
0x11a: {  	_ =	sdelay $0x2  }
0x11b: {  	s20 =	sand.u32 $0x1F0, s20  }
0x11c: {  	[tilespmem:s20+$0x5A00] =	vst v1  }
0x11d: {  	[tilespmem:$0x6770] =	vst v0  }
0x11e: {  	[tilespmem:$0x6780] =	vst v0  }
0x11f: {  	[tilespmem:$0x6790] =	vst v0  }
0x120: {  	[tilespmem:$0x67A0] =	vst v0  }
0x121: {  	[tilespmem:$0x67B0] =	vst v0  }
0x122: {  	[tilespmem:$0x67C0] =	vst v0  }
0x123: {  	[tilespmem:$0x67D0] =	vst v0  }
0x124: {  	[tilespmem:$0x67E0] =	vst v0  }
0x125: {  	[tilespmem:$0x67F0] =	vst v0  }
0x126: {  	[tilespmem:$0x6800] =	vst v0  }
0x127: {  	[tilespmem:$0x6810] =	vst v0  }
0x128: {  	[tilespmem:$0x6820] =	vst v0  }
0x129: {  	[tilespmem:$0x6830] =	vst v0  }
0x12a: {  	[tilespmem:$0x6840] =	vst v0  }
0x12b: {  	[tilespmem:$0x6850] =	vst v0  }
0x12c: {  	[tilespmem:$0x6860] =	vst v0  }
0x12d: {  	[tilespmem:$0x6870] =	vst v0  }
0x12e: {  	[tilespmem:$0x6880] =	vst v0  }
0x12f: {  	[tilespmem:$0x6890] =	vst v0  }
0x130: {  	[tilespmem:$0x68A0] =	vst v0  }
0x131: {  	v2 =	vld [tilespmem:$0x0];
	[tilespmem:$0x68B0] =	vst v0  }
0x132: {  	v3 =	vld [tilespmem:$0x10];
	[tilespmem:$0x68C0] =	vst v0  }
0x133: {  	v4 =	vld [tilespmem:$0x20];
	[tilespmem:$0x68D0] =	vst v0  }
0x134: {  	v5 =	vld [tilespmem:$0x30];
	[tilespmem:$0x68E0] =	vst v0  }
0x135: {  	v6 =	vld [tilespmem:$0x40];
	[tilespmem:$0x68F0] =	vst v0  }
0x136: {  	[tilespmem:$0x58FA] =	vst v2;
	v2 =	vld [tilespmem:$0x50]  }
0x137: {  	[tilespmem:$0x590A] =	vst v3;
	v3 =	vld [tilespmem:$0x60]  }
0x138: {  	v58 =	vld [tilespmem:$0x70];
	[tilespmem:$0x591A] =	vst v4  }
0x139: {  	v59 =	vld [tilespmem:$0x80];
	[tilespmem:$0x592A] =	vst v5  }
0x13a: {  	v60 =	vld [tilespmem:$0x90];
	[tilespmem:$0x593A] =	vst v6  }
0x13b: {  	[tilespmem:$0x594A] =	vst v2;
	v2 =	vld [tilespmem:$0xA0]  }
0x13c: {  	[tilespmem:$0x595A] =	vst v3;
	v3 =	vld [tilespmem:$0xB0]  }
0x13d: {  	v61 =	vld [tilespmem:$0xC0];
	[tilespmem:$0x596A] =	vst v58  }
0x13e: {  	v62 =	vld [tilespmem:$0xD0];
	[tilespmem:$0x597A] =	vst v59  }
0x13f: {  	v63 =	vld [tilespmem:$0xE0];
	[tilespmem:$0x598A] =	vst v60  }
0x140: {  	[tilespmem:$0x599A] =	vst v2;
	v2 =	vld [tilespmem:$0xF0]  }
0x141: {  	[tilespmem:$0x59AA] =	vst v3;
	v3 =	vld [tilespmem:$0x100]  }
0x142: {  	[tilespmem:$0x59BA] =	vst v61  }
0x143: {  	[tilespmem:$0x59CA] =	vst v62  }
0x144: {  	[tilespmem:$0x59DA] =	vst v63  }
0x145: {  	s31 =	simm.s32 $0x0;
	[tilespmem:$0x59EA] =	vst v2  }
0x146: {  	s19 =	simm.s32 $0x10;
	s20 =	sand.u32 $0x1F0, s31;
	[tilespmem:$0x59FA] =	vst v3  }
.LBB2_14:
0x147: {  	p0 =	sne.s32 s19, $0x170;
	[tilespmem:s20+$0x6A00] =	vst v1;
	s20 =	smov.u32 s19;
	s19 =	sadd.s32 $0x10, s19  }
.Ltmp6:
0x148: {  	(pc) =	sbr.rel @p0 .LBB2_14-.Ltmp6, $2  }
0x149: {  	_ =	sdelay $0x2  }
0x14a: {  	s20 =	sand.u32 $0x1F0, s20  }
0x14b: {  	[tilespmem:s20+$0x6A00] =	vst v1  }
0x14c: {  	[tilespmem:$0x7770] =	vst v0  }
0x14d: {  	[tilespmem:$0x7780] =	vst v0  }
0x14e: {  	[tilespmem:$0x7790] =	vst v0  }
0x14f: {  	[tilespmem:$0x77A0] =	vst v0  }
0x150: {  	[tilespmem:$0x77B0] =	vst v0  }
0x151: {  	[tilespmem:$0x77C0] =	vst v0  }
0x152: {  	[tilespmem:$0x77D0] =	vst v0  }
0x153: {  	[tilespmem:$0x77E0] =	vst v0  }
0x154: {  	[tilespmem:$0x77F0] =	vst v0  }
0x155: {  	[tilespmem:$0x7800] =	vst v0  }
0x156: {  	[tilespmem:$0x7810] =	vst v0  }
0x157: {  	[tilespmem:$0x7820] =	vst v0  }
0x158: {  	[tilespmem:$0x7830] =	vst v0  }
0x159: {  	[tilespmem:$0x7840] =	vst v0  }
0x15a: {  	[tilespmem:$0x7850] =	vst v0  }
0x15b: {  	[tilespmem:$0x7860] =	vst v0  }
0x15c: {  	[tilespmem:$0x7870] =	vst v0  }
0x15d: {  	[tilespmem:$0x7880] =	vst v0  }
0x15e: {  	[tilespmem:$0x7890] =	vst v0  }
0x15f: {  	[tilespmem:$0x78A0] =	vst v0  }
0x160: {  	v2 =	vld [tilespmem:$0x0];
	[tilespmem:$0x78B0] =	vst v0  }
0x161: {  	v3 =	vld [tilespmem:$0x10];
	[tilespmem:$0x78C0] =	vst v0  }
0x162: {  	v4 =	vld [tilespmem:$0x20];
	[tilespmem:$0x78D0] =	vst v0  }
0x163: {  	v5 =	vld [tilespmem:$0x30];
	[tilespmem:$0x78E0] =	vst v0  }
0x164: {  	v6 =	vld [tilespmem:$0x40];
	[tilespmem:$0x78F0] =	vst v0  }
0x165: {  	[tilespmem:$0x68F9] =	vst v2;
	v2 =	vld [tilespmem:$0x50]  }
0x166: {  	[tilespmem:$0x6909] =	vst v3;
	v3 =	vld [tilespmem:$0x60]  }
0x167: {  	v58 =	vld [tilespmem:$0x70];
	[tilespmem:$0x6919] =	vst v4  }
0x168: {  	v59 =	vld [tilespmem:$0x80];
	[tilespmem:$0x6929] =	vst v5  }
0x169: {  	v60 =	vld [tilespmem:$0x90];
	[tilespmem:$0x6939] =	vst v6  }
0x16a: {  	[tilespmem:$0x6949] =	vst v2;
	v2 =	vld [tilespmem:$0xA0]  }
0x16b: {  	[tilespmem:$0x6959] =	vst v3;
	v3 =	vld [tilespmem:$0xB0]  }
0x16c: {  	v61 =	vld [tilespmem:$0xC0];
	[tilespmem:$0x6969] =	vst v58  }
0x16d: {  	v62 =	vld [tilespmem:$0xD0];
	[tilespmem:$0x6979] =	vst v59  }
0x16e: {  	v63 =	vld [tilespmem:$0xE0];
	[tilespmem:$0x6989] =	vst v60  }
0x16f: {  	[tilespmem:$0x6999] =	vst v2;
	v2 =	vld [tilespmem:$0xF0]  }
0x170: {  	[tilespmem:$0x69A9] =	vst v3;
	v3 =	vld [tilespmem:$0x100]  }
0x171: {  	[tilespmem:$0x69B9] =	vst v61  }
0x172: {  	[tilespmem:$0x69C9] =	vst v62  }
0x173: {  	[tilespmem:$0x69D9] =	vst v63  }
0x174: {  	s31 =	simm.s32 $0x0;
	[tilespmem:$0x69E9] =	vst v2  }
0x175: {  	s19 =	simm.s32 $0x10;
	s20 =	sand.u32 $0x1F0, s31;
	[tilespmem:$0x69F9] =	vst v3  }
.LBB2_16:
0x176: {  	p0 =	sne.s32 s19, $0x170;
	[tilespmem:s20+$0x7A00] =	vst v1;
	s20 =	smov.u32 s19;
	s19 =	sadd.s32 $0x10, s19  }
.Ltmp7:
0x177: {  	(pc) =	sbr.rel @p0 .LBB2_16-.Ltmp7, $2  }
0x178: {  	_ =	sdelay $0x2  }
0x179: {  	s20 =	sand.u32 $0x1F0, s20  }
0x17a: {  	[tilespmem:s20+$0x7A00] =	vst v1  }
0x17b: {  	v0 =	vld [tilespmem:$0x0]  }
0x17c: {  	v1 =	vld [tilespmem:$0x10]  }
0x17d: {  	v2 =	vld [tilespmem:$0x20]  }
0x17e: {  	v3 =	vld [tilespmem:$0x30]  }
0x17f: {  	v4 =	vld [tilespmem:$0x40]  }
0x180: {  	v52 =	vld [tilespmem:$0x50];
	[tilespmem:$0x78F8] =	vst v0  }
0x181: {  	v53 =	vld [tilespmem:$0x60];
	[tilespmem:$0x7908] =	vst v1  }
0x182: {  	v54 =	vld [tilespmem:$0x70];
	[tilespmem:$0x7918] =	vst v2  }
0x183: {  	v55 =	vld [tilespmem:$0x80];
	[tilespmem:$0x7928] =	vst v3  }
0x184: {  	v56 =	vld [tilespmem:$0x90];
	[tilespmem:$0x7938] =	vst v4  }
0x185: {  	v57 =	vld [tilespmem:$0xA0];
	[tilespmem:$0x7948] =	vst v52  }
0x186: {  	v58 =	vld [tilespmem:$0xB0];
	[tilespmem:$0x7958] =	vst v53  }
0x187: {  	v59 =	vld [tilespmem:$0xC0];
	[tilespmem:$0x7968] =	vst v54  }
0x188: {  	v60 =	vld [tilespmem:$0xD0];
	[tilespmem:$0x7978] =	vst v55  }
0x189: {  	v61 =	vld [tilespmem:$0xE0];
	[tilespmem:$0x7988] =	vst v56  }
0x18a: {  	v62 =	vld [tilespmem:$0xF0];
	[tilespmem:$0x7998] =	vst v57  }
0x18b: {  	s19 =	simm.s32 $0x1;
	v63 =	vld [tilespmem:$0x100];
	[tilespmem:$0x79A8] =	vst v58  }
0x18c: {  	s19 =	sand.u32 $0xE, s19;
	[tilespmem:$0x79B8] =	vst v59  }
0x18d: {  	s31 =	simm.s32 $0x4;
	s19 =	sor.u32 s4, s19;
	[tilespmem:$0x79C8] =	vst v60  }
0x18e: {  	s20 =	sand.u32 $0x7, s31;
	s19 =	sshll.u32 s19, $0x3;
	[tilespmem:$0x79D8] =	vst v61  }
0x18f: {  	s22 =	simm.s32 $0x1;
	s19 =	sor.u32 s20, s19;
	[tilespmem:$0x79E8] =	vst v62  }
0x190: {  	s23 =	simm.s32 $0x5;
	s22 =	sand.u32 $0xE, s22;
	s20 =	sxor.u32 $0x67F, s19;
	[tilespmem:$0x79F8] =	vst v63  }
0x191: {  	[hbm4b:s8+s3] =	stream.linear.scatter [tilespmem:s9], [sflag:$0x1], $0x380, $0x38;
	[tilespmem:$0x8180] =	vst v63  }
0x192: {  	s23 =	sand.u32 $0x7, s23;
	s22 =	sor.u32 s4, s22;
	s21 =	sshll.u32 s20, $0xC  }
0x193: {  	[hbm4b:s10+s3] =	stream.linear.scatter [tilespmem:s11], [sflag:$0x1], $0x380, $0x38;
	[tilespmem:$0x8180] =	vst v63  }
0x194: {  	s22 =	sshll.u32 s22, $0x3;
	s19 =	sor.u32 s5, s19;
	s24 =	sor.u32 s20, s21  }
0x195: {  	[hbm4b:s12+s3] =	stream.linear.scatter [tilespmem:s13], [sflag:$0x1], $0x380, $0x38;
	[tilespmem:$0x8180] =	vst v63  }
0x196: {  	s20 =	simm.s32 $0x6;
	s21 =	smul.u32 $0x70, s19;
	s19 =	sand.u32 $0x7678, s24  }
0x197: {  	[hbm4b:s14+s3] =	stream.linear.scatter [tilespmem:s15], [sflag:$0x1], $0x380, $0x38;
	[tilespmem:$0x8180] =	vst v63  }
.LBB2_18:
0x198: {  	p0 =	sne.s32 s20, $0x3F  }
0x199: {  	s22 =	sor.u32 s23, s22;
	s23 =	smov.u32 s20;
	s20 =	sadd.s32 $0x1, s20  }
0x19a: {  	s24 =	sor.u32 s5, s22;
	s22 =	sxor.u32 $0x67F, s22  }
0x19b: {  	s25 =	sshll.u32 s22, $0xC;
	s24 =	smul.u32 $0x70, s24  }
0x19c: {  	s21 =	sadd.s32 s2, s21;
	s22 =	sor.u32 s22, s25;
	s25 =	sor.u32 $0x180, s19  }
.Ltmp8:
0x19d: {  	s26 =	sshrl.u32 s23, $0x2;
	s19 =	sand.u32 $0x7678, s22;
	(pc) =	sbr.rel @p0 .LBB2_18-.Ltmp8, $4  }
0x19e: {  	[hbm4b:s21+s3] =	stream.linear.scatter [tilespmem:s25], [sflag:$0x1], $0x380, $0x38;
	[tilespmem:$0x8180] =	vst v63  }
0x19f: {  	s22 =	sand.u32 $0xE, s26;
	s21 =	smov.u32 s24;
	_ =	swait.ge [sflag:s17], $0x380  }
0x1a0: {  	s22 =	sor.u32 s4, s22;
	[sflag:s17] =	ssyncset.done $0x0  }
0x1a1: {  	s23 =	sand.u32 $0x7, s23;
	s22 =	sshll.u32 s22, $0x3;
	[sflag:s17] =	ssyncadd.s32 $0xFFFFFC80  }
0x1a2: {  	s20 =	sor.u32 s23, s22;
	s21 =	sadd.s32 s2, s21  }
0x1a3: {  	s19 =	sor.u32 $0x180, s19;
	s22 =	sor.u32 s5, s20;
	s20 =	sxor.u32 $0x67F, s20  }
0x1a4: {  	[hbm4b:s21+s3] =	stream.linear.scatter [tilespmem:s19], [sflag:$0x1], $0x380, $0x38;
	[tilespmem:$0x8180] =	vst v63  }
0x1a5: {  	s30 =	sshll.u32 s20, $0xC  }
0x1a6: {  	s31 =	smul.u32 $0x70, s22;
	_ =	swait.ge [sflag:s17], $0x380;
	s20 =	sor.u32 s20, s30  }
0x1a7: {  	[sflag:s17] =	ssyncset.done $0x0;
	s20 =	sand.u32 $0x7678, s20  }
0x1a8: {  	[sflag:s17] =	ssyncadd.s32 $0xFFFFFC80;
	s19 =	sadd.s32 s2, s31;
	s20 =	sor.u32 $0x180, s20  }
0x1a9: {  	[hbm4b:s19+s3] =	stream.linear.scatter [tilespmem:s20], [sflag:$0x1], $0x380, $0x38;
	[tilespmem:$0x8180] =	vst v63  }
0x1aa: {  	_ =	swait.ge [sflag:s17], $0x380  }
0x1ab: {  	[sflag:s17] =	ssyncset.done $0x0  }
0x1ac: {  	[sflag:s17] =	ssyncadd.s32 $0xFFFFFC80  }
0x1ad: {  	_ =	swait.ge [sflag:s17], $0x380  }
0x1ae: {  	[sflag:s17] =	ssyncset.done $0x0  }
0x1af: {  	[sflag:s17] =	ssyncadd.s32 $0xFFFFFC80  }
0x1b0: {  	_ =	swait.ge [sflag:s17], $0x380  }
0x1b1: {  	[sflag:s17] =	ssyncset.done $0x0  }
0x1b2: {  	s18 =	sadd.s32 $0x1, s18;
	[sflag:s17] =	ssyncadd.s32 $0xFFFFFC80  }
0x1b3: {  	p0 =	sne.s32 s18, s7;
	_ =	swait.ge [sflag:s17], $0x380  }
.Ltmp9:
0x1b4: {  	[sflag:s17] =	ssyncset.done $0x0;
	(pc) =	sbr.rel @p0 .LBB2_1-.Ltmp9, $4  }
0x1b5: {  	[sflag:s17] =	ssyncadd.s32 $0xFFFFFC80  }
0x1b6: {  	_ =	swait.ge [sflag:s17], $0x380  }
0x1b7: {  	[sflag:s17] =	ssyncset.done $0x0  }
0x1b8: {  	[sflag:s17] =	ssyncadd.s32 $0xFFFFFC80  }
0x1b9: {  	_ =	sfence.sel $0x180000  }
0x1ba: {  	[bflag:$0x0] =	sbarrier.arrive $0xFFFF  }
0x1bb: {  	p0 =	sne.s32 s1, $0x0;
	_ =	strace $0x90000047  }
0x1bc: {  	s0 =	sadd.s32 @!p0 $0x100000, s0;
	[bflag:$0x2] =	sbarrier.arrive $0xFFFF  }
0x1bd: {  	[sflag:s0] =	ssyncadd.tile.s32 @!p0 $0x1;
	_ =	shalt  }
.Lfunc_end2:
_tile_overlayer_lowered:
.L_overlay_start_2:
0x1be: {  	(tag) =	ssettag $0x2  }
0x1bf: {  	s0 =	rddreg [dreg:$0x0];
	s2 =	stileid.u32  }
0x1c0: {  	s1 =	rddreg [dreg:$0x1];
	p0 =	sne.s32 s2, $0x0  }
0x1c1: {  	s3 =	rddreg [dreg:$0x2];
	[bflag:$0x3] =	sbarrier.arrive $0xFFFF;
	s2 =	simm.s32 @!p0 $0x1C02  }
0x1c2: {  	[timem:s3], [sflag:s2] =	dma.local @!p0 [hbm:s0], s1  }
0x1c3: {  	s0 =	simm.s32 @!p0 $0x2  }
0x1c4: {  	_ =	swait.ge @!p0 [sflag:s0], s1  }
0x1c5: {  	s1 =	ssub.s32 @!p0 $0x0, s1;
	[sflag:s0] =	ssyncset.done @!p0 $0x0  }
0x1c6: {  	[sflag:s0] =	ssyncadd.s32 @!p0 s1  }
0x1c7: {  	[bflag:$0x3] =	sbarrier.arrive $0xFFFF  }
0x1c8: {  	_ =	shalt  }

// kernel: kernel.7.cloned.1.call-start
scs
__scs_entry_jumppad:
0x0: {  	(pc) =	sbr.rel $0x88, $3  }
0x1: {  	(tag) =	ssettag $0x0;
	lr =	simm.s32 $0x1  }
0x2: {  	[smem:$0x3FA0] =	sst lr;
	_ =	strace $0xD0000000  }
0x3: {  	_ = 	snop  }
0x4: {  	_ = 	snop  }
0x5: {  	_ = 	snop  }
0x6: {  	_ = 	snop  }
0x7: {  	_ = 	snop  }
__scs_overlays_trampoline_lowered:
0x8: {  	[smem:$0x3FAF] =	sst s0  }
0x9: {  	[smem:$0x3FB0] =	sst s1  }
0xa: {  	[smem:$0x3FB1] =	sst s2  }
0xb: {  	[smem:$0x3FB2] =	sst s3  }
0xc: {  	[smem:$0x3FB3] =	sst s4  }
0xd: {  	[smem:$0x3FB4] =	sst s5  }
0xe: {  	[smem:$0x3FB5] =	sst s6  }
0xf: {  	[smem:$0x3FB6] =	sst s7  }
0x10: {  	[smem:$0x3FB7] =	sst s8  }
0x11: {  	[smem:$0x3FB8] =	sst s9;
	s0 =	simm.s32 @!p0 $0x0  }
0x12: {  	s1 =	sld [smem:$0x3F9E];
	s0 =	simm.s32 @p0 $0x1  }
0x13: {  	[smem:$0x3FB9] =	sst s0;
	s0 =	simm.s32 @!p1 $0x0  }
0x14: {  	s2 =	sld [smem:$0x3F9D];
	s0 =	simm.s32 @p1 $0x1  }
0x15: {  	[smem:$0x3FBA] =	sst s0;
	s0 =	simm.s32 @!p2 $0x0  }
0x16: {  	s3 =	sld [smem:$0x3FDB];
	s0 =	simm.s32 @p2 $0x1  }
0x17: {  	s4 =	simm.s32 $0x1BF5;
	[smem:$0x3FBC] =	sst s0  }
0x18: {  	s0 =	sld [smem:$0x3F9F];
	_ =	swait.ge [sflag:s4], $0x0  }
0x19: {  	s7 =	sld [smem:$0x3FA0]  }
0x1a: {  	s8 =	sadd.s32 $0xFFFFE003, lr  }
0x1b: {  	s9 =	sadd.s32 $0xFFFFFEF7, lr;
	s5 =	simm.s32 $0xFFFFFFFF;
	p2 =	slt.u32 s8, $0xFFFFF086  }
0x1c: {  	p1 =	slt.u32 s9, $0xF7A;
	s5 =	simm.s32 @!p2 $0x0  }
0x1d: {  	s5 =	simm.s32 @p1 $0x1;
	p0 =	seq.s32 s7, s2  }
0x1e: {  	s7 =	smul.u32 @!p0 $0xF7A, s2;
	p2 =	seq.s32 @!p0 s5, $0x0  }
0x1f: {  	s9 =	smul.u32 $0xF7A, s1;
	s8 =	simm.s32 @!p0 $0x1BF5;
	p2 =	por !p2, p0  }
0x20: {  	[sflag:s8] =	ssyncset.s32 @!p0 $0xFFFFF086;
	s6 =	sadd.s32 @!p0 s3, s7;
	s7 =	simm.s32 @!p0 $0x108  }
0x21: {  	s3 =	sadd.s32 s3, s9;
	s6 =	sadd.s32 @!p0 $0x88, s6;
	s7 =	simm.s32 @p2 $0x1082  }
0x22: {  	[simem:s7], [sflag:s8] =	dma.local @!p0 [hbm:s6], $0xF7A  }
0x23: {  	s9 =	sor.u32 $0xD0000000, s2;
	s6 =	simm.s32 $0x108;
	_ =	swait.ge @!p0 [sflag:s8], $0x0  }
0x24: {  	s3 =	sadd.s32 $0x88, s3;
	s6 =	simm.s32 @!p1 $0x1082;
	[sflag:s4] =	ssyncset.s32 $0xFFFFF086  }
0x25: {  	[simem:s6], [sflag:s4] =	dma.local [hbm:s3], $0xF7A  }
0x26: {  	[smem:$0x3FA0] =	sst s1;
	(tag) =	ssettag s2;
	_ =	strace s9  }
0x27: {  	s1 =	sld [smem:$0x3FB0]  }
0x28: {  	s2 =	sld [smem:$0x3FB1]  }
0x29: {  	s4 =	sld [smem:$0x3FB3]  }
0x2a: {  	p0 =	seq.s32 s5, $0x0;
	s5 =	sld [smem:$0x3FB4]  }
0x2b: {  	s6 =	sld [smem:$0x3FB5]  }
0x2c: {  	s7 =	sld [smem:$0x3FB6]  }
0x2d: {  	s3 =	simm.s32 $0x108;
	s8 =	sld [smem:$0x3FB7]  }
0x2e: {  	s3 =	simm.s32 @!p0 $0x1082;
	s9 =	sld [smem:$0x3FB8]  }
0x2f: {  	lr =	sadd.s32 s0, s3;
	s0 =	sld [smem:$0x3FAF]  }
0x30: {  	s3 =	sld [smem:$0x3FB2]  }
0x31: {  	[smem:$0x3FBB] =	sst s10  }
0x32: {  	s10 =	sld [smem:$0x3FB9];
	_ =	sdelay $0x3  }
0x33: {  	p0 =	seq.s32 s10, $0x1;
	s10 =	sld [smem:$0x3FBB];
	_ =	sdelay $0x3  }
0x34: {  	[smem:$0x3FBB] =	sst s10  }
0x35: {  	s10 =	sld [smem:$0x3FBA];
	_ =	sdelay $0x3  }
0x36: {  	p1 =	seq.s32 s10, $0x1;
	s10 =	sld [smem:$0x3FBB];
	_ =	sdelay $0x3  }
0x37: {  	[smem:$0x3FBB] =	sst s10  }
0x38: {  	s10 =	sld [smem:$0x3FBC]  }
0x39: {  	_ = 	snop;
	(pc) =	sbr.ind lr, $3  }
0x3a: {  	_ = 	snop  }
0x3b: {  	_ = 	snop  }
0x3c: {  	p2 =	seq.s32 s10, $0x1;
	s10 =	sld [smem:$0x3FBB]  }
0x3d: {  	_ =	shalt  }
0x3e: {  	_ =	shalt  }
0x3f: {  	_ =	shalt  }
0x40: {  	_ =	shalt  }
0x41: {  	_ =	shalt  }
0x42: {  	_ =	shalt  }
0x43: {  	_ =	shalt  }
0x44: {  	_ =	shalt  }
0x45: {  	_ =	shalt  }
0x46: {  	_ =	shalt  }
0x47: {  	_ =	shalt  }
0x48: {  	_ =	shalt  }
0x49: {  	_ =	shalt  }
0x4a: {  	_ =	shalt  }
0x4b: {  	_ =	shalt  }
0x4c: {  	_ =	shalt  }
0x4d: {  	_ =	shalt  }
0x4e: {  	_ =	shalt  }
0x4f: {  	_ =	shalt  }
0x50: {  	_ =	shalt  }
0x51: {  	_ =	shalt  }
0x52: {  	_ =	shalt  }
0x53: {  	_ =	shalt  }
0x54: {  	_ =	shalt  }
0x55: {  	_ =	shalt  }
0x56: {  	_ =	shalt  }
0x57: {  	_ =	shalt  }
0x58: {  	_ =	shalt  }
0x59: {  	_ =	shalt  }
0x5a: {  	_ =	shalt  }
0x5b: {  	_ =	shalt  }
0x5c: {  	_ =	shalt  }
0x5d: {  	_ =	shalt  }
0x5e: {  	_ =	shalt  }
0x5f: {  	_ =	shalt  }
0x60: {  	_ =	shalt  }
0x61: {  	_ =	shalt  }
0x62: {  	_ =	shalt  }
0x63: {  	_ =	shalt  }
0x64: {  	_ =	shalt  }
0x65: {  	_ =	shalt  }
0x66: {  	_ =	shalt  }
0x67: {  	_ =	shalt  }
0x68: {  	_ =	shalt  }
0x69: {  	_ =	shalt  }
0x6a: {  	_ =	shalt  }
0x6b: {  	_ =	shalt  }
0x6c: {  	_ =	shalt  }
0x6d: {  	_ =	shalt  }
0x6e: {  	_ =	shalt  }
0x6f: {  	_ =	shalt  }
0x70: {  	_ =	shalt  }
0x71: {  	_ =	shalt  }
0x72: {  	_ =	shalt  }
0x73: {  	_ =	shalt  }
0x74: {  	_ =	shalt  }
0x75: {  	_ =	shalt  }
0x76: {  	_ =	shalt  }
0x77: {  	_ =	shalt  }
0x78: {  	_ =	shalt  }
0x79: {  	_ =	shalt  }
0x7a: {  	_ =	shalt  }
0x7b: {  	_ =	shalt  }
0x7c: {  	_ =	shalt  }
0x7d: {  	_ =	shalt  }
0x7e: {  	_ =	shalt  }
0x7f: {  	_ =	shalt  }
0x80: {  	_ =	shalt  }
0x81: {  	_ =	shalt  }
0x82: {  	_ =	shalt  }
0x83: {  	_ =	shalt  }
0x84: {  	_ =	shalt  }
0x85: {  	_ =	shalt  }
0x86: {  	_ =	shalt  }
0x87: {  	_ =	shalt  }
.Lfunc_end0:
.L_simem_size_0:
called_computation.1_lowered:
.L_overlay_start_0:
0x88: {  	s2 =	sld [smem:$0x3FD9]  }
0x89: {  	s3 =	sld [smem:$0x3FFE];
	_ =	sdelay $0x1  }
0x8a: {  	s1 =	srdreg.scid  }
0x8b: {  	s0 =	sand.u32 $0x1, s1  }
0x8c: {  	s17 =	sshll.u32 s0, $0xA;
	s2 =	sadd.s32 s3, s2  }
0x8d: {  	s2 =	sadd.s32 s2, s17  }
0x8e: {  	[smem:$0x3FC7] =	sst s2  }
0x8f: {  	_ = 	snop  }
0x90: {  	s2 =	sld [smem:$0x3FD0];
	(tm) =	ssettm $0x1  }
0x91: {  	s18 =	sld [smem:$0x3FFB];
	_ =	sdelay $0x3  }
0x92: {  	_ =	strace s18  }
0x93: {  	s3 =	sld [smem:$0x3FFC];
	_ =	sdelay $0x3  }
0x94: {  	_ =	strace s3  }
0x95: {  	s3 =	sld [smem:$0x3FFD];
	_ =	sdelay $0x3  }
0x96: {  	_ =	strace s3  }
0x97: {  	_ =	strace $0x8FFFFFFF  }
0x98: {  	s19 =	sld [smem:$0x3FDB];
	_ =	sdelay $0x1  }
0x99: {  	s4 =	simm.s32 $_scs_section_size  }
0x9a: {  	s5 =	simm.s32 $_size__tile_overlayer_lowered;
	s6 =	simm.s32 $_tile_overlayer_lowered  }
0x9b: {  	s22 =	simm.s32 $0x1BFF;
	s21 =	sshll.u32 s6, $0x1;
	s3 =	sadd.s32 s4, s19  }
0x9c: {  	s7 =	simm.s32 $0x0;
	s20 =	sshll.u32 s5, $0x1;
	s5 =	sadd.s32 s21, s3  }
0x9d: {  	[timem:s7], [sflag:s22] =	dma.local [hbm:s5], s20  }
0x9e: {  	_ =	swait.ge [sflag:s22], s20  }
0x9f: {  	s4 =	ssub.s32 $0x0, s20;
	[sflag:s22] =	ssyncset.done $0x0  }
0xa0: {  	[sflag:s22] =	ssyncadd.s32 s4;
	_ =	sdelay $0x1  }
0xa1: {  	s23 =	simm.s32 $0x1B8B  }
0xa2: {  	_ =	swait.ge [sflag:s23], $0x1  }
0xa3: {  	[sflag:s23] =	ssyncset.done $0x0  }
0xa4: {  	s25 =	simm.s32 $0x1B8E;
	s24 =	sld [smem:$0x3FFE];
	[sflag:s23] =	ssyncadd.s32 $0xFFFFFFFF  }
0xa5: {  	s26 =	simm.s32 $execute0_lowered;
	[smem:$0x3FD2] =	sst s25  }
0xa6: {  	s5 =	sshll.u32 s26, $0x1;
	_ =	strace $0x80000049;
	[dreg:$0x1] =	wrdreg $0xFFFFFFFF  }
0xa7: {  	s28 =	simm.s32 $_size_execute0_lowered;
	s3 =	sadd.s32 s3, s5;
	[dreg:$0x0] =	wrdreg $0x0  }
0xa8: {  	s5 =	sshll.u32 s28, $0x1;
	[dreg:$0x2] =	wrdreg s3  }
0xa9: {  	[dreg:$0x3] =	wrdreg s5  }
0xaa: {  	[dreg:$0x4] =	wrdreg $0xC0  }
0xab: {  	_ =	task [dreg:s7], $0x5FFFF  }
0xac: {  	[dreg:$0x1] =	wrdreg $0xFFFFFFFF  }
0xad: {  	[dreg:$0x0] =	wrdreg $0x60  }
0xae: {  	[dreg:$0x2] =	wrdreg s24  }
0xaf: {  	[dreg:$0x3] =	wrdreg s2  }
0xb0: {  	[dreg:$0x4] =	wrdreg $0x9  }
0xb1: {  	_ =	task.clear_ibuf [dreg:s7], $0x5FFFF;
	_ =	strace $0x90000049  }
0xb2: {  	s29 =	simm.s32 $0x9;
	_ =	strace $0x8000004B  }
0xb3: {  	_ =	swait.ge [sflag:s29], $0x1  }
0xb4: {  	[sflag:s29] =	ssyncadd.s32 $0xFFFFFFFF  }
0xb5: {  	_ =	strace $0x9000004B  }
0xb6: {  	_ =	sfence  }
0xb7: {  	s30 =	sld [smem:$0x0];
	_ =	sdelay $0x2  }
0xb8: {  	s31 =	sshll.u32 s1, $0xD;
	s1 =	sshrl.u32 s1, $0x2  }
0xb9: {  	s3 =	sand.u32 $0x4000, s31;
	s1 =	sadd.s32 s1, s30  }
0xba: {  	s0 =	sor.u32 s3, s0;
	s1 =	sshll.u32 s1, $0x11  }
0xbb: {  	s0 =	sor.u32 s1, s0  }
0xbc: {  	s0 =	sadd.s32 $0x8F2B, s0  }
0xbd: {  	[sflag:s0] =	ssyncadd.remote.s32 $0x1  }
0xbe: {  	_ =	sfence.sel $0xFFFF  }
0xbf: {  	[dreg:$0x0] =	wrdreg $0xFFFFFFFF;
	(pc) =	sbr.abs _section_cstart, $3  }
0xc0: {  	[dreg:$0x1] =	wrdreg $0xFFFFFFFF  }
0xc1: {  	_ =	task.clear_ibuf [dreg:s7], $0x2FFFF;
	_ =	strace $0x9FFFFFFF  }
0xc2: {  	(tm) =	ssettm $0x7FFFFFFF  }
0xc3: {  	_ =	shalt  }
tec
execute0_lowered:
.L_overlay_start_1:
0x0: {  	(tag) =	ssettag $0x1  }
0x1: {  	s0 =	rddreg [dreg:$0x0]  }
0x2: {  	s7 =	rddreg [dreg:$0x1];
	s2 =	simm.s32 $0x0;
	s3 =	srdreg.scid  }
0x3: {  	s1 =	stileid.u32;
	[smem:$0x7FF] =	sst s2;
	s13 =	sand.u32 $0x1, s3  }
0x4: {  	s16 =	smul.u32 $0x1C000, s1;
	s0 =	sadd.s32 $0x400, s0;
	s22 =	sshll.u32 s1, $0x13  }
0x5: {  	_ =	strace $0x8000004A;
	s3 =	smul.u32 $0x1C00, s13;
	s8 =	sor.u32 $0x2, s13  }
0x6: {  	s4 =	ssub.s32 $0x2, s13;
	s9 =	sor.u32 $0x4, s13;
	s10 =	sor.u32 $0x6, s13  }
0x7: {  	s21 =	sshll.u32 s13, $0xB;
	s14 =	sor.u32 $0x8, s13;
	s5 =	smul.u32 $0x1C00, s8  }
0x8: {  	s24 =	sor.u32 $0xA, s13;
	s28 =	sor.u32 $0xE, s13;
	s6 =	smul.u32 $0x1C00, s9  }
0x9: {  	s11 =	sshrl.u32 s4, $0x1;
	s12 =	smul.u32 $0x1C00, s10;
	s8 =	sshll.u32 s8, $0xB  }
0xa: {  	s15 =	smul.u32 $0x1C00, s14;
	s9 =	sshll.u32 s9, $0xB;
	s10 =	sshll.u32 s10, $0xB  }
0xb: {  	s25 =	smul.u32 $0x1C00, s24;
	s14 =	sshll.u32 s14, $0xB;
	s3 =	sor.u32 s3, s16  }
0xc: {  	s19 =	ssub.s32 s4, s11;
	s11 =	sadd.s32 s7, s21;
	s3 =	sshrl.u32 s3, $0x3  }
0xd: {  	s17 =	sadd.s32 s16, s5;
	s18 =	sadd.s32 s16, s6;
	s20 =	sadd.s32 s16, s12  }
0xe: {  	s23 =	sadd.s32 s16, s15;
	s15 =	sshll.u32 s24, $0xB;
	s19 =	smax.u32 s19, $0x1  }
0xf: {  	s24 =	simm.s32 $0x2;
	s3 =	sadd.s32 s0, s3;
	s4 =	sshrl.u32 s17, $0x3  }
0x10: {  	s5 =	sshrl.u32 s18, $0x3;
	s6 =	sshrl.u32 s20, $0x3;
	s18 =	sadd.s32 s7, s22  }
0x11: {  	s7 =	sadd.s32 s22, s11;
	s11 =	sshrl.u32 s23, $0x3;
	s17 =	sor.u32 $0xC, s13  }
0x12: {  	s20 =	sadd.s32 s16, s25;
	s22 =	smul.u32 $0x1C00, s28;
	s23 =	simm.s32 $0x1  }
0x13: {  	s25 =	simm.s32 $0x0;
	[dreg:$0x3] =	wrdreg s3;
	s4 =	sadd.s32 s0, s4  }
0x14: {  	s5 =	sadd.s32 s0, s5;
	s6 =	sadd.s32 s0, s6;
	s8 =	sadd.s32 s8, s18  }
0x15: {  	s9 =	sadd.s32 s9, s18;
	s10 =	sadd.s32 s10, s18;
	s11 =	sadd.s32 s0, s11  }
0x16: {  	s21 =	smul.u32 $0x1C00, s17;
	s12 =	sadd.s32 s14, s18;
	s26 =	sshrl.u32 s20, $0x3  }
0x17: {  	s14 =	sadd.s32 s15, s18;
	s17 =	sshll.u32 s17, $0xB;
	s20 =	sshll.u32 s28, $0xB  }
0x18: {  	s13 =	sadd.s32 s0, s26;
	s30 =	sadd.s32 s16, s22;
	s22 =	simm.s32 $0x5400  }
0x19: {  	s21 =	sadd.s32 s16, s21;
	s16 =	sadd.s32 s17, s18;
	s31 =	sshrl.u32 s30, $0x3  }
0x1a: {  	s18 =	sadd.s32 s20, s18;
	s20 =	simm.s32 $0x1C00;
	s29 =	sshrl.u32 s21, $0x3  }
0x1b: {  	s17 =	sadd.s32 s0, s31;
	s21 =	simm.s32 $0x3800;
	s15 =	sadd.s32 s0, s29  }
.LBB2_1:
0x1c: {  	s0 =	rddreg [dreg:$0x3]  }
0x1d: {  	[tilespmem:s2], [sflag:$0x1] =	stream.linear.gather [hbm4b:s0+s2], $0x1C00, $0x38;
	[tilespmem:$0x7000] =	vst v63  }
0x1e: {  	_ = 	snop  }
0x1f: {  	[tilespmem:s20], [sflag:$0x1] =	stream.linear.gather [hbm4b:s4+s2], $0x1C00, $0x38;
	[tilespmem:$0x7000] =	vst v63  }
0x20: {  	_ = 	snop  }
0x21: {  	[tilespmem:s21], [sflag:$0x1] =	stream.linear.gather [hbm4b:s5+s2], $0x1C00, $0x38;
	[tilespmem:$0x7000] =	vst v63  }
0x22: {  	_ = 	snop  }
0x23: {  	[tilespmem:s22], [sflag:$0x1] =	stream.linear.gather [hbm4b:s6+s2], $0x1C00, $0x38;
	[tilespmem:$0x7000] =	vst v63  }
0x24: {  	_ =	swait.ge [sflag:s23], $0x1C00  }
0x25: {  	[sflag:s23] =	ssyncset.done $0x0  }
0x26: {  	s26 =	simm.s32 $0x0;
	[sflag:s23] =	ssyncadd.s32 $0xFFFFE400  }
.LBB2_2:
0x27: {  	s0 =	sshll.u32 s26, $0x7  }
0x28: {  	s0 =	smax.u32 s0, $0x80  }
0x29: {  	s0 =	smin.u32 s0, $0x680  }
0x2a: {  	s0 =	sadd.s32 $0xFFFFFF80, s0  }
0x2b: {  	s29 =	sshll.u32 s26, $0xF;
	s31 =	sshll.u32 s26, $0xA;
	s30 =	sshll.u32 s0, $0x3  }
0x2c: {  	s29 =	sadd.s32 s29, s7;
	s28 =	sshrl.u32 s0, $0x7;
	s30 =	ssub.s32 s30, s31  }
0x2d: {  	s0 =	sadd.s32 s0, s29;
	s31 =	sadd.s32 $0xC00, s30;
	s30 =	simm.s32 $0x0  }
0x2e: {  	[hbm4b:s0+s30] =	stream.linear.scatter [tilespmem:s31], [sflag:$0x2], $0x1000, $0x38;
	[tilespmem:$0x7000] =	vst v63  }
0x2f: {  	p0 =	sgt.u32 s28, $0x0;
	s0 =	simm.s32 $0x1000  }
0x30: {  	s0 =	smov.u32 @p0 s30  }
0x31: {  	s31 =	simm.s32 $0x0;
	s0 =	sshrl.u32 s0, $0x3  }
0x32: {  	s31 =	simm.s32 @!p0 $0x1800;
	s0 =	sadd.s32 s29, s0  }
0x33: {  	[hbm4b:s0+s2] =	stream.linear.scatter [tilespmem:s31], [sflag:$0x2], $0x400, $0x38;
	[tilespmem:$0x7000] =	vst v63  }
0x34: {  	s31 =	simm.s32 $0x1  }
.LBB2_3:
0x35: {  	p0 =	slt.u32 s31, s28;
	s30 =	sadd.s32 $0x400, s30;
	p1 =	sne.s32 s31, $0xB  }
.Ltmp0:
0x36: {  	s31 =	sadd.s32 $0x1, s31;
	s0 =	sadd.s32 $0x1000, s30;
	(pc) =	sbr.rel @p1 .LBB2_3-.Ltmp0, $4  }
0x37: {  	s0 =	smov.u32 @p0 s30  }
0x38: {  	s1 =	simm.s32 $0x0;
	s0 =	sshrl.u32 s0, $0x3  }
0x39: {  	s1 =	simm.s32 @!p0 $0x1800;
	s0 =	sadd.s32 s29, s0  }
0x3a: {  	[hbm4b:s0+s2] =	stream.linear.scatter [tilespmem:s1], [sflag:$0x2], $0x400, $0x38;
	[tilespmem:$0x7000] =	vst v63  }
0x3b: {  	s26 =	sadd.s32 $0x1, s26  }
0x3c: {  	p0 =	sne.s32 s26, $0x10  }
.Ltmp1:
0x3d: {  	_ = 	snop;
	(pc) =	sbr.rel @p0 .LBB2_2-.Ltmp1, $1  }
0x3e: {  	_ =	sdelay $0x3  }
0x3f: {  	_ =	swait.ge [sflag:s23], $0x1C00  }
0x40: {  	[sflag:s23] =	ssyncset.done $0x0  }
0x41: {  	s26 =	simm.s32 $0x0;
	s28 =	simm.s32 $0x0;
	[sflag:s23] =	ssyncadd.s32 $0xFFFFE400  }
.LBB2_6:
0x42: {  	s0 =	sshll.u32 s28, $0x7  }
0x43: {  	s0 =	smax.u32 s0, $0x80  }
0x44: {  	s0 =	smin.u32 s0, $0x680  }
0x45: {  	s0 =	sadd.s32 $0xFFFFFF80, s0  }
0x46: {  	s1 =	sshll.u32 s28, $0xF;
	s31 =	sshll.u32 s28, $0xA;
	s30 =	sshll.u32 s0, $0x3  }
0x47: {  	s29 =	sadd.s32 s1, s8;
	s3 =	ssub.s32 s30, s31  }
0x48: {  	s30 =	sshrl.u32 s0, $0x7;
	s0 =	sadd.s32 s0, s29;
	s1 =	sadd.s32 $0x2800, s3  }
0x49: {  	[hbm4b:s0+s26] =	stream.linear.scatter [tilespmem:s1], [sflag:$0x2], $0x1000, $0x38;
	[tilespmem:$0x7000] =	vst v63  }
0x4a: {  	p0 =	sgt.u32 s30, $0x0;
	s0 =	simm.s32 $0x1000  }
0x4b: {  	s0 =	smov.u32 @p0 s26  }
0x4c: {  	s1 =	simm.s32 $0x1C00;
	s0 =	sshrl.u32 s0, $0x3  }
0x4d: {  	s1 =	simm.s32 @!p0 $0x3400;
	s0 =	sadd.s32 s29, s0  }
0x4e: {  	[hbm4b:s0+s2] =	stream.linear.scatter [tilespmem:s1], [sflag:$0x2], $0x400, $0x38;
	[tilespmem:$0x7000] =	vst v63  }
0x4f: {  	s31 =	simm.s32 $0x1;
	s0 =	simm.s32 $0x0  }
.LBB2_7:
0x50: {  	p0 =	slt.u32 s31, s30;
	s0 =	sadd.s32 $0x400, s0;
	p1 =	sne.s32 s31, $0xB  }
.Ltmp2:
0x51: {  	s31 =	sadd.s32 $0x1, s31;
	s1 =	sadd.s32 $0x1000, s0;
	(pc) =	sbr.rel @p1 .LBB2_7-.Ltmp2, $4  }
0x52: {  	s1 =	smov.u32 @p0 s0  }
0x53: {  	s3 =	simm.s32 $0x1C00;
	s1 =	sshrl.u32 s1, $0x3  }
0x54: {  	s3 =	simm.s32 @!p0 $0x3400;
	s1 =	sadd.s32 s29, s1  }
0x55: {  	[hbm4b:s1+s2] =	stream.linear.scatter [tilespmem:s3], [sflag:$0x2], $0x400, $0x38;
	[tilespmem:$0x7000] =	vst v63  }
0x56: {  	s28 =	sadd.s32 $0x1, s28  }
0x57: {  	p0 =	sne.s32 s28, $0x10  }
.Ltmp3:
0x58: {  	_ = 	snop;
	(pc) =	sbr.rel @p0 .LBB2_6-.Ltmp3, $1  }
0x59: {  	_ =	sdelay $0x3  }
0x5a: {  	_ =	swait.ge [sflag:s23], $0x1C00  }
0x5b: {  	[sflag:s23] =	ssyncset.done $0x0  }
0x5c: {  	s26 =	simm.s32 $0x0;
	s28 =	simm.s32 $0x0;
	[sflag:s23] =	ssyncadd.s32 $0xFFFFE400  }
.LBB2_10:
0x5d: {  	s0 =	sshll.u32 s28, $0x7  }
0x5e: {  	s0 =	smax.u32 s0, $0x80  }
0x5f: {  	s0 =	smin.u32 s0, $0x680  }
0x60: {  	s0 =	sadd.s32 $0xFFFFFF80, s0  }
0x61: {  	s1 =	sshll.u32 s28, $0xF;
	s30 =	sshll.u32 s28, $0xA;
	s3 =	sshll.u32 s0, $0x3  }
0x62: {  	s29 =	sadd.s32 s1, s9;
	s3 =	ssub.s32 s3, s30  }
0x63: {  	s30 =	sshrl.u32 s0, $0x7;
	s0 =	sadd.s32 s0, s29;
	s1 =	sadd.s32 $0x4400, s3  }
0x64: {  	[hbm4b:s0+s26] =	stream.linear.scatter [tilespmem:s1], [sflag:$0x2], $0x1000, $0x38;
	[tilespmem:$0x7000] =	vst v63  }
0x65: {  	p0 =	sgt.u32 s30, $0x0;
	s0 =	simm.s32 $0x1000  }
0x66: {  	s0 =	smov.u32 @p0 s26  }
0x67: {  	s1 =	simm.s32 $0x3800;
	s0 =	sshrl.u32 s0, $0x3  }
0x68: {  	s1 =	simm.s32 @!p0 $0x5000;
	s0 =	sadd.s32 s29, s0  }
0x69: {  	[hbm4b:s0+s2] =	stream.linear.scatter [tilespmem:s1], [sflag:$0x2], $0x400, $0x38;
	[tilespmem:$0x7000] =	vst v63  }
0x6a: {  	s31 =	simm.s32 $0x1;
	s0 =	simm.s32 $0x0  }
.LBB2_11:
0x6b: {  	p0 =	slt.u32 s31, s30;
	s0 =	sadd.s32 $0x400, s0;
	p1 =	sne.s32 s31, $0xB  }
.Ltmp4:
0x6c: {  	s31 =	sadd.s32 $0x1, s31;
	s1 =	sadd.s32 $0x1000, s0;
	(pc) =	sbr.rel @p1 .LBB2_11-.Ltmp4, $4  }
0x6d: {  	s1 =	smov.u32 @p0 s0  }
0x6e: {  	s3 =	simm.s32 $0x3800;
	s1 =	sshrl.u32 s1, $0x3  }
0x6f: {  	s3 =	simm.s32 @!p0 $0x5000;
	s1 =	sadd.s32 s29, s1  }
0x70: {  	[hbm4b:s1+s2] =	stream.linear.scatter [tilespmem:s3], [sflag:$0x2], $0x400, $0x38;
	[tilespmem:$0x7000] =	vst v63  }
0x71: {  	s28 =	sadd.s32 $0x1, s28  }
0x72: {  	p0 =	sne.s32 s28, $0x10  }
.Ltmp5:
0x73: {  	_ = 	snop;
	(pc) =	sbr.rel @p0 .LBB2_10-.Ltmp5, $1  }
0x74: {  	_ =	sdelay $0x3  }
0x75: {  	_ =	swait.ge [sflag:s23], $0x1C00  }
0x76: {  	[sflag:s23] =	ssyncset.done $0x0  }
0x77: {  	s26 =	simm.s32 $0x0;
	s28 =	simm.s32 $0x0;
	[sflag:s23] =	ssyncadd.s32 $0xFFFFE400  }
.LBB2_14:
0x78: {  	s0 =	sshll.u32 s28, $0x7  }
0x79: {  	s0 =	smax.u32 s0, $0x80  }
0x7a: {  	s0 =	smin.u32 s0, $0x680  }
0x7b: {  	s0 =	sadd.s32 $0xFFFFFF80, s0  }
0x7c: {  	s1 =	sshll.u32 s28, $0xF;
	s30 =	sshll.u32 s28, $0xA;
	s3 =	sshll.u32 s0, $0x3  }
0x7d: {  	s29 =	sadd.s32 s1, s10;
	s3 =	ssub.s32 s3, s30  }
0x7e: {  	s30 =	sshrl.u32 s0, $0x7;
	s0 =	sadd.s32 s0, s29;
	s1 =	sadd.s32 $0x6000, s3  }
0x7f: {  	[hbm4b:s0+s26] =	stream.linear.scatter [tilespmem:s1], [sflag:$0x2], $0x1000, $0x38;
	[tilespmem:$0x7000] =	vst v63  }
0x80: {  	p0 =	sgt.u32 s30, $0x0;
	s0 =	simm.s32 $0x1000  }
0x81: {  	s0 =	smov.u32 @p0 s26  }
0x82: {  	s1 =	simm.s32 $0x5400;
	s0 =	sshrl.u32 s0, $0x3  }
0x83: {  	s1 =	simm.s32 @!p0 $0x6C00;
	s0 =	sadd.s32 s29, s0  }
0x84: {  	[hbm4b:s0+s2] =	stream.linear.scatter [tilespmem:s1], [sflag:$0x2], $0x400, $0x38;
	[tilespmem:$0x7000] =	vst v63  }
0x85: {  	s31 =	simm.s32 $0x1;
	s0 =	simm.s32 $0x0  }
.LBB2_15:
0x86: {  	p0 =	slt.u32 s31, s30;
	s0 =	sadd.s32 $0x400, s0;
	p1 =	sne.s32 s31, $0xB  }
.Ltmp6:
0x87: {  	s31 =	sadd.s32 $0x1, s31;
	s1 =	sadd.s32 $0x1000, s0;
	(pc) =	sbr.rel @p1 .LBB2_15-.Ltmp6, $4  }
0x88: {  	s1 =	smov.u32 @p0 s0  }
0x89: {  	s3 =	simm.s32 $0x5400;
	s1 =	sshrl.u32 s1, $0x3  }
0x8a: {  	s3 =	simm.s32 @!p0 $0x6C00;
	s1 =	sadd.s32 s29, s1  }
0x8b: {  	[hbm4b:s1+s2] =	stream.linear.scatter [tilespmem:s3], [sflag:$0x2], $0x400, $0x38;
	[tilespmem:$0x7000] =	vst v63  }
0x8c: {  	s28 =	sadd.s32 $0x1, s28  }
0x8d: {  	p0 =	sne.s32 s28, $0x10  }
.Ltmp7:
0x8e: {  	_ = 	snop;
	(pc) =	sbr.rel @p0 .LBB2_14-.Ltmp7, $1  }
0x8f: {  	_ =	sdelay $0x3  }
0x90: {  	_ =	swait.ge [sflag:s24], $0x1000  }
0x91: {  	s0 =	simm.s32 $0x3F;
	[sflag:s24] =	ssyncset.done $0x0  }
.LBB2_18:
0x92: {  	p0 =	sne.s32 s0, $0x1;
	s0 =	sadd.s32 $0xFFFFFFFF, s0;
	[sflag:s24] =	ssyncadd.s32 $0xFFFFF000  }
.Ltmp8:
0x93: {  	(pc) =	sbr.rel @p0 .LBB2_18-.Ltmp8, $3  }
0x94: {  	_ =	sdelay $0x1  }
0x95: {  	_ =	swait.ge [sflag:s24], $0x1000  }
0x96: {  	[sflag:s24] =	ssyncset.done $0x0  }
0x97: {  	[sflag:s24] =	ssyncadd.s32 $0xFFFFF000;
	s26 =	simm.s32 $0x0  }
0x98: {  	[tilespmem:s26], [sflag:$0x1] =	stream.linear.gather [hbm4b:s11+s26], $0x1C00, $0x38;
	[tilespmem:$0x7000] =	vst v63  }
0x99: {  	_ =	swait.ge [sflag:s23], $0x1C00  }
0x9a: {  	[sflag:s23] =	ssyncset.done $0x0  }
0x9b: {  	s28 =	simm.s32 $0x0;
	[sflag:s23] =	ssyncadd.s32 $0xFFFFE400  }
.LBB2_20:
0x9c: {  	s0 =	sshll.u32 s28, $0x7  }
0x9d: {  	s0 =	smax.u32 s0, $0x80  }
0x9e: {  	s0 =	smin.u32 s0, $0x680  }
0x9f: {  	s0 =	sadd.s32 $0xFFFFFF80, s0  }
0xa0: {  	s1 =	sshll.u32 s28, $0xF;
	s30 =	sshll.u32 s28, $0xA;
	s3 =	sshll.u32 s0, $0x3  }
0xa1: {  	s29 =	sadd.s32 s1, s12;
	s3 =	ssub.s32 s3, s30  }
0xa2: {  	s30 =	sshrl.u32 s0, $0x7;
	s0 =	sadd.s32 s0, s29;
	s1 =	sadd.s32 $0xC00, s3  }
0xa3: {  	[hbm4b:s0+s26] =	stream.linear.scatter [tilespmem:s1], [sflag:$0x2], $0x1000, $0x38;
	[tilespmem:$0x7000] =	vst v63  }
0xa4: {  	p0 =	sgt.u32 s30, $0x0;
	s0 =	simm.s32 $0x1000  }
0xa5: {  	s0 =	smov.u32 @p0 s26  }
0xa6: {  	s1 =	simm.s32 $0x0;
	s0 =	sshrl.u32 s0, $0x3  }
0xa7: {  	s1 =	simm.s32 @!p0 $0x1800;
	s0 =	sadd.s32 s29, s0  }
0xa8: {  	[hbm4b:s0+s2] =	stream.linear.scatter [tilespmem:s1], [sflag:$0x2], $0x400, $0x38;
	[tilespmem:$0x7000] =	vst v63  }
0xa9: {  	s31 =	simm.s32 $0x1;
	s0 =	simm.s32 $0x0  }
.LBB2_21:
0xaa: {  	p0 =	slt.u32 s31, s30;
	s0 =	sadd.s32 $0x400, s0;
	p1 =	sne.s32 s31, $0xB  }
.Ltmp9:
0xab: {  	s31 =	sadd.s32 $0x1, s31;
	s1 =	sadd.s32 $0x1000, s0;
	(pc) =	sbr.rel @p1 .LBB2_21-.Ltmp9, $4  }
0xac: {  	s1 =	smov.u32 @p0 s0  }
0xad: {  	s3 =	simm.s32 $0x0;
	s1 =	sshrl.u32 s1, $0x3  }
0xae: {  	s3 =	simm.s32 @!p0 $0x1800;
	s1 =	sadd.s32 s29, s1  }
0xaf: {  	[hbm4b:s1+s2] =	stream.linear.scatter [tilespmem:s3], [sflag:$0x2], $0x400, $0x38;
	[tilespmem:$0x7000] =	vst v63  }
0xb0: {  	s28 =	sadd.s32 $0x1, s28  }
0xb1: {  	p0 =	sne.s32 s28, $0x10  }
.Ltmp10:
0xb2: {  	_ = 	snop;
	(pc) =	sbr.rel @p0 .LBB2_20-.Ltmp10, $1  }
0xb3: {  	_ =	sdelay $0x3  }
0xb4: {  	_ =	swait.ge [sflag:s24], $0x1000  }
0xb5: {  	s0 =	simm.s32 $0x3F;
	[sflag:s24] =	ssyncset.done $0x0  }
.LBB2_24:
0xb6: {  	p0 =	sne.s32 s0, $0x1;
	s0 =	sadd.s32 $0xFFFFFFFF, s0;
	[sflag:s24] =	ssyncadd.s32 $0xFFFFF000  }
.Ltmp11:
0xb7: {  	(pc) =	sbr.rel @p0 .LBB2_24-.Ltmp11, $3  }
0xb8: {  	_ =	sdelay $0x1  }
0xb9: {  	_ =	swait.ge [sflag:s24], $0x1000  }
0xba: {  	[sflag:s24] =	ssyncset.done $0x0  }
0xbb: {  	[sflag:s24] =	ssyncadd.s32 $0xFFFFF000;
	s26 =	simm.s32 $0x0  }
0xbc: {  	[tilespmem:s20], [sflag:$0x1] =	stream.linear.gather [hbm4b:s13+s26], $0x1C00, $0x38;
	[tilespmem:$0x7000] =	vst v63  }
0xbd: {  	_ =	swait.ge [sflag:s23], $0x1C00  }
0xbe: {  	[sflag:s23] =	ssyncset.done $0x0  }
0xbf: {  	s28 =	simm.s32 $0x0;
	[sflag:s23] =	ssyncadd.s32 $0xFFFFE400  }
.LBB2_26:
0xc0: {  	s0 =	sshll.u32 s28, $0x7  }
0xc1: {  	s0 =	smax.u32 s0, $0x80  }
0xc2: {  	s0 =	smin.u32 s0, $0x680  }
0xc3: {  	s0 =	sadd.s32 $0xFFFFFF80, s0  }
0xc4: {  	s1 =	sshll.u32 s28, $0xF;
	s30 =	sshll.u32 s28, $0xA;
	s3 =	sshll.u32 s0, $0x3  }
0xc5: {  	s29 =	sadd.s32 s1, s14;
	s3 =	ssub.s32 s3, s30  }
0xc6: {  	s30 =	sshrl.u32 s0, $0x7;
	s0 =	sadd.s32 s0, s29;
	s1 =	sadd.s32 $0x2800, s3  }
0xc7: {  	[hbm4b:s0+s26] =	stream.linear.scatter [tilespmem:s1], [sflag:$0x2], $0x1000, $0x38;
	[tilespmem:$0x7000] =	vst v63  }
0xc8: {  	p0 =	sgt.u32 s30, $0x0;
	s0 =	simm.s32 $0x1000  }
0xc9: {  	s0 =	smov.u32 @p0 s26  }
0xca: {  	s1 =	simm.s32 $0x1C00;
	s0 =	sshrl.u32 s0, $0x3  }
0xcb: {  	s1 =	simm.s32 @!p0 $0x3400;
	s0 =	sadd.s32 s29, s0  }
0xcc: {  	[hbm4b:s0+s2] =	stream.linear.scatter [tilespmem:s1], [sflag:$0x2], $0x400, $0x38;
	[tilespmem:$0x7000] =	vst v63  }
0xcd: {  	s31 =	simm.s32 $0x1;
	s0 =	simm.s32 $0x0  }
.LBB2_27:
0xce: {  	p0 =	slt.u32 s31, s30;
	s0 =	sadd.s32 $0x400, s0;
	p1 =	sne.s32 s31, $0xB  }
.Ltmp12:
0xcf: {  	s31 =	sadd.s32 $0x1, s31;
	s1 =	sadd.s32 $0x1000, s0;
	(pc) =	sbr.rel @p1 .LBB2_27-.Ltmp12, $4  }
0xd0: {  	s1 =	smov.u32 @p0 s0  }
0xd1: {  	s3 =	simm.s32 $0x1C00;
	s1 =	sshrl.u32 s1, $0x3  }
0xd2: {  	s3 =	simm.s32 @!p0 $0x3400;
	s1 =	sadd.s32 s29, s1  }
0xd3: {  	[hbm4b:s1+s2] =	stream.linear.scatter [tilespmem:s3], [sflag:$0x2], $0x400, $0x38;
	[tilespmem:$0x7000] =	vst v63  }
0xd4: {  	s28 =	sadd.s32 $0x1, s28  }
0xd5: {  	p0 =	sne.s32 s28, $0x10  }
.Ltmp13:
0xd6: {  	_ = 	snop;
	(pc) =	sbr.rel @p0 .LBB2_26-.Ltmp13, $1  }
0xd7: {  	_ =	sdelay $0x3  }
0xd8: {  	_ =	swait.ge [sflag:s24], $0x1000  }
0xd9: {  	s0 =	simm.s32 $0x3F;
	[sflag:s24] =	ssyncset.done $0x0  }
.LBB2_30:
0xda: {  	p0 =	sne.s32 s0, $0x1;
	s0 =	sadd.s32 $0xFFFFFFFF, s0;
	[sflag:s24] =	ssyncadd.s32 $0xFFFFF000  }
.Ltmp14:
0xdb: {  	(pc) =	sbr.rel @p0 .LBB2_30-.Ltmp14, $3  }
0xdc: {  	_ =	sdelay $0x1  }
0xdd: {  	_ =	swait.ge [sflag:s24], $0x1000  }
0xde: {  	[sflag:s24] =	ssyncset.done $0x0  }
0xdf: {  	[sflag:s24] =	ssyncadd.s32 $0xFFFFF000;
	s26 =	simm.s32 $0x0  }
0xe0: {  	[tilespmem:s21], [sflag:$0x1] =	stream.linear.gather [hbm4b:s15+s26], $0x1C00, $0x38;
	[tilespmem:$0x7000] =	vst v63  }
0xe1: {  	_ =	swait.ge [sflag:s23], $0x1C00  }
0xe2: {  	[sflag:s23] =	ssyncset.done $0x0  }
0xe3: {  	s28 =	simm.s32 $0x0;
	[sflag:s23] =	ssyncadd.s32 $0xFFFFE400  }
.LBB2_32:
0xe4: {  	s0 =	sshll.u32 s28, $0x7  }
0xe5: {  	s0 =	smax.u32 s0, $0x80  }
0xe6: {  	s0 =	smin.u32 s0, $0x680  }
0xe7: {  	s0 =	sadd.s32 $0xFFFFFF80, s0  }
0xe8: {  	s1 =	sshll.u32 s28, $0xF;
	s30 =	sshll.u32 s28, $0xA;
	s3 =	sshll.u32 s0, $0x3  }
0xe9: {  	s29 =	sadd.s32 s1, s16;
	s3 =	ssub.s32 s3, s30  }
0xea: {  	s30 =	sshrl.u32 s0, $0x7;
	s0 =	sadd.s32 s0, s29;
	s1 =	sadd.s32 $0x4400, s3  }
0xeb: {  	[hbm4b:s0+s26] =	stream.linear.scatter [tilespmem:s1], [sflag:$0x2], $0x1000, $0x38;
	[tilespmem:$0x7000] =	vst v63  }
0xec: {  	p0 =	sgt.u32 s30, $0x0;
	s0 =	simm.s32 $0x1000  }
0xed: {  	s0 =	smov.u32 @p0 s26  }
0xee: {  	s1 =	simm.s32 $0x3800;
	s0 =	sshrl.u32 s0, $0x3  }
0xef: {  	s1 =	simm.s32 @!p0 $0x5000;
	s0 =	sadd.s32 s29, s0  }
0xf0: {  	[hbm4b:s0+s2] =	stream.linear.scatter [tilespmem:s1], [sflag:$0x2], $0x400, $0x38;
	[tilespmem:$0x7000] =	vst v63  }
0xf1: {  	s31 =	simm.s32 $0x1;
	s0 =	simm.s32 $0x0  }
.LBB2_33:
0xf2: {  	p0 =	slt.u32 s31, s30;
	s0 =	sadd.s32 $0x400, s0;
	p1 =	sne.s32 s31, $0xB  }
.Ltmp15:
0xf3: {  	s31 =	sadd.s32 $0x1, s31;
	s1 =	sadd.s32 $0x1000, s0;
	(pc) =	sbr.rel @p1 .LBB2_33-.Ltmp15, $4  }
0xf4: {  	s1 =	smov.u32 @p0 s0  }
0xf5: {  	s3 =	simm.s32 $0x3800;
	s1 =	sshrl.u32 s1, $0x3  }
0xf6: {  	s3 =	simm.s32 @!p0 $0x5000;
	s1 =	sadd.s32 s29, s1  }
0xf7: {  	[hbm4b:s1+s2] =	stream.linear.scatter [tilespmem:s3], [sflag:$0x2], $0x400, $0x38;
	[tilespmem:$0x7000] =	vst v63  }
0xf8: {  	s28 =	sadd.s32 $0x1, s28  }
0xf9: {  	p0 =	sne.s32 s28, $0x10  }
.Ltmp16:
0xfa: {  	_ = 	snop;
	(pc) =	sbr.rel @p0 .LBB2_32-.Ltmp16, $1  }
0xfb: {  	_ =	sdelay $0x3  }
0xfc: {  	_ =	swait.ge [sflag:s24], $0x1000  }
0xfd: {  	s0 =	simm.s32 $0x3F;
	[sflag:s24] =	ssyncset.done $0x0  }
.LBB2_36:
0xfe: {  	p0 =	sne.s32 s0, $0x1;
	s0 =	sadd.s32 $0xFFFFFFFF, s0;
	[sflag:s24] =	ssyncadd.s32 $0xFFFFF000  }
.Ltmp17:
0xff: {  	(pc) =	sbr.rel @p0 .LBB2_36-.Ltmp17, $3  }
0x100: {  	_ =	sdelay $0x1  }
0x101: {  	_ =	swait.ge [sflag:s24], $0x1000  }
0x102: {  	[sflag:s24] =	ssyncset.done $0x0  }
0x103: {  	[sflag:s24] =	ssyncadd.s32 $0xFFFFF000;
	s26 =	simm.s32 $0x0  }
0x104: {  	[tilespmem:s22], [sflag:$0x1] =	stream.linear.gather [hbm4b:s17+s26], $0x1C00, $0x38;
	[tilespmem:$0x7000] =	vst v63  }
0x105: {  	_ =	swait.ge [sflag:s23], $0x1C00  }
0x106: {  	[sflag:s23] =	ssyncset.done $0x0  }
0x107: {  	s28 =	simm.s32 $0x0;
	[sflag:s23] =	ssyncadd.s32 $0xFFFFE400  }
.LBB2_38:
0x108: {  	s0 =	sshll.u32 s28, $0x7  }
0x109: {  	s0 =	smax.u32 s0, $0x80  }
0x10a: {  	s0 =	smin.u32 s0, $0x680  }
0x10b: {  	s0 =	sadd.s32 $0xFFFFFF80, s0  }
0x10c: {  	s1 =	sshll.u32 s28, $0xF;
	s30 =	sshll.u32 s28, $0xA;
	s3 =	sshll.u32 s0, $0x3  }
0x10d: {  	s29 =	sadd.s32 s1, s18;
	s3 =	ssub.s32 s3, s30  }
0x10e: {  	s30 =	sshrl.u32 s0, $0x7;
	s0 =	sadd.s32 s0, s29;
	s1 =	sadd.s32 $0x6000, s3  }
0x10f: {  	[hbm4b:s0+s26] =	stream.linear.scatter [tilespmem:s1], [sflag:$0x2], $0x1000, $0x38;
	[tilespmem:$0x7000] =	vst v63  }
0x110: {  	p0 =	sgt.u32 s30, $0x0;
	s0 =	simm.s32 $0x1000  }
0x111: {  	s0 =	smov.u32 @p0 s26  }
0x112: {  	s1 =	simm.s32 $0x5400;
	s0 =	sshrl.u32 s0, $0x3  }
0x113: {  	s1 =	simm.s32 @!p0 $0x6C00;
	s0 =	sadd.s32 s29, s0  }
0x114: {  	[hbm4b:s0+s2] =	stream.linear.scatter [tilespmem:s1], [sflag:$0x2], $0x400, $0x38;
	[tilespmem:$0x7000] =	vst v63  }
0x115: {  	s31 =	simm.s32 $0x1;
	s0 =	simm.s32 $0x0  }
.LBB2_39:
0x116: {  	p0 =	slt.u32 s31, s30;
	s0 =	sadd.s32 $0x400, s0;
	p1 =	sne.s32 s31, $0xB  }
.Ltmp18:
0x117: {  	s31 =	sadd.s32 $0x1, s31;
	s1 =	sadd.s32 $0x1000, s0;
	(pc) =	sbr.rel @p1 .LBB2_39-.Ltmp18, $4  }
0x118: {  	s1 =	smov.u32 @p0 s0  }
0x119: {  	s3 =	simm.s32 $0x5400;
	s1 =	sshrl.u32 s1, $0x3  }
0x11a: {  	s3 =	simm.s32 @!p0 $0x6C00;
	s1 =	sadd.s32 s29, s1  }
0x11b: {  	[hbm4b:s1+s2] =	stream.linear.scatter [tilespmem:s3], [sflag:$0x2], $0x400, $0x38;
	[tilespmem:$0x7000] =	vst v63  }
0x11c: {  	s28 =	sadd.s32 $0x1, s28  }
0x11d: {  	p0 =	sne.s32 s28, $0x10  }
.Ltmp19:
0x11e: {  	_ = 	snop;
	(pc) =	sbr.rel @p0 .LBB2_38-.Ltmp19, $1  }
0x11f: {  	_ =	sdelay $0x3  }
0x120: {  	_ =	swait.ge [sflag:s24], $0x1000  }
0x121: {  	s0 =	simm.s32 $0xFF;
	[sflag:s24] =	ssyncset.done $0x0  }
.LBB2_42:
0x122: {  	p0 =	sne.s32 s0, $0x1;
	s0 =	sadd.s32 $0xFFFFFFFF, s0;
	[sflag:s24] =	ssyncadd.s32 $0xFFFFF000  }
.Ltmp20:
0x123: {  	(pc) =	sbr.rel @p0 .LBB2_42-.Ltmp20, $3  }
0x124: {  	_ =	sdelay $0x1  }
0x125: {  	_ =	swait.ge [sflag:s24], $0x1000  }
0x126: {  	[sflag:s24] =	ssyncset.done $0x0  }
0x127: {  	s25 =	sadd.s32 $0x1, s25  }
0x128: {  	p0 =	sne.s32 s25, s19  }
.Ltmp21:
0x129: {  	_ = 	snop;
	(pc) =	sbr.rel @p0 .LBB2_1-.Ltmp21, $2  }
0x12a: {  	_ =	sdelay $0x2  }
0x12b: {  	[sflag:s24] =	ssyncadd.s32 $0xFFFFF000  }
0x12c: {  	_ =	sfence.sel $0x180000  }
0x12d: {  	[bflag:$0x0] =	sbarrier.arrive $0xFFFF  }
0x12e: {  	_ =	strace $0x9000004A  }
0x12f: {  	s0 =	stileid.u32;
	[bflag:$0x2] =	sbarrier.arrive $0xFFFF  }
0x130: {  	p0 =	sne.s32 s0, $0x0;
	s0 =	rddreg [dreg:$0x2]  }
0x131: {  	s0 =	sadd.s32 @!p0 $0x100000, s0  }
0x132: {  	[sflag:s0] =	ssyncadd.tile.s32 @!p0 $0x1;
	_ =	shalt  }
.Lfunc_end2:
_tile_overlayer_lowered:
.L_overlay_start_2:
0x133: {  	(tag) =	ssettag $0x2  }
0x134: {  	s0 =	rddreg [dreg:$0x0];
	s2 =	stileid.u32  }
0x135: {  	s1 =	rddreg [dreg:$0x1];
	p0 =	sne.s32 s2, $0x0  }
0x136: {  	s3 =	rddreg [dreg:$0x2];
	[bflag:$0x3] =	sbarrier.arrive $0xFFFF;
	s2 =	simm.s32 @!p0 $0x1C03  }
0x137: {  	[timem:s3], [sflag:s2] =	dma.local @!p0 [hbm:s0], s1  }
0x138: {  	s0 =	simm.s32 @!p0 $0x3  }
0x139: {  	_ =	swait.ge @!p0 [sflag:s0], s1  }
0x13a: {  	s1 =	ssub.s32 @!p0 $0x0, s1;
	[sflag:s0] =	ssyncset.done @!p0 $0x0  }
0x13b: {  	[sflag:s0] =	ssyncadd.s32 @!p0 s1  }
0x13c: {  	[bflag:$0x3] =	sbarrier.arrive $0xFFFF  }
0x13d: {  	_ =	shalt  }

</sc_bundles>
